<compile_context>
chip_gen: v7x
topology: tpu7x:2x2x1
jax: 0.10.2.dev20260603
libtpu: 0.0.44.dev20260713+nightly
codegen_flags: <defaults>
</compile_context>

<pallas_src>
import functools

import jax
import jax.numpy as jnp
from jax import lax
from jax.experimental import pallas as pl
from jax.experimental.pallas import tpu as pltpu
from jax.experimental.pallas import tpu_sc as plsc

_NC = 2
_NS = 16
_NW = _NC * _NS
_LANES = 16
_NCHUNK = 4
_BB = 32


def _sc_gather(table_flat, ids_flat, base_row, n_rows, Hn, V, D):
    per_w = n_rows // _NW
    CH = 128
    n_iter = per_w // CH
    assert per_w % CH == 0 and n_rows % _NW == 0

    mesh = plsc.VectorSubcoreMesh(
        core_axis_name="c", subcore_axis_name="s",
        num_cores=_NC, num_subcores=_NS,
    )

    @functools.partial(
        pl.kernel,
        out_type=jax.ShapeDtypeStruct((n_rows, D), jnp.float32),
        mesh=mesh,
        scratch_types=[
            pltpu.VMEM((CH,), jnp.int32),
            pltpu.VMEM((CH, D), jnp.float32),
            pltpu.SemaphoreType.DMA,
        ],
    )
    def k(ids_hbm, table_hbm, out_hbm, idx_v, rows_v, sem):
        wid = lax.axis_index("s") * _NC + lax.axis_index("c")
        base = wid * per_w

        def body(i, carry):
            start = base + i * CH
            pltpu.sync_copy(ids_hbm.at[pl.ds(base_row + start, CH)], idx_v)

            def off_body(j, carry2):
                p = lax.iota(jnp.int32, 16) + (base_row + start + j * _LANES)
                h = lax.rem(p, Hn)
                sl = pl.ds(j * _LANES, _LANES)
                idx_v[sl] = idx_v[sl] + h * V
                return carry2

            lax.fori_loop(0, CH // _LANES, off_body, 0, unroll=True)
            pltpu.async_copy(table_hbm.at[idx_v], rows_v, sem).wait()
            pltpu.sync_copy(rows_v, out_hbm.at[pl.ds(start, CH)])
            return carry

        lax.fori_loop(0, n_iter, body, 0)

    return k(ids_flat, table_flat)


def _tc_post(gathered, strand_ids3, strand_table, pos_table, ln_gamma,
             ln_beta, out_prev, chunk, nchunk):
    Bc, Hn, D = gathered.shape
    B = Bc * nchunk
    grid = (Bc // _BB,)
    goff = chunk * (Bc // _BB)

    have_prev = out_prev is not None

    def body(g_ref, s_ref, st_ref, pt_ref, gm_ref, bt_ref, *rest):
        o_ref = rest[-1]
        x = g_ref[...].reshape(_BB, Hn, D)
        s = s_ref[0, 0, :].astype(jnp.float32)
        st = st_ref[...]
        semb = st[0][None, :] + s[:, None] * (st[1] - st[0])[None, :]
        x = x + pt_ref[...][None, :, :] + semb[:, None, :]
        mean = jnp.mean(x, axis=-1, keepdims=True)
        xc = x - mean
        var = jnp.mean(xc * xc, axis=-1, keepdims=True)
        y = xc * lax.rsqrt(var + 1e-5)
        o_ref[...] = y * gm_ref[...][None, None, :] + bt_ref[...][None, None, :]

    in_specs = [
        pl.BlockSpec((_BB * Hn, D), lambda i: (i, 0)),
        pl.BlockSpec((1, 1, _BB), lambda i: (i, 0, 0)),
        pl.BlockSpec((2, D), lambda i: (0, 0)),
        pl.BlockSpec((Hn, D), lambda i: (0, 0)),
        pl.BlockSpec((D,), lambda i: (0,)),
        pl.BlockSpec((D,), lambda i: (0,)),
    ]
    args = [gathered.reshape(Bc * Hn, D), strand_ids3, strand_table, pos_table,
            ln_gamma, ln_beta]
    if have_prev:
        in_specs.append(pl.BlockSpec(memory_space=pl.ANY))
        args.append(out_prev)
    return pl.pallas_call(
        body,
        grid=grid,
        in_specs=in_specs,
        out_specs=pl.BlockSpec((_BB, Hn, D), lambda i: (i + goff, 0, 0)),
        out_shape=jax.ShapeDtypeStruct((B, Hn, D), jnp.float32),
        input_output_aliases={6: 0} if have_prev else {},
    )(*args)


def kernel(cluster_ids, strand_ids, cluster_tables, strand_table, pos_table,
           ln_gamma, ln_beta):
    B, Hn = cluster_ids.shape
    _, V, D = cluster_tables.shape
    table_flat = cluster_tables.reshape(Hn * V, D)
    ids_flat = cluster_ids.reshape(B * Hn)
    Bc = B // _NCHUNK
    rows_c = Bc * Hn
    out = None
    for c in range(_NCHUNK):
        g = _sc_gather(table_flat, ids_flat, c * rows_c, rows_c, Hn, V, D)
        s3 = lax.dynamic_slice_in_dim(strand_ids, c * Bc, Bc).reshape(
            Bc // _BB, 1, _BB)
        out = _tc_post(g.reshape(Bc, Hn, D), s3, strand_table,
                       pos_table, ln_gamma, ln_beta, out, c, _NCHUNK)
    return out

# --- scband reference (transcript-rebuilt; emitter-appended) ---
"""Pipeline reference for scband-composite-haploblock-embedding-30133490549575 (READ-ONLY COPY).

The authoritative reference and input builder live on the scoring server;
editing this copy changes nothing except your own understanding.
"""

import jax, jax.numpy as jnp
import numpy as np

B = 4096
H = 100
V = 1000
D = 128


def setup_inputs(seed: int = 0) -> dict:
    key = jax.random.key(seed)
    k1, k2, k3, k4, k5 = jax.random.split(key, 5)
    cluster_ids = jax.random.randint(k1, (B, H), 0, V, dtype=jnp.int32)
    strand_ids = jax.random.randint(k2, (B,), 0, 2, dtype=jnp.int32)
    # per-haploblock cluster embedding tables, stacked: [H, V, D]
    cluster_tables = jax.random.normal(k3, (H, V, D), dtype=jnp.float32) * 0.02
    cluster_tables = cluster_tables.at[:, 0, :].set(0.0)  # padding_idx=0
    strand_table = jax.random.normal(k4, (2, D), dtype=jnp.float32) * 0.02
    pos_table = jax.random.normal(k5, (H, D), dtype=jnp.float32) * 0.02
    ln_gamma = jnp.ones((D,), dtype=jnp.float32)
    ln_beta = jnp.zeros((D,), dtype=jnp.float32)
    return {
        'cluster_ids': cluster_ids,
        'strand_ids': strand_ids,
        'cluster_tables': cluster_tables,
        'strand_table': strand_table,
        'pos_table': pos_table,
        'ln_gamma': ln_gamma,
        'ln_beta': ln_beta,
    }


def reference(cluster_ids, strand_ids, cluster_tables, strand_table, pos_table, ln_gamma, ln_beta):
    Hn = cluster_tables.shape[0]
    # gather per-haploblock cluster embedding: tables[h, cluster_ids[b,h]] -> [B, H, D]
    h_idx = jnp.arange(Hn, dtype=cluster_ids.dtype)[None, :]
    cluster_emb = cluster_tables[h_idx, cluster_ids]
    # position embedding (broadcast over batch)
    emb = cluster_emb + pos_table[None, :, :]
    # strand embedding: (B,) -> (B, 1, D) broadcast over haploblocks
    strand_emb = jnp.take(strand_table, strand_ids, axis=0)[:, None, :]
    emb = emb + strand_emb
    # LayerNorm over last dim (eps=1e-5, biased variance, like torch)
    mean = jnp.mean(emb, axis=-1, keepdims=True)
    var = jnp.var(emb, axis=-1, keepdims=True)
    out = (emb - mean) / jnp.sqrt(var + 1e-5) * ln_gamma + ln_beta
    # dropout p=0.0 -> identity
    return out

if __name__ == "__main__":
    import jax
    _d = setup_inputs()
    print(jax.jit(kernel)(*tuple(_d.values())))

</pallas_src>

<mosaic_0001>
#map = affine_map<(d0, d1) -> (0)>
#map1 = affine_map<(d0, d1) -> (0, 0)>
module attributes {stable_mosaic.version = 14 : i64} {
  func.func @k(%arg0: i32, %arg1: i32, %arg2: memref<409600xi32, #tpu.memory_space<hbm>>, %arg3: memref<100000x128xf32, #tpu.memory_space<hbm>>, %arg4: memref<102400x128xf32, #tpu.memory_space<hbm>>, %arg5: memref<128xi32, #tpu.memory_space<vmem>>, %arg6: memref<128x128xf32, #tpu.memory_space<vmem>>, %arg7: memref<!tpu.dma_semaphore, #tpu.memory_space<semaphore_mem>>) attributes {dimension_semantics = [#tpu.dimension_semantics<core_parallel>, #tpu.dimension_semantics<subcore_parallel>], iteration_bounds = array<i64: 2, 16>, scalar_prefetch = 0 : i64, scratch_operands = 3 : i64, tpu.core_type = #tpu.core_type<sc_vector_subcore>, window_params = [{transform_indices = #map}, {transform_indices = #map1}, {transform_indices = #map1}]} {
    %mul3A = arith.constant 2 : i32
    %mul3A_0 = arith.muli %arg1, %mul3A : i32
    %add3A = arith.addi %mul3A_0, %arg0 : i32
    %mul3A_1 = arith.constant 3200 : i32
    %mul3A_2 = arith.muli %add3A, %mul3A_1 : i32
    %scan3A = arith.constant 0 : i32
    %scan3A_3 = arith.constant 0 : i32
    %scan3A_4 = arith.constant 25 : i32
    %scan3A_5 = arith.addi %scan3A_3, %scan3A_4 : i32
    %scan3A_6 = arith.constant 1 : i32
    scf.for %scan3A_8 = %scan3A_3 to %scan3A_5 step %scan3A_6  : i32 {
      %mul3A_9 = arith.constant 128 : i32
      %mul3A_10 = arith.muli %scan3A_8, %mul3A_9 : i32
      %add3A_11 = arith.addi %mul3A_2, %mul3A_10 : i32
      %add3A_12 = arith.constant 102400 : i32
      %add3A_13 = arith.addi %add3A_12, %add3A_11 : i32
      "tpu.region"() ({
        %run_scoped3A = tpu.sem_alloc : memref<!tpu.dma_semaphore, #tpu.memory_space<semaphore_mem>>
        %dma_start3A_216 = tpu.memref_slice %arg2[%add3A_13] : memref<409600xi32, #tpu.memory_space<hbm>> -> memref<128xi32, #tpu.memory_space<hbm>>
        %dma_start3A_217 = tpu.memref_slice %arg2[%add3A_13] : memref<409600xi32, #tpu.memory_space<hbm>> -> memref<128xi32, #tpu.memory_space<hbm>>
        tpu.enqueue_dma source(%dma_start3A_217 : memref<128xi32, #tpu.memory_space<hbm>>) target(%arg5 : memref<128xi32, #tpu.memory_space<vmem>>) target_semaphore(%run_scoped3A : memref<!tpu.dma_semaphore, #tpu.memory_space<semaphore_mem>>)
        %dma_wait3A_218 = tpu.memref_slice %arg2[%add3A_13] : memref<409600xi32, #tpu.memory_space<hbm>> -> memref<128xi32, #tpu.memory_space<hbm>>
        %dma_wait3A_219 = tpu.memref_slice %arg2[%add3A_13] : memref<409600xi32, #tpu.memory_space<hbm>> -> memref<128xi32, #tpu.memory_space<hbm>>
        tpu.wait_dma2 semaphore(%run_scoped3A : memref<!tpu.dma_semaphore, #tpu.memory_space<semaphore_mem>>) src(%dma_wait3A_219 : memref<128xi32, #tpu.memory_space<hbm>>) dst(%arg5 : memref<128xi32, #tpu.memory_space<vmem>>)
        tpu.yield
      }) : () -> ()
      %scan3A_14 = arith.constant 0 : i32
      %scan3A_15 = arith.constant 0 : i32
      %iota3A = tpu.iota {dimensions = array<i32: 0>} : vector<16xi32>
      %add3A_16 = arith.constant 102400 : i32
      %add3A_17 = arith.addi %add3A_16, %add3A_11 : i32
      %mul3A_18 = arith.constant 16 : i32
      %mul3A_19 = arith.muli %scan3A_15, %mul3A_18 : i32
      %add3A_20 = arith.addi %add3A_17, %mul3A_19 : i32
      %add3A_21 = vector.broadcast %add3A_20 : i32 to vector<16xi32>
      %add3A_22 = arith.addi %iota3A, %add3A_21 : vector<16xi32>
      %rem3A = arith.constant 100 : i32
      %rem3A_23 = vector.broadcast %rem3A : i32 to vector<16xi32>
      %rem3A_24 = arith.remsi %add3A_22, %rem3A_23 : vector<16xi32>
      %mul3A_25 = arith.constant 16 : i32
      %mul3A_26 = arith.muli %scan3A_15, %mul3A_25 : i32
      %get3A = arith.index_cast %mul3A_26 : i32 to index
      %get3A_27 = tpu.vector_load %arg5[%get3A] {strides = array<i32>} : memref<128xi32, #tpu.memory_space<vmem>>, vector<16xi32>,
      %get3A_28 = vector.shape_cast %get3A_27 : vector<16xi32> to vector<16xi32>
      %mul3A_29 = arith.constant 1000 : i32
      %mul3A_30 = vector.broadcast %mul3A_29 : i32 to vector<16xi32>
      %mul3A_31 = arith.muli %rem3A_24, %mul3A_30 : vector<16xi32>
      %add3A_32 = arith.addi %get3A_28, %mul3A_31 : vector<16xi32>
      %swap3A = arith.index_cast %mul3A_26 : i32 to index
      %swap3A_33 = tpu.vector_load %arg5[%swap3A] {strides = array<i32>} : memref<128xi32, #tpu.memory_space<vmem>>, vector<16xi32>,
      %swap3A_34 = vector.shape_cast %swap3A_33 : vector<16xi32> to vector<16xi32>
      %swap3A_35 = vector.shape_cast %add3A_32 : vector<16xi32> to vector<16xi32>
      tpu.vector_store %arg5[%swap3A], %swap3A_35 {strides = array<i32>} : memref<128xi32, #tpu.memory_space<vmem>>, vector<16xi32>,
      %scan3A_36 = arith.constant 1 : i32
      %iota3A_37 = tpu.iota {dimensions = array<i32: 0>} : vector<16xi32>
      %add3A_38 = arith.constant 102400 : i32
      %add3A_39 = arith.addi %add3A_38, %add3A_11 : i32
      %mul3A_40 = arith.constant 16 : i32
      %mul3A_41 = arith.muli %scan3A_36, %mul3A_40 : i32
      %add3A_42 = arith.addi %add3A_39, %mul3A_41 : i32
      %add3A_43 = vector.broadcast %add3A_42 : i32 to vector<16xi32>
      %add3A_44 = arith.addi %iota3A_37, %add3A_43 : vector<16xi32>
      %rem3A_45 = arith.constant 100 : i32
      %rem3A_46 = vector.broadcast %rem3A_45 : i32 to vector<16xi32>
      %rem3A_47 = arith.remsi %add3A_44, %rem3A_46 : vector<16xi32>
      %mul3A_48 = arith.constant 16 : i32
      %mul3A_49 = arith.muli %scan3A_36, %mul3A_48 : i32
      %get3A_50 = arith.index_cast %mul3A_49 : i32 to index
      %get3A_51 = tpu.vector_load %arg5[%get3A_50] {strides = array<i32>} : memref<128xi32, #tpu.memory_space<vmem>>, vector<16xi32>,
      %get3A_52 = vector.shape_cast %get3A_51 : vector<16xi32> to vector<16xi32>
      %mul3A_53 = arith.constant 1000 : i32
      %mul3A_54 = vector.broadcast %mul3A_53 : i32 to vector<16xi32>
      %mul3A_55 = arith.muli %rem3A_47, %mul3A_54 : vector<16xi32>
      %add3A_56 = arith.addi %get3A_52, %mul3A_55 : vector<16xi32>
      %swap3A_57 = arith.index_cast %mul3A_49 : i32 to index
      %swap3A_58 = tpu.vector_load %arg5[%swap3A_57] {strides = array<i32>} : memref<128xi32, #tpu.memory_space<vmem>>, vector<16xi32>,
      %swap3A_59 = vector.shape_cast %swap3A_58 : vector<16xi32> to vector<16xi32>
      %swap3A_60 = vector.shape_cast %add3A_56 : vector<16xi32> to vector<16xi32>
      tpu.vector_store %arg5[%swap3A_57], %swap3A_60 {strides = array<i32>} : memref<128xi32, #tpu.memory_space<vmem>>, vector<16xi32>,
      %scan3A_61 = arith.constant 2 : i32
      %iota3A_62 = tpu.iota {dimensions = array<i32: 0>} : vector<16xi32>
      %add3A_63 = arith.constant 102400 : i32
      %add3A_64 = arith.addi %add3A_63, %add3A_11 : i32
      %mul3A_65 = arith.constant 16 : i32
      %mul3A_66 = arith.muli %scan3A_61, %mul3A_65 : i32
      %add3A_67 = arith.addi %add3A_64, %mul3A_66 : i32
      %add3A_68 = vector.broadcast %add3A_67 : i32 to vector<16xi32>
      %add3A_69 = arith.addi %iota3A_62, %add3A_68 : vector<16xi32>
      %rem3A_70 = arith.constant 100 : i32
      %rem3A_71 = vector.broadcast %rem3A_70 : i32 to vector<16xi32>
      %rem3A_72 = arith.remsi %add3A_69, %rem3A_71 : vector<16xi32>
      %mul3A_73 = arith.constant 16 : i32
      %mul3A_74 = arith.muli %scan3A_61, %mul3A_73 : i32
      %get3A_75 = arith.index_cast %mul3A_74 : i32 to index
      %get3A_76 = tpu.vector_load %arg5[%get3A_75] {strides = array<i32>} : memref<128xi32, #tpu.memory_space<vmem>>, vector<16xi32>,
      %get3A_77 = vector.shape_cast %get3A_76 : vector<16xi32> to vector<16xi32>
      %mul3A_78 = arith.constant 1000 : i32
      %mul3A_79 = vector.broadcast %mul3A_78 : i32 to vector<16xi32>
      %mul3A_80 = arith.muli %rem3A_72, %mul3A_79 : vector<16xi32>
      %add3A_81 = arith.addi %get3A_77, %mul3A_80 : vector<16xi32>
      %swap3A_82 = arith.index_cast %mul3A_74 : i32 to index
      %swap3A_83 = tpu.vector_load %arg5[%swap3A_82] {strides = array<i32>} : memref<128xi32, #tpu.memory_space<vmem>>, vector<16xi32>,
      %swap3A_84 = vector.shape_cast %swap3A_83 : vector<16xi32> to vector<16xi32>
      %swap3A_85 = vector.shape_cast %add3A_81 : vector<16xi32> to vector<16xi32>
      tpu.vector_store %arg5[%swap3A_82], %swap3A_85 {strides = array<i32>} : memref<128xi32, #tpu.memory_space<vmem>>, vector<16xi32>,
      %scan3A_86 = arith.constant 3 : i32
      %iota3A_87 = tpu.iota {dimensions = array<i32: 0>} : vector<16xi32>
      %add3A_88 = arith.constant 102400 : i32
      %add3A_89 = arith.addi %add3A_88, %add3A_11 : i32
      %mul3A_90 = arith.constant 16 : i32
      %mul3A_91 = arith.muli %scan3A_86, %mul3A_90 : i32
      %add3A_92 = arith.addi %add3A_89, %mul3A_91 : i32
      %add3A_93 = vector.broadcast %add3A_92 : i32 to vector<16xi32>
      %add3A_94 = arith.addi %iota3A_87, %add3A_93 : vector<16xi32>
      %rem3A_95 = arith.constant 100 : i32
      %rem3A_96 = vector.broadcast %rem3A_95 : i32 to vector<16xi32>
      %rem3A_97 = arith.remsi %add3A_94, %rem3A_96 : vector<16xi32>
      %mul3A_98 = arith.constant 16 : i32
      %mul3A_99 = arith.muli %scan3A_86, %mul3A_98 : i32
      %get3A_100 = arith.index_cast %mul3A_99 : i32 to index
      %get3A_101 = tpu.vector_load %arg5[%get3A_100] {strides = array<i32>} : memref<128xi32, #tpu.memory_space<vmem>>, vector<16xi32>,
      %get3A_102 = vector.shape_cast %get3A_101 : vector<16xi32> to vector<16xi32>
      %mul3A_103 = arith.constant 1000 : i32
      %mul3A_104 = vector.broadcast %mul3A_103 : i32 to vector<16xi32>
      %mul3A_105 = arith.muli %rem3A_97, %mul3A_104 : vector<16xi32>
      %add3A_106 = arith.addi %get3A_102, %mul3A_105 : vector<16xi32>
      %swap3A_107 = arith.index_cast %mul3A_99 : i32 to index
      %swap3A_108 = tpu.vector_load %arg5[%swap3A_107] {strides = array<i32>} : memref<128xi32, #tpu.memory_space<vmem>>, vector<16xi32>,
      %swap3A_109 = vector.shape_cast %swap3A_108 : vector<16xi32> to vector<16xi32>
      %swap3A_110 = vector.shape_cast %add3A_106 : vector<16xi32> to vector<16xi32>
      tpu.vector_store %arg5[%swap3A_107], %swap3A_110 {strides = array<i32>} : memref<128xi32, #tpu.memory_space<vmem>>, vector<16xi32>,
      %scan3A_111 = arith.constant 4 : i32
      %iota3A_112 = tpu.iota {dimensions = array<i32: 0>} : vector<16xi32>
      %add3A_113 = arith.constant 102400 : i32
      %add3A_114 = arith.addi %add3A_113, %add3A_11 : i32
      %mul3A_115 = arith.constant 16 : i32
      %mul3A_116 = arith.muli %scan3A_111, %mul3A_115 : i32
      %add3A_117 = arith.addi %add3A_114, %mul3A_116 : i32
      %add3A_118 = vector.broadcast %add3A_117 : i32 to vector<16xi32>
      %add3A_119 = arith.addi %iota3A_112, %add3A_118 : vector<16xi32>
      %rem3A_120 = arith.constant 100 : i32
      %rem3A_121 = vector.broadcast %rem3A_120 : i32 to vector<16xi32>
      %rem3A_122 = arith.remsi %add3A_119, %rem3A_121 : vector<16xi32>
      %mul3A_123 = arith.constant 16 : i32
      %mul3A_124 = arith.muli %scan3A_111, %mul3A_123 : i32
      %get3A_125 = arith.index_cast %mul3A_124 : i32 to index
      %get3A_126 = tpu.vector_load %arg5[%get3A_125] {strides = array<i32>} : memref<128xi32, #tpu.memory_space<vmem>>, vector<16xi32>,
      %get3A_127 = vector.shape_cast %get3A_126 : vector<16xi32> to vector<16xi32>
      %mul3A_128 = arith.constant 1000 : i32
      %mul3A_129 = vector.broadcast %mul3A_128 : i32 to vector<16xi32>
      %mul3A_130 = arith.muli %rem3A_122, %mul3A_129 : vector<16xi32>
      %add3A_131 = arith.addi %get3A_127, %mul3A_130 : vector<16xi32>
      %swap3A_132 = arith.index_cast %mul3A_124 : i32 to index
      %swap3A_133 = tpu.vector_load %arg5[%swap3A_132] {strides = array<i32>} : memref<128xi32, #tpu.memory_space<vmem>>, vector<16xi32>,
      %swap3A_134 = vector.shape_cast %swap3A_133 : vector<16xi32> to vector<16xi32>
      %swap3A_135 = vector.shape_cast %add3A_131 : vector<16xi32> to vector<16xi32>
      tpu.vector_store %arg5[%swap3A_132], %swap3A_135 {strides = array<i32>} : memref<128xi32, #tpu.memory_space<vmem>>, vector<16xi32>,
      %scan3A_136 = arith.constant 5 : i32
      %iota3A_137 = tpu.iota {dimensions = array<i32: 0>} : vector<16xi32>
      %add3A_138 = arith.constant 102400 : i32
      %add3A_139 = arith.addi %add3A_138, %add3A_11 : i32
      %mul3A_140 = arith.constant 16 : i32
      %mul3A_141 = arith.muli %scan3A_136, %mul3A_140 : i32
      %add3A_142 = arith.addi %add3A_139, %mul3A_141 : i32
      %add3A_143 = vector.broadcast %add3A_142 : i32 to vector<16xi32>
      %add3A_144 = arith.addi %iota3A_137, %add3A_143 : vector<16xi32>
      %rem3A_145 = arith.constant 100 : i32
      %rem3A_146 = vector.broadcast %rem3A_145 : i32 to vector<16xi32>
      %rem3A_147 = arith.remsi %add3A_144, %rem3A_146 : vector<16xi32>
      %mul3A_148 = arith.constant 16 : i32
      %mul3A_149 = arith.muli %scan3A_136, %mul3A_148 : i32
      %get3A_150 = arith.index_cast %mul3A_149 : i32 to index
      %get3A_151 = tpu.vector_load %arg5[%get3A_150] {strides = array<i32>} : memref<128xi32, #tpu.memory_space<vmem>>, vector<16xi32>,
      %get3A_152 = vector.shape_cast %get3A_151 : vector<16xi32> to vector<16xi32>
      %mul3A_153 = arith.constant 1000 : i32
      %mul3A_154 = vector.broadcast %mul3A_153 : i32 to vector<16xi32>
      %mul3A_155 = arith.muli %rem3A_147, %mul3A_154 : vector<16xi32>
      %add3A_156 = arith.addi %get3A_152, %mul3A_155 : vector<16xi32>
      %swap3A_157 = arith.index_cast %mul3A_149 : i32 to index
      %swap3A_158 = tpu.vector_load %arg5[%swap3A_157] {strides = array<i32>} : memref<128xi32, #tpu.memory_space<vmem>>, vector<16xi32>,
      %swap3A_159 = vector.shape_cast %swap3A_158 : vector<16xi32> to vector<16xi32>
      %swap3A_160 = vector.shape_cast %add3A_156 : vector<16xi32> to vector<16xi32>
      tpu.vector_store %arg5[%swap3A_157], %swap3A_160 {strides = array<i32>} : memref<128xi32, #tpu.memory_space<vmem>>, vector<16xi32>,
      %scan3A_161 = arith.constant 6 : i32
      %iota3A_162 = tpu.iota {dimensions = array<i32: 0>} : vector<16xi32>
      %add3A_163 = arith.constant 102400 : i32
      %add3A_164 = arith.addi %add3A_163, %add3A_11 : i32
      %mul3A_165 = arith.constant 16 : i32
      %mul3A_166 = arith.muli %scan3A_161, %mul3A_165 : i32
      %add3A_167 = arith.addi %add3A_164, %mul3A_166 : i32
      %add3A_168 = vector.broadcast %add3A_167 : i32 to vector<16xi32>
      %add3A_169 = arith.addi %iota3A_162, %add3A_168 : vector<16xi32>
      %rem3A_170 = arith.constant 100 : i32
      %rem3A_171 = vector.broadcast %rem3A_170 : i32 to vector<16xi32>
      %rem3A_172 = arith.remsi %add3A_169, %rem3A_171 : vector<16xi32>
      %mul3A_173 = arith.constant 16 : i32
      %mul3A_174 = arith.muli %scan3A_161, %mul3A_173 : i32
      %get3A_175 = arith.index_cast %mul3A_174 : i32 to index
      %get3A_176 = tpu.vector_load %arg5[%get3A_175] {strides = array<i32>} : memref<128xi32, #tpu.memory_space<vmem>>, vector<16xi32>,
      %get3A_177 = vector.shape_cast %get3A_176 : vector<16xi32> to vector<16xi32>
      %mul3A_178 = arith.constant 1000 : i32
      %mul3A_179 = vector.broadcast %mul3A_178 : i32 to vector<16xi32>
      %mul3A_180 = arith.muli %rem3A_172, %mul3A_179 : vector<16xi32>
      %add3A_181 = arith.addi %get3A_177, %mul3A_180 : vector<16xi32>
      %swap3A_182 = arith.index_cast %mul3A_174 : i32 to index
      %swap3A_183 = tpu.vector_load %arg5[%swap3A_182] {strides = array<i32>} : memref<128xi32, #tpu.memory_space<vmem>>, vector<16xi32>,
      %swap3A_184 = vector.shape_cast %swap3A_183 : vector<16xi32> to vector<16xi32>
      %swap3A_185 = vector.shape_cast %add3A_181 : vector<16xi32> to vector<16xi32>
      tpu.vector_store %arg5[%swap3A_182], %swap3A_185 {strides = array<i32>} : memref<128xi32, #tpu.memory_space<vmem>>, vector<16xi32>,
      %scan3A_186 = arith.constant 7 : i32
      %iota3A_187 = tpu.iota {dimensions = array<i32: 0>} : vector<16xi32>
      %add3A_188 = arith.constant 102400 : i32
      %add3A_189 = arith.addi %add3A_188, %add3A_11 : i32
      %mul3A_190 = arith.constant 16 : i32
      %mul3A_191 = arith.muli %scan3A_186, %mul3A_190 : i32
      %add3A_192 = arith.addi %add3A_189, %mul3A_191 : i32
      %add3A_193 = vector.broadcast %add3A_192 : i32 to vector<16xi32>
      %add3A_194 = arith.addi %iota3A_187, %add3A_193 : vector<16xi32>
      %rem3A_195 = arith.constant 100 : i32
      %rem3A_196 = vector.broadcast %rem3A_195 : i32 to vector<16xi32>
      %rem3A_197 = arith.remsi %add3A_194, %rem3A_196 : vector<16xi32>
      %mul3A_198 = arith.constant 16 : i32
      %mul3A_199 = arith.muli %scan3A_186, %mul3A_198 : i32
      %get3A_200 = arith.index_cast %mul3A_199 : i32 to index
      %get3A_201 = tpu.vector_load %arg5[%get3A_200] {strides = array<i32>} : memref<128xi32, #tpu.memory_space<vmem>>, vector<16xi32>,
      %get3A_202 = vector.shape_cast %get3A_201 : vector<16xi32> to vector<16xi32>
      %mul3A_203 = arith.constant 1000 : i32
      %mul3A_204 = vector.broadcast %mul3A_203 : i32 to vector<16xi32>
      %mul3A_205 = arith.muli %rem3A_197, %mul3A_204 : vector<16xi32>
      %add3A_206 = arith.addi %get3A_202, %mul3A_205 : vector<16xi32>
      %swap3A_207 = arith.index_cast %mul3A_199 : i32 to index
      %swap3A_208 = tpu.vector_load %arg5[%swap3A_207] {strides = array<i32>} : memref<128xi32, #tpu.memory_space<vmem>>, vector<16xi32>,
      %swap3A_209 = vector.shape_cast %swap3A_208 : vector<16xi32> to vector<16xi32>
      %swap3A_210 = vector.shape_cast %add3A_206 : vector<16xi32> to vector<16xi32>
      tpu.vector_store %arg5[%swap3A_207], %swap3A_210 {strides = array<i32>} : memref<128xi32, #tpu.memory_space<vmem>>, vector<16xi32>,
      %scan3A_211 = arith.constant 8 : i32
      %dma_start3A = arith.constant 0 : i32
      %dma_start3A_212 = arith.constant 0 : i32
      %dma_start3A_213 = tpu.memref_slice %arg3[%dma_start3A, %dma_start3A_212] : memref<100000x128xf32, #tpu.memory_space<hbm>> -> memref<100000x128xf32, #tpu.memory_space<hbm>>
      tpu.enqueue_indirect_dma source(%dma_start3A_213 : memref<100000x128xf32, #tpu.memory_space<hbm>>) target(%arg6 : memref<128x128xf32, #tpu.memory_space<vmem>>) offsets(%arg5 : memref<128xi32, #tpu.memory_space<vmem>>) semaphore(%arg7 : memref<!tpu.dma_semaphore, #tpu.memory_space<semaphore_mem>>)
      %dma_wait3A = arith.constant 0 : i32
      %dma_wait3A_214 = arith.constant 0 : i32
      %dma_wait3A_215 = tpu.memref_slice %arg3[%dma_wait3A, %dma_wait3A_214] : memref<100000x128xf32, #tpu.memory_space<hbm>> -> memref<100000x128xf32, #tpu.memory_space<hbm>>
      tpu.wait_indirect_dma semaphore(%arg7 : memref<!tpu.dma_semaphore, #tpu.memory_space<semaphore_mem>>) src(%dma_wait3A_215 : memref<100000x128xf32, #tpu.memory_space<hbm>>) dst(%arg6 : memref<128x128xf32, #tpu.memory_space<vmem>>)
      "tpu.region"() ({
        %run_scoped3A = tpu.sem_alloc : memref<!tpu.dma_semaphore, #tpu.memory_space<semaphore_mem>>
        %dma_start3A_216 = arith.constant 0 : i32
        %dma_start3A_217 = tpu.memref_slice %arg4[%add3A_11, %dma_start3A_216] : memref<102400x128xf32, #tpu.memory_space<hbm>> -> memref<128x128xf32, #tpu.memory_space<hbm>>
        %dma_start3A_218 = arith.constant 0 : i32
        %dma_start3A_219 = tpu.memref_slice %arg4[%add3A_11, %dma_start3A_218] : memref<102400x128xf32, #tpu.memory_space<hbm>> -> memref<128x128xf32, #tpu.memory_space<hbm>>
        tpu.enqueue_dma source(%arg6 : memref<128x128xf32, #tpu.memory_space<vmem>>) target(%dma_start3A_219 : memref<128x128xf32, #tpu.memory_space<hbm>>) target_semaphore(%run_scoped3A : memref<!tpu.dma_semaphore, #tpu.memory_space<semaphore_mem>>)
        %dma_wait3A_220 = arith.constant 0 : i32
        %dma_wait3A_221 = tpu.memref_slice %arg4[%add3A_11, %dma_wait3A_220] : memref<102400x128xf32, #tpu.memory_space<hbm>> -> memref<128x128xf32, #tpu.memory_space<hbm>>
        %dma_wait3A_222 = arith.constant 0 : i32
        %dma_wait3A_223 = tpu.memref_slice %arg4[%add3A_11, %dma_wait3A_222] : memref<102400x128xf32, #tpu.memory_space<hbm>> -> memref<128x128xf32, #tpu.memory_space<hbm>>
        tpu.wait_dma2 semaphore(%run_scoped3A : memref<!tpu.dma_semaphore, #tpu.memory_space<semaphore_mem>>) src(%arg6 : memref<128x128xf32, #tpu.memory_space<vmem>>) dst(%dma_wait3A_223 : memref<128x128xf32, #tpu.memory_space<hbm>>)
        tpu.yield
      }) : () -> ()
    }
    %scan3A_7 = arith.constant 25 : i32
    return
  }
}

#map = affine_map<(d0, d1) -> (0)>
#map1 = affine_map<(d0, d1) -> (0, 0)>
module attributes {stable_mosaic.version = 14 : i64} {
  func.func @k(%arg0: i32, %arg1: i32, %arg2: memref<409600xi32, #tpu.memory_space<hbm>>, %arg3: memref<100000x128xf32, #tpu.memory_space<hbm>>, %arg4: memref<102400x128xf32, #tpu.memory_space<hbm>>, %arg5: memref<128xi32, #tpu.memory_space<vmem>>, %arg6: memref<128x128xf32, #tpu.memory_space<vmem>>, %arg7: memref<!tpu.dma_semaphore, #tpu.memory_space<semaphore_mem>>) attributes {dimension_semantics = [#tpu.dimension_semantics<core_parallel>, #tpu.dimension_semantics<subcore_parallel>], iteration_bounds = array<i64: 2, 16>, scalar_prefetch = 0 : i64, scratch_operands = 3 : i64, tpu.core_type = #tpu.core_type<sc_vector_subcore>, window_params = [{transform_indices = #map}, {transform_indices = #map1}, {transform_indices = #map1}]} {
    %mul3A = arith.constant 2 : i32
    %mul3A_0 = arith.muli %arg1, %mul3A : i32
    %add3A = arith.addi %mul3A_0, %arg0 : i32
    %mul3A_1 = arith.constant 3200 : i32
    %mul3A_2 = arith.muli %add3A, %mul3A_1 : i32
    %scan3A = arith.constant 0 : i32
    %scan3A_3 = arith.constant 0 : i32
    %scan3A_4 = arith.constant 25 : i32
    %scan3A_5 = arith.addi %scan3A_3, %scan3A_4 : i32
    %scan3A_6 = arith.constant 1 : i32
    scf.for %scan3A_8 = %scan3A_3 to %scan3A_5 step %scan3A_6  : i32 {
      %mul3A_9 = arith.constant 128 : i32
      %mul3A_10 = arith.muli %scan3A_8, %mul3A_9 : i32
      %add3A_11 = arith.addi %mul3A_2, %mul3A_10 : i32
      %add3A_12 = arith.constant 204800 : i32
      %add3A_13 = arith.addi %add3A_12, %add3A_11 : i32
      "tpu.region"() ({
        %run_scoped3A = tpu.sem_alloc : memref<!tpu.dma_semaphore, #tpu.memory_space<semaphore_mem>>
        %dma_start3A_216 = tpu.memref_slice %arg2[%add3A_13] : memref<409600xi32, #tpu.memory_space<hbm>> -> memref<128xi32, #tpu.memory_space<hbm>>
        %dma_start3A_217 = tpu.memref_slice %arg2[%add3A_13] : memref<409600xi32, #tpu.memory_space<hbm>> -> memref<128xi32, #tpu.memory_space<hbm>>
        tpu.enqueue_dma source(%dma_start3A_217 : memref<128xi32, #tpu.memory_space<hbm>>) target(%arg5 : memref<128xi32, #tpu.memory_space<vmem>>) target_semaphore(%run_scoped3A : memref<!tpu.dma_semaphore, #tpu.memory_space<semaphore_mem>>)
        %dma_wait3A_218 = tpu.memref_slice %arg2[%add3A_13] : memref<409600xi32, #tpu.memory_space<hbm>> -> memref<128xi32, #tpu.memory_space<hbm>>
        %dma_wait3A_219 = tpu.memref_slice %arg2[%add3A_13] : memref<409600xi32, #tpu.memory_space<hbm>> -> memref<128xi32, #tpu.memory_space<hbm>>
        tpu.wait_dma2 semaphore(%run_scoped3A : memref<!tpu.dma_semaphore, #tpu.memory_space<semaphore_mem>>) src(%dma_wait3A_219 : memref<128xi32, #tpu.memory_space<hbm>>) dst(%arg5 : memref<128xi32, #tpu.memory_space<vmem>>)
        tpu.yield
      }) : () -> ()
      %scan3A_14 = arith.constant 0 : i32
      %scan3A_15 = arith.constant 0 : i32
      %iota3A = tpu.iota {dimensions = array<i32: 0>} : vector<16xi32>
      %add3A_16 = arith.constant 204800 : i32
      %add3A_17 = arith.addi %add3A_16, %add3A_11 : i32
      %mul3A_18 = arith.constant 16 : i32
      %mul3A_19 = arith.muli %scan3A_15, %mul3A_18 : i32
      %add3A_20 = arith.addi %add3A_17, %mul3A_19 : i32
      %add3A_21 = vector.broadcast %add3A_20 : i32 to vector<16xi32>
      %add3A_22 = arith.addi %iota3A, %add3A_21 : vector<16xi32>
      %rem3A = arith.constant 100 : i32
      %rem3A_23 = vector.broadcast %rem3A : i32 to vector<16xi32>
      %rem3A_24 = arith.remsi %add3A_22, %rem3A_23 : vector<16xi32>
      %mul3A_25 = arith.constant 16 : i32
      %mul3A_26 = arith.muli %scan3A_15, %mul3A_25 : i32
      %get3A = arith.index_cast %mul3A_26 : i32 to index
      %get3A_27 = tpu.vector_load %arg5[%get3A] {strides = array<i32>} : memref<128xi32, #tpu.memory_space<vmem>>, vector<16xi32>,
      %get3A_28 = vector.shape_cast %get3A_27 : vector<16xi32> to vector<16xi32>
      %mul3A_29 = arith.constant 1000 : i32
      %mul3A_30 = vector.broadcast %mul3A_29 : i32 to vector<16xi32>
      %mul3A_31 = arith.muli %rem3A_24, %mul3A_30 : vector<16xi32>
      %add3A_32 = arith.addi %get3A_28, %mul3A_31 : vector<16xi32>
      %swap3A = arith.index_cast %mul3A_26 : i32 to index
      %swap3A_33 = tpu.vector_load %arg5[%swap3A] {strides = array<i32>} : memref<128xi32, #tpu.memory_space<vmem>>, vector<16xi32>,
      %swap3A_34 = vector.shape_cast %swap3A_33 : vector<16xi32> to vector<16xi32>
      %swap3A_35 = vector.shape_cast %add3A_32 : vector<16xi32> to vector<16xi32>
      tpu.vector_store %arg5[%swap3A], %swap3A_35 {strides = array<i32>} : memref<128xi32, #tpu.memory_space<vmem>>, vector<16xi32>,
      %scan3A_36 = arith.constant 1 : i32
      %iota3A_37 = tpu.iota {dimensions = array<i32: 0>} : vector<16xi32>
      %add3A_38 = arith.constant 204800 : i32
      %add3A_39 = arith.addi %add3A_38, %add3A_11 : i32
      %mul3A_40 = arith.constant 16 : i32
      %mul3A_41 = arith.muli %scan3A_36, %mul3A_40 : i32
      %add3A_42 = arith.addi %add3A_39, %mul3A_41 : i32
      %add3A_43 = vector.broadcast %add3A_42 : i32 to vector<16xi32>
      %add3A_44 = arith.addi %iota3A_37, %add3A_43 : vector<16xi32>
      %rem3A_45 = arith.constant 100 : i32
      %rem3A_46 = vector.broadcast %rem3A_45 : i32 to vector<16xi32>
      %rem3A_47 = arith.remsi %add3A_44, %rem3A_46 : vector<16xi32>
      %mul3A_48 = arith.constant 16 : i32
      %mul3A_49 = arith.muli %scan3A_36, %mul3A_48 : i32
      %get3A_50 = arith.index_cast %mul3A_49 : i32 to index
      %get3A_51 = tpu.vector_load %arg5[%get3A_50] {strides = array<i32>} : memref<128xi32, #tpu.memory_space<vmem>>, vector<16xi32>,
      %get3A_52 = vector.shape_cast %get3A_51 : vector<16xi32> to vector<16xi32>
      %mul3A_53 = arith.constant 1000 : i32
      %mul3A_54 = vector.broadcast %mul3A_53 : i32 to vector<16xi32>
      %mul3A_55 = arith.muli %rem3A_47, %mul3A_54 : vector<16xi32>
      %add3A_56 = arith.addi %get3A_52, %mul3A_55 : vector<16xi32>
      %swap3A_57 = arith.index_cast %mul3A_49 : i32 to index
      %swap3A_58 = tpu.vector_load %arg5[%swap3A_57] {strides = array<i32>} : memref<128xi32, #tpu.memory_space<vmem>>, vector<16xi32>,
      %swap3A_59 = vector.shape_cast %swap3A_58 : vector<16xi32> to vector<16xi32>
      %swap3A_60 = vector.shape_cast %add3A_56 : vector<16xi32> to vector<16xi32>
      tpu.vector_store %arg5[%swap3A_57], %swap3A_60 {strides = array<i32>} : memref<128xi32, #tpu.memory_space<vmem>>, vector<16xi32>,
      %scan3A_61 = arith.constant 2 : i32
      %iota3A_62 = tpu.iota {dimensions = array<i32: 0>} : vector<16xi32>
      %add3A_63 = arith.constant 204800 : i32
      %add3A_64 = arith.addi %add3A_63, %add3A_11 : i32
      %mul3A_65 = arith.constant 16 : i32
      %mul3A_66 = arith.muli %scan3A_61, %mul3A_65 : i32
      %add3A_67 = arith.addi %add3A_64, %mul3A_66 : i32
      %add3A_68 = vector.broadcast %add3A_67 : i32 to vector<16xi32>
      %add3A_69 = arith.addi %iota3A_62, %add3A_68 : vector<16xi32>
      %rem3A_70 = arith.constant 100 : i32
      %rem3A_71 = vector.broadcast %rem3A_70 : i32 to vector<16xi32>
      %rem3A_72 = arith.remsi %add3A_69, %rem3A_71 : vector<16xi32>
      %mul3A_73 = arith.constant 16 : i32
      %mul3A_74 = arith.muli %scan3A_61, %mul3A_73 : i32
      %get3A_75 = arith.index_cast %mul3A_74 : i32 to index
      %get3A_76 = tpu.vector_load %arg5[%get3A_75] {strides = array<i32>} : memref<128xi32, #tpu.memory_space<vmem>>, vector<16xi32>,
      %get3A_77 = vector.shape_cast %get3A_76 : vector<16xi32> to vector<16xi32>
      %mul3A_78 = arith.constant 1000 : i32
      %mul3A_79 = vector.broadcast %mul3A_78 : i32 to vector<16xi32>
      %mul3A_80 = arith.muli %rem3A_72, %mul3A_79 : vector<16xi32>
      %add3A_81 = arith.addi %get3A_77, %mul3A_80 : vector<16xi32>
      %swap3A_82 = arith.index_cast %mul3A_74 : i32 to index
      %swap3A_83 = tpu.vector_load %arg5[%swap3A_82] {strides = array<i32>} : memref<128xi32, #tpu.memory_space<vmem>>, vector<16xi32>,
      %swap3A_84 = vector.shape_cast %swap3A_83 : vector<16xi32> to vector<16xi32>
      %swap3A_85 = vector.shape_cast %add3A_81 : vector<16xi32> to vector<16xi32>
      tpu.vector_store %arg5[%swap3A_82], %swap3A_85 {strides = array<i32>} : memref<128xi32, #tpu.memory_space<vmem>>, vector<16xi32>,
      %scan3A_86 = arith.constant 3 : i32
      %iota3A_87 = tpu.iota {dimensions = array<i32: 0>} : vector<16xi32>
      %add3A_88 = arith.constant 204800 : i32
      %add3A_89 = arith.addi %add3A_88, %add3A_11 : i32
      %mul3A_90 = arith.constant 16 : i32
      %mul3A_91 = arith.muli %scan3A_86, %mul3A_90 : i32
      %add3A_92 = arith.addi %add3A_89, %mul3A_91 : i32
      %add3A_93 = vector.broadcast %add3A_92 : i32 to vector<16xi32>
      %add3A_94 = arith.addi %iota3A_87, %add3A_93 : vector<16xi32>
      %rem3A_95 = arith.constant 100 : i32
      %rem3A_96 = vector.broadcast %rem3A_95 : i32 to vector<16xi32>
      %rem3A_97 = arith.remsi %add3A_94, %rem3A_96 : vector<16xi32>
      %mul3A_98 = arith.constant 16 : i32
      %mul3A_99 = arith.muli %scan3A_86, %mul3A_98 : i32
      %get3A_100 = arith.index_cast %mul3A_99 : i32 to index
      %get3A_101 = tpu.vector_load %arg5[%get3A_100] {strides = array<i32>} : memref<128xi32, #tpu.memory_space<vmem>>, vector<16xi32>,
      %get3A_102 = vector.shape_cast %get3A_101 : vector<16xi32> to vector<16xi32>
      %mul3A_103 = arith.constant 1000 : i32
      %mul3A_104 = vector.broadcast %mul3A_103 : i32 to vector<16xi32>
      %mul3A_105 = arith.muli %rem3A_97, %mul3A_104 : vector<16xi32>
      %add3A_106 = arith.addi %get3A_102, %mul3A_105 : vector<16xi32>
      %swap3A_107 = arith.index_cast %mul3A_99 : i32 to index
      %swap3A_108 = tpu.vector_load %arg5[%swap3A_107] {strides = array<i32>} : memref<128xi32, #tpu.memory_space<vmem>>, vector<16xi32>,
      %swap3A_109 = vector.shape_cast %swap3A_108 : vector<16xi32> to vector<16xi32>
      %swap3A_110 = vector.shape_cast %add3A_106 : vector<16xi32> to vector<16xi32>
      tpu.vector_store %arg5[%swap3A_107], %swap3A_110 {strides = array<i32>} : memref<128xi32, #tpu.memory_space<vmem>>, vector<16xi32>,
      %scan3A_111 = arith.constant 4 : i32
      %iota3A_112 = tpu.iota {dimensions = array<i32: 0>} : vector<16xi32>
      %add3A_113 = arith.constant 204800 : i32
      %add3A_114 = arith.addi %add3A_113, %add3A_11 : i32
      %mul3A_115 = arith.constant 16 : i32
      %mul3A_116 = arith.muli %scan3A_111, %mul3A_115 : i32
      %add3A_117 = arith.addi %add3A_114, %mul3A_116 : i32
      %add3A_118 = vector.broadcast %add3A_117 : i32 to vector<16xi32>
      %add3A_119 = arith.addi %iota3A_112, %add3A_118 : vector<16xi32>
      %rem3A_120 = arith.constant 100 : i32
      %rem3A_121 = vector.broadcast %rem3A_120 : i32 to vector<16xi32>
      %rem3A_122 = arith.remsi %add3A_119, %rem3A_121 : vector<16xi32>
      %mul3A_123 = arith.constant 16 : i32
      %mul3A_124 = arith.muli %scan3A_111, %mul3A_123 : i32
      %get3A_125 = arith.index_cast %mul3A_124 : i32 to index
      %get3A_126 = tpu.vector_load %arg5[%get3A_125] {strides = array<i32>} : memref<128xi32, #tpu.memory_space<vmem>>, vector<16xi32>,
      %get3A_127 = vector.shape_cast %get3A_126 : vector<16xi32> to vector<16xi32>
      %mul3A_128 = arith.constant 1000 : i32
      %mul3A_129 = vector.broadcast %mul3A_128 : i32 to vector<16xi32>
      %mul3A_130 = arith.muli %rem3A_122, %mul3A_129 : vector<16xi32>
      %add3A_131 = arith.addi %get3A_127, %mul3A_130 : vector<16xi32>
      %swap3A_132 = arith.index_cast %mul3A_124 : i32 to index
      %swap3A_133 = tpu.vector_load %arg5[%swap3A_132] {strides = array<i32>} : memref<128xi32, #tpu.memory_space<vmem>>, vector<16xi32>,
      %swap3A_134 = vector.shape_cast %swap3A_133 : vector<16xi32> to vector<16xi32>
      %swap3A_135 = vector.shape_cast %add3A_131 : vector<16xi32> to vector<16xi32>
      tpu.vector_store %arg5[%swap3A_132], %swap3A_135 {strides = array<i32>} : memref<128xi32, #tpu.memory_space<vmem>>, vector<16xi32>,
      %scan3A_136 = arith.constant 5 : i32
      %iota3A_137 = tpu.iota {dimensions = array<i32: 0>} : vector<16xi32>
      %add3A_138 = arith.constant 204800 : i32
      %add3A_139 = arith.addi %add3A_138, %add3A_11 : i32
      %mul3A_140 = arith.constant 16 : i32
      %mul3A_141 = arith.muli %scan3A_136, %mul3A_140 : i32
      %add3A_142 = arith.addi %add3A_139, %mul3A_141 : i32
      %add3A_143 = vector.broadcast %add3A_142 : i32 to vector<16xi32>
      %add3A_144 = arith.addi %iota3A_137, %add3A_143 : vector<16xi32>
      %rem3A_145 = arith.constant 100 : i32
      %rem3A_146 = vector.broadcast %rem3A_145 : i32 to vector<16xi32>
      %rem3A_147 = arith.remsi %add3A_144, %rem3A_146 : vector<16xi32>
      %mul3A_148 = arith.constant 16 : i32
      %mul3A_149 = arith.muli %scan3A_136, %mul3A_148 : i32
      %get3A_150 = arith.index_cast %mul3A_149 : i32 to index
      %get3A_151 = tpu.vector_load %arg5[%get3A_150] {strides = array<i32>} : memref<128xi32, #tpu.memory_space<vmem>>, vector<16xi32>,
      %get3A_152 = vector.shape_cast %get3A_151 : vector<16xi32> to vector<16xi32>
      %mul3A_153 = arith.constant 1000 : i32
      %mul3A_154 = vector.broadcast %mul3A_153 : i32 to vector<16xi32>
      %mul3A_155 = arith.muli %rem3A_147, %mul3A_154 : vector<16xi32>
      %add3A_156 = arith.addi %get3A_152, %mul3A_155 : vector<16xi32>
      %swap3A_157 = arith.index_cast %mul3A_149 : i32 to index
      %swap3A_158 = tpu.vector_load %arg5[%swap3A_157] {strides = array<i32>} : memref<128xi32, #tpu.memory_space<vmem>>, vector<16xi32>,
      %swap3A_159 = vector.shape_cast %swap3A_158 : vector<16xi32> to vector<16xi32>
      %swap3A_160 = vector.shape_cast %add3A_156 : vector<16xi32> to vector<16xi32>
      tpu.vector_store %arg5[%swap3A_157], %swap3A_160 {strides = array<i32>} : memref<128xi32, #tpu.memory_space<vmem>>, vector<16xi32>,
      %scan3A_161 = arith.constant 6 : i32
      %iota3A_162 = tpu.iota {dimensions = array<i32: 0>} : vector<16xi32>
      %add3A_163 = arith.constant 204800 : i32
      %add3A_164 = arith.addi %add3A_163, %add3A_11 : i32
      %mul3A_165 = arith.constant 16 : i32
      %mul3A_166 = arith.muli %scan3A_161, %mul3A_165 : i32
      %add3A_167 = arith.addi %add3A_164, %mul3A_166 : i32
      %add3A_168 = vector.broadcast %add3A_167 : i32 to vector<16xi32>
      %add3A_169 = arith.addi %iota3A_162, %add3A_168 : vector<16xi32>
      %rem3A_170 = arith.constant 100 : i32
      %rem3A_171 = vector.broadcast %rem3A_170 : i32 to vector<16xi32>
      %rem3A_172 = arith.remsi %add3A_169, %rem3A_171 : vector<16xi32>
      %mul3A_173 = arith.constant 16 : i32
      %mul3A_174 = arith.muli %scan3A_161, %mul3A_173 : i32
      %get3A_175 = arith.index_cast %mul3A_174 : i32 to index
      %get3A_176 = tpu.vector_load %arg5[%get3A_175] {strides = array<i32>} : memref<128xi32, #tpu.memory_space<vmem>>, vector<16xi32>,
      %get3A_177 = vector.shape_cast %get3A_176 : vector<16xi32> to vector<16xi32>
      %mul3A_178 = arith.constant 1000 : i32
      %mul3A_179 = vector.broadcast %mul3A_178 : i32 to vector<16xi32>
      %mul3A_180 = arith.muli %rem3A_172, %mul3A_179 : vector<16xi32>
      %add3A_181 = arith.addi %get3A_177, %mul3A_180 : vector<16xi32>
      %swap3A_182 = arith.index_cast %mul3A_174 : i32 to index
      %swap3A_183 = tpu.vector_load %arg5[%swap3A_182] {strides = array<i32>} : memref<128xi32, #tpu.memory_space<vmem>>, vector<16xi32>,
      %swap3A_184 = vector.shape_cast %swap3A_183 : vector<16xi32> to vector<16xi32>
      %swap3A_185 = vector.shape_cast %add3A_181 : vector<16xi32> to vector<16xi32>
      tpu.vector_store %arg5[%swap3A_182], %swap3A_185 {strides = array<i32>} : memref<128xi32, #tpu.memory_space<vmem>>, vector<16xi32>,
      %scan3A_186 = arith.constant 7 : i32
      %iota3A_187 = tpu.iota {dimensions = array<i32: 0>} : vector<16xi32>
      %add3A_188 = arith.constant 204800 : i32
      %add3A_189 = arith.addi %add3A_188, %add3A_11 : i32
      %mul3A_190 = arith.constant 16 : i32
      %mul3A_191 = arith.muli %scan3A_186, %mul3A_190 : i32
      %add3A_192 = arith.addi %add3A_189, %mul3A_191 : i32
      %add3A_193 = vector.broadcast %add3A_192 : i32 to vector<16xi32>
      %add3A_194 = arith.addi %iota3A_187, %add3A_193 : vector<16xi32>
      %rem3A_195 = arith.constant 100 : i32
      %rem3A_196 = vector.broadcast %rem3A_195 : i32 to vector<16xi32>
      %rem3A_197 = arith.remsi %add3A_194, %rem3A_196 : vector<16xi32>
      %mul3A_198 = arith.constant 16 : i32
      %mul3A_199 = arith.muli %scan3A_186, %mul3A_198 : i32
      %get3A_200 = arith.index_cast %mul3A_199 : i32 to index
      %get3A_201 = tpu.vector_load %arg5[%get3A_200] {strides = array<i32>} : memref<128xi32, #tpu.memory_space<vmem>>, vector<16xi32>,
      %get3A_202 = vector.shape_cast %get3A_201 : vector<16xi32> to vector<16xi32>
      %mul3A_203 = arith.constant 1000 : i32
      %mul3A_204 = vector.broadcast %mul3A_203 : i32 to vector<16xi32>
      %mul3A_205 = arith.muli %rem3A_197, %mul3A_204 : vector<16xi32>
      %add3A_206 = arith.addi %get3A_202, %mul3A_205 : vector<16xi32>
      %swap3A_207 = arith.index_cast %mul3A_199 : i32 to index
      %swap3A_208 = tpu.vector_load %arg5[%swap3A_207] {strides = array<i32>} : memref<128xi32, #tpu.memory_space<vmem>>, vector<16xi32>,
      %swap3A_209 = vector.shape_cast %swap3A_208 : vector<16xi32> to vector<16xi32>
      %swap3A_210 = vector.shape_cast %add3A_206 : vector<16xi32> to vector<16xi32>
      tpu.vector_store %arg5[%swap3A_207], %swap3A_210 {strides = array<i32>} : memref<128xi32, #tpu.memory_space<vmem>>, vector<16xi32>,
      %scan3A_211 = arith.constant 8 : i32
      %dma_start3A = arith.constant 0 : i32
      %dma_start3A_212 = arith.constant 0 : i32
      %dma_start3A_213 = tpu.memref_slice %arg3[%dma_start3A, %dma_start3A_212] : memref<100000x128xf32, #tpu.memory_space<hbm>> -> memref<100000x128xf32, #tpu.memory_space<hbm>>
      tpu.enqueue_indirect_dma source(%dma_start3A_213 : memref<100000x128xf32, #tpu.memory_space<hbm>>) target(%arg6 : memref<128x128xf32, #tpu.memory_space<vmem>>) offsets(%arg5 : memref<128xi32, #tpu.memory_space<vmem>>) semaphore(%arg7 : memref<!tpu.dma_semaphore, #tpu.memory_space<semaphore_mem>>)
      %dma_wait3A = arith.constant 0 : i32
      %dma_wait3A_214 = arith.constant 0 : i32
      %dma_wait3A_215 = tpu.memref_slice %arg3[%dma_wait3A, %dma_wait3A_214] : memref<100000x128xf32, #tpu.memory_space<hbm>> -> memref<100000x128xf32, #tpu.memory_space<hbm>>
      tpu.wait_indirect_dma semaphore(%arg7 : memref<!tpu.dma_semaphore, #tpu.memory_space<semaphore_mem>>) src(%dma_wait3A_215 : memref<100000x128xf32, #tpu.memory_space<hbm>>) dst(%arg6 : memref<128x128xf32, #tpu.memory_space<vmem>>)
      "tpu.region"() ({
        %run_scoped3A = tpu.sem_alloc : memref<!tpu.dma_semaphore, #tpu.memory_space<semaphore_mem>>
        %dma_start3A_216 = arith.constant 0 : i32
        %dma_start3A_217 = tpu.memref_slice %arg4[%add3A_11, %dma_start3A_216] : memref<102400x128xf32, #tpu.memory_space<hbm>> -> memref<128x128xf32, #tpu.memory_space<hbm>>
        %dma_start3A_218 = arith.constant 0 : i32
        %dma_start3A_219 = tpu.memref_slice %arg4[%add3A_11, %dma_start3A_218] : memref<102400x128xf32, #tpu.memory_space<hbm>> -> memref<128x128xf32, #tpu.memory_space<hbm>>
        tpu.enqueue_dma source(%arg6 : memref<128x128xf32, #tpu.memory_space<vmem>>) target(%dma_start3A_219 : memref<128x128xf32, #tpu.memory_space<hbm>>) target_semaphore(%run_scoped3A : memref<!tpu.dma_semaphore, #tpu.memory_space<semaphore_mem>>)
        %dma_wait3A_220 = arith.constant 0 : i32
        %dma_wait3A_221 = tpu.memref_slice %arg4[%add3A_11, %dma_wait3A_220] : memref<102400x128xf32, #tpu.memory_space<hbm>> -> memref<128x128xf32, #tpu.memory_space<hbm>>
        %dma_wait3A_222 = arith.constant 0 : i32
        %dma_wait3A_223 = tpu.memref_slice %arg4[%add3A_11, %dma_wait3A_222] : memref<102400x128xf32, #tpu.memory_space<hbm>> -> memref<128x128xf32, #tpu.memory_space<hbm>>
        tpu.wait_dma2 semaphore(%run_scoped3A : memref<!tpu.dma_semaphore, #tpu.memory_space<semaphore_mem>>) src(%arg6 : memref<128x128xf32, #tpu.memory_space<vmem>>) dst(%dma_wait3A_223 : memref<128x128xf32, #tpu.memory_space<hbm>>)
        tpu.yield
      }) : () -> ()
    }
    %scan3A_7 = arith.constant 25 : i32
    return
  }
}

#map = affine_map<(d0, d1) -> (0)>
#map1 = affine_map<(d0, d1) -> (0, 0)>
module attributes {stable_mosaic.version = 14 : i64} {
  func.func @k(%arg0: i32, %arg1: i32, %arg2: memref<409600xi32, #tpu.memory_space<hbm>>, %arg3: memref<100000x128xf32, #tpu.memory_space<hbm>>, %arg4: memref<102400x128xf32, #tpu.memory_space<hbm>>, %arg5: memref<128xi32, #tpu.memory_space<vmem>>, %arg6: memref<128x128xf32, #tpu.memory_space<vmem>>, %arg7: memref<!tpu.dma_semaphore, #tpu.memory_space<semaphore_mem>>) attributes {dimension_semantics = [#tpu.dimension_semantics<core_parallel>, #tpu.dimension_semantics<subcore_parallel>], iteration_bounds = array<i64: 2, 16>, scalar_prefetch = 0 : i64, scratch_operands = 3 : i64, tpu.core_type = #tpu.core_type<sc_vector_subcore>, window_params = [{transform_indices = #map}, {transform_indices = #map1}, {transform_indices = #map1}]} {
    %mul3A = arith.constant 2 : i32
    %mul3A_0 = arith.muli %arg1, %mul3A : i32
    %add3A = arith.addi %mul3A_0, %arg0 : i32
    %mul3A_1 = arith.constant 3200 : i32
    %mul3A_2 = arith.muli %add3A, %mul3A_1 : i32
    %scan3A = arith.constant 0 : i32
    %scan3A_3 = arith.constant 0 : i32
    %scan3A_4 = arith.constant 25 : i32
    %scan3A_5 = arith.addi %scan3A_3, %scan3A_4 : i32
    %scan3A_6 = arith.constant 1 : i32
    scf.for %scan3A_8 = %scan3A_3 to %scan3A_5 step %scan3A_6  : i32 {
      %mul3A_9 = arith.constant 128 : i32
      %mul3A_10 = arith.muli %scan3A_8, %mul3A_9 : i32
      %add3A_11 = arith.addi %mul3A_2, %mul3A_10 : i32
      %add3A_12 = arith.constant 307200 : i32
      %add3A_13 = arith.addi %add3A_12, %add3A_11 : i32
      "tpu.region"() ({
        %run_scoped3A = tpu.sem_alloc : memref<!tpu.dma_semaphore, #tpu.memory_space<semaphore_mem>>
        %dma_start3A_216 = tpu.memref_slice %arg2[%add3A_13] : memref<409600xi32, #tpu.memory_space<hbm>> -> memref<128xi32, #tpu.memory_space<hbm>>
        %dma_start3A_217 = tpu.memref_slice %arg2[%add3A_13] : memref<409600xi32, #tpu.memory_space<hbm>> -> memref<128xi32, #tpu.memory_space<hbm>>
        tpu.enqueue_dma source(%dma_start3A_217 : memref<128xi32, #tpu.memory_space<hbm>>) target(%arg5 : memref<128xi32, #tpu.memory_space<vmem>>) target_semaphore(%run_scoped3A : memref<!tpu.dma_semaphore, #tpu.memory_space<semaphore_mem>>)
        %dma_wait3A_218 = tpu.memref_slice %arg2[%add3A_13] : memref<409600xi32, #tpu.memory_space<hbm>> -> memref<128xi32, #tpu.memory_space<hbm>>
        %dma_wait3A_219 = tpu.memref_slice %arg2[%add3A_13] : memref<409600xi32, #tpu.memory_space<hbm>> -> memref<128xi32, #tpu.memory_space<hbm>>
        tpu.wait_dma2 semaphore(%run_scoped3A : memref<!tpu.dma_semaphore, #tpu.memory_space<semaphore_mem>>) src(%dma_wait3A_219 : memref<128xi32, #tpu.memory_space<hbm>>) dst(%arg5 : memref<128xi32, #tpu.memory_space<vmem>>)
        tpu.yield
      }) : () -> ()
      %scan3A_14 = arith.constant 0 : i32
      %scan3A_15 = arith.constant 0 : i32
      %iota3A = tpu.iota {dimensions = array<i32: 0>} : vector<16xi32>
      %add3A_16 = arith.constant 307200 : i32
      %add3A_17 = arith.addi %add3A_16, %add3A_11 : i32
      %mul3A_18 = arith.constant 16 : i32
      %mul3A_19 = arith.muli %scan3A_15, %mul3A_18 : i32
      %add3A_20 = arith.addi %add3A_17, %mul3A_19 : i32
      %add3A_21 = vector.broadcast %add3A_20 : i32 to vector<16xi32>
      %add3A_22 = arith.addi %iota3A, %add3A_21 : vector<16xi32>
      %rem3A = arith.constant 100 : i32
      %rem3A_23 = vector.broadcast %rem3A : i32 to vector<16xi32>
      %rem3A_24 = arith.remsi %add3A_22, %rem3A_23 : vector<16xi32>
      %mul3A_25 = arith.constant 16 : i32
      %mul3A_26 = arith.muli %scan3A_15, %mul3A_25 : i32
      %get3A = arith.index_cast %mul3A_26 : i32 to index
      %get3A_27 = tpu.vector_load %arg5[%get3A] {strides = array<i32>} : memref<128xi32, #tpu.memory_space<vmem>>, vector<16xi32>,
      %get3A_28 = vector.shape_cast %get3A_27 : vector<16xi32> to vector<16xi32>
      %mul3A_29 = arith.constant 1000 : i32
      %mul3A_30 = vector.broadcast %mul3A_29 : i32 to vector<16xi32>
      %mul3A_31 = arith.muli %rem3A_24, %mul3A_30 : vector<16xi32>
      %add3A_32 = arith.addi %get3A_28, %mul3A_31 : vector<16xi32>
      %swap3A = arith.index_cast %mul3A_26 : i32 to index
      %swap3A_33 = tpu.vector_load %arg5[%swap3A] {strides = array<i32>} : memref<128xi32, #tpu.memory_space<vmem>>, vector<16xi32>,
      %swap3A_34 = vector.shape_cast %swap3A_33 : vector<16xi32> to vector<16xi32>
      %swap3A_35 = vector.shape_cast %add3A_32 : vector<16xi32> to vector<16xi32>
      tpu.vector_store %arg5[%swap3A], %swap3A_35 {strides = array<i32>} : memref<128xi32, #tpu.memory_space<vmem>>, vector<16xi32>,
      %scan3A_36 = arith.constant 1 : i32
      %iota3A_37 = tpu.iota {dimensions = array<i32: 0>} : vector<16xi32>
      %add3A_38 = arith.constant 307200 : i32
      %add3A_39 = arith.addi %add3A_38, %add3A_11 : i32
      %mul3A_40 = arith.constant 16 : i32
      %mul3A_41 = arith.muli %scan3A_36, %mul3A_40 : i32
      %add3A_42 = arith.addi %add3A_39, %mul3A_41 : i32
      %add3A_43 = vector.broadcast %add3A_42 : i32 to vector<16xi32>
      %add3A_44 = arith.addi %iota3A_37, %add3A_43 : vector<16xi32>
      %rem3A_45 = arith.constant 100 : i32
      %rem3A_46 = vector.broadcast %rem3A_45 : i32 to vector<16xi32>
      %rem3A_47 = arith.remsi %add3A_44, %rem3A_46 : vector<16xi32>
      %mul3A_48 = arith.constant 16 : i32
      %mul3A_49 = arith.muli %scan3A_36, %mul3A_48 : i32
      %get3A_50 = arith.index_cast %mul3A_49 : i32 to index
      %get3A_51 = tpu.vector_load %arg5[%get3A_50] {strides = array<i32>} : memref<128xi32, #tpu.memory_space<vmem>>, vector<16xi32>,
      %get3A_52 = vector.shape_cast %get3A_51 : vector<16xi32> to vector<16xi32>
      %mul3A_53 = arith.constant 1000 : i32
      %mul3A_54 = vector.broadcast %mul3A_53 : i32 to vector<16xi32>
      %mul3A_55 = arith.muli %rem3A_47, %mul3A_54 : vector<16xi32>
      %add3A_56 = arith.addi %get3A_52, %mul3A_55 : vector<16xi32>
      %swap3A_57 = arith.index_cast %mul3A_49 : i32 to index
      %swap3A_58 = tpu.vector_load %arg5[%swap3A_57] {strides = array<i32>} : memref<128xi32, #tpu.memory_space<vmem>>, vector<16xi32>,
      %swap3A_59 = vector.shape_cast %swap3A_58 : vector<16xi32> to vector<16xi32>
      %swap3A_60 = vector.shape_cast %add3A_56 : vector<16xi32> to vector<16xi32>
      tpu.vector_store %arg5[%swap3A_57], %swap3A_60 {strides = array<i32>} : memref<128xi32, #tpu.memory_space<vmem>>, vector<16xi32>,
      %scan3A_61 = arith.constant 2 : i32
      %iota3A_62 = tpu.iota {dimensions = array<i32: 0>} : vector<16xi32>
      %add3A_63 = arith.constant 307200 : i32
      %add3A_64 = arith.addi %add3A_63, %add3A_11 : i32
      %mul3A_65 = arith.constant 16 : i32
      %mul3A_66 = arith.muli %scan3A_61, %mul3A_65 : i32
      %add3A_67 = arith.addi %add3A_64, %mul3A_66 : i32
      %add3A_68 = vector.broadcast %add3A_67 : i32 to vector<16xi32>
      %add3A_69 = arith.addi %iota3A_62, %add3A_68 : vector<16xi32>
      %rem3A_70 = arith.constant 100 : i32
      %rem3A_71 = vector.broadcast %rem3A_70 : i32 to vector<16xi32>
      %rem3A_72 = arith.remsi %add3A_69, %rem3A_71 : vector<16xi32>
      %mul3A_73 = arith.constant 16 : i32
      %mul3A_74 = arith.muli %scan3A_61, %mul3A_73 : i32
      %get3A_75 = arith.index_cast %mul3A_74 : i32 to index
      %get3A_76 = tpu.vector_load %arg5[%get3A_75] {strides = array<i32>} : memref<128xi32, #tpu.memory_space<vmem>>, vector<16xi32>,
      %get3A_77 = vector.shape_cast %get3A_76 : vector<16xi32> to vector<16xi32>
      %mul3A_78 = arith.constant 1000 : i32
      %mul3A_79 = vector.broadcast %mul3A_78 : i32 to vector<16xi32>
      %mul3A_80 = arith.muli %rem3A_72, %mul3A_79 : vector<16xi32>
      %add3A_81 = arith.addi %get3A_77, %mul3A_80 : vector<16xi32>
      %swap3A_82 = arith.index_cast %mul3A_74 : i32 to index
      %swap3A_83 = tpu.vector_load %arg5[%swap3A_82] {strides = array<i32>} : memref<128xi32, #tpu.memory_space<vmem>>, vector<16xi32>,
      %swap3A_84 = vector.shape_cast %swap3A_83 : vector<16xi32> to vector<16xi32>
      %swap3A_85 = vector.shape_cast %add3A_81 : vector<16xi32> to vector<16xi32>
      tpu.vector_store %arg5[%swap3A_82], %swap3A_85 {strides = array<i32>} : memref<128xi32, #tpu.memory_space<vmem>>, vector<16xi32>,
      %scan3A_86 = arith.constant 3 : i32
      %iota3A_87 = tpu.iota {dimensions = array<i32: 0>} : vector<16xi32>
      %add3A_88 = arith.constant 307200 : i32
      %add3A_89 = arith.addi %add3A_88, %add3A_11 : i32
      %mul3A_90 = arith.constant 16 : i32
      %mul3A_91 = arith.muli %scan3A_86, %mul3A_90 : i32
      %add3A_92 = arith.addi %add3A_89, %mul3A_91 : i32
      %add3A_93 = vector.broadcast %add3A_92 : i32 to vector<16xi32>
      %add3A_94 = arith.addi %iota3A_87, %add3A_93 : vector<16xi32>
      %rem3A_95 = arith.constant 100 : i32
      %rem3A_96 = vector.broadcast %rem3A_95 : i32 to vector<16xi32>
      %rem3A_97 = arith.remsi %add3A_94, %rem3A_96 : vector<16xi32>
      %mul3A_98 = arith.constant 16 : i32
      %mul3A_99 = arith.muli %scan3A_86, %mul3A_98 : i32
      %get3A_100 = arith.index_cast %mul3A_99 : i32 to index
      %get3A_101 = tpu.vector_load %arg5[%get3A_100] {strides = array<i32>} : memref<128xi32, #tpu.memory_space<vmem>>, vector<16xi32>,
      %get3A_102 = vector.shape_cast %get3A_101 : vector<16xi32> to vector<16xi32>
      %mul3A_103 = arith.constant 1000 : i32
      %mul3A_104 = vector.broadcast %mul3A_103 : i32 to vector<16xi32>
      %mul3A_105 = arith.muli %rem3A_97, %mul3A_104 : vector<16xi32>
      %add3A_106 = arith.addi %get3A_102, %mul3A_105 : vector<16xi32>
      %swap3A_107 = arith.index_cast %mul3A_99 : i32 to index
      %swap3A_108 = tpu.vector_load %arg5[%swap3A_107] {strides = array<i32>} : memref<128xi32, #tpu.memory_space<vmem>>, vector<16xi32>,
      %swap3A_109 = vector.shape_cast %swap3A_108 : vector<16xi32> to vector<16xi32>
      %swap3A_110 = vector.shape_cast %add3A_106 : vector<16xi32> to vector<16xi32>
      tpu.vector_store %arg5[%swap3A_107], %swap3A_110 {strides = array<i32>} : memref<128xi32, #tpu.memory_space<vmem>>, vector<16xi32>,
      %scan3A_111 = arith.constant 4 : i32
      %iota3A_112 = tpu.iota {dimensions = array<i32: 0>} : vector<16xi32>
      %add3A_113 = arith.constant 307200 : i32
      %add3A_114 = arith.addi %add3A_113, %add3A_11 : i32
      %mul3A_115 = arith.constant 16 : i32
      %mul3A_116 = arith.muli %scan3A_111, %mul3A_115 : i32
      %add3A_117 = arith.addi %add3A_114, %mul3A_116 : i32
      %add3A_118 = vector.broadcast %add3A_117 : i32 to vector<16xi32>
      %add3A_119 = arith.addi %iota3A_112, %add3A_118 : vector<16xi32>
      %rem3A_120 = arith.constant 100 : i32
      %rem3A_121 = vector.broadcast %rem3A_120 : i32 to vector<16xi32>
      %rem3A_122 = arith.remsi %add3A_119, %rem3A_121 : vector<16xi32>
      %mul3A_123 = arith.constant 16 : i32
      %mul3A_124 = arith.muli %scan3A_111, %mul3A_123 : i32
      %get3A_125 = arith.index_cast %mul3A_124 : i32 to index
      %get3A_126 = tpu.vector_load %arg5[%get3A_125] {strides = array<i32>} : memref<128xi32, #tpu.memory_space<vmem>>, vector<16xi32>,
      %get3A_127 = vector.shape_cast %get3A_126 : vector<16xi32> to vector<16xi32>
      %mul3A_128 = arith.constant 1000 : i32
      %mul3A_129 = vector.broadcast %mul3A_128 : i32 to vector<16xi32>
      %mul3A_130 = arith.muli %rem3A_122, %mul3A_129 : vector<16xi32>
      %add3A_131 = arith.addi %get3A_127, %mul3A_130 : vector<16xi32>
      %swap3A_132 = arith.index_cast %mul3A_124 : i32 to index
      %swap3A_133 = tpu.vector_load %arg5[%swap3A_132] {strides = array<i32>} : memref<128xi32, #tpu.memory_space<vmem>>, vector<16xi32>,
      %swap3A_134 = vector.shape_cast %swap3A_133 : vector<16xi32> to vector<16xi32>
      %swap3A_135 = vector.shape_cast %add3A_131 : vector<16xi32> to vector<16xi32>
      tpu.vector_store %arg5[%swap3A_132], %swap3A_135 {strides = array<i32>} : memref<128xi32, #tpu.memory_space<vmem>>, vector<16xi32>,
      %scan3A_136 = arith.constant 5 : i32
      %iota3A_137 = tpu.iota {dimensions = array<i32: 0>} : vector<16xi32>
      %add3A_138 = arith.constant 307200 : i32
      %add3A_139 = arith.addi %add3A_138, %add3A_11 : i32
      %mul3A_140 = arith.constant 16 : i32
      %mul3A_141 = arith.muli %scan3A_136, %mul3A_140 : i32
      %add3A_142 = arith.addi %add3A_139, %mul3A_141 : i32
      %add3A_143 = vector.broadcast %add3A_142 : i32 to vector<16xi32>
      %add3A_144 = arith.addi %iota3A_137, %add3A_143 : vector<16xi32>
      %rem3A_145 = arith.constant 100 : i32
      %rem3A_146 = vector.broadcast %rem3A_145 : i32 to vector<16xi32>
      %rem3A_147 = arith.remsi %add3A_144, %rem3A_146 : vector<16xi32>
      %mul3A_148 = arith.constant 16 : i32
      %mul3A_149 = arith.muli %scan3A_136, %mul3A_148 : i32
      %get3A_150 = arith.index_cast %mul3A_149 : i32 to index
      %get3A_151 = tpu.vector_load %arg5[%get3A_150] {strides = array<i32>} : memref<128xi32, #tpu.memory_space<vmem>>, vector<16xi32>,
      %get3A_152 = vector.shape_cast %get3A_151 : vector<16xi32> to vector<16xi32>
      %mul3A_153 = arith.constant 1000 : i32
      %mul3A_154 = vector.broadcast %mul3A_153 : i32 to vector<16xi32>
      %mul3A_155 = arith.muli %rem3A_147, %mul3A_154 : vector<16xi32>
      %add3A_156 = arith.addi %get3A_152, %mul3A_155 : vector<16xi32>
      %swap3A_157 = arith.index_cast %mul3A_149 : i32 to index
      %swap3A_158 = tpu.vector_load %arg5[%swap3A_157] {strides = array<i32>} : memref<128xi32, #tpu.memory_space<vmem>>, vector<16xi32>,
      %swap3A_159 = vector.shape_cast %swap3A_158 : vector<16xi32> to vector<16xi32>
      %swap3A_160 = vector.shape_cast %add3A_156 : vector<16xi32> to vector<16xi32>
      tpu.vector_store %arg5[%swap3A_157], %swap3A_160 {strides = array<i32>} : memref<128xi32, #tpu.memory_space<vmem>>, vector<16xi32>,
      %scan3A_161 = arith.constant 6 : i32
      %iota3A_162 = tpu.iota {dimensions = array<i32: 0>} : vector<16xi32>
      %add3A_163 = arith.constant 307200 : i32
      %add3A_164 = arith.addi %add3A_163, %add3A_11 : i32
      %mul3A_165 = arith.constant 16 : i32
      %mul3A_166 = arith.muli %scan3A_161, %mul3A_165 : i32
      %add3A_167 = arith.addi %add3A_164, %mul3A_166 : i32
      %add3A_168 = vector.broadcast %add3A_167 : i32 to vector<16xi32>
      %add3A_169 = arith.addi %iota3A_162, %add3A_168 : vector<16xi32>
      %rem3A_170 = arith.constant 100 : i32
      %rem3A_171 = vector.broadcast %rem3A_170 : i32 to vector<16xi32>
      %rem3A_172 = arith.remsi %add3A_169, %rem3A_171 : vector<16xi32>
      %mul3A_173 = arith.constant 16 : i32
      %mul3A_174 = arith.muli %scan3A_161, %mul3A_173 : i32
      %get3A_175 = arith.index_cast %mul3A_174 : i32 to index
      %get3A_176 = tpu.vector_load %arg5[%get3A_175] {strides = array<i32>} : memref<128xi32, #tpu.memory_space<vmem>>, vector<16xi32>,
      %get3A_177 = vector.shape_cast %get3A_176 : vector<16xi32> to vector<16xi32>
      %mul3A_178 = arith.constant 1000 : i32
      %mul3A_179 = vector.broadcast %mul3A_178 : i32 to vector<16xi32>
      %mul3A_180 = arith.muli %rem3A_172, %mul3A_179 : vector<16xi32>
      %add3A_181 = arith.addi %get3A_177, %mul3A_180 : vector<16xi32>
      %swap3A_182 = arith.index_cast %mul3A_174 : i32 to index
      %swap3A_183 = tpu.vector_load %arg5[%swap3A_182] {strides = array<i32>} : memref<128xi32, #tpu.memory_space<vmem>>, vector<16xi32>,
      %swap3A_184 = vector.shape_cast %swap3A_183 : vector<16xi32> to vector<16xi32>
      %swap3A_185 = vector.shape_cast %add3A_181 : vector<16xi32> to vector<16xi32>
      tpu.vector_store %arg5[%swap3A_182], %swap3A_185 {strides = array<i32>} : memref<128xi32, #tpu.memory_space<vmem>>, vector<16xi32>,
      %scan3A_186 = arith.constant 7 : i32
      %iota3A_187 = tpu.iota {dimensions = array<i32: 0>} : vector<16xi32>
      %add3A_188 = arith.constant 307200 : i32
      %add3A_189 = arith.addi %add3A_188, %add3A_11 : i32
      %mul3A_190 = arith.constant 16 : i32
      %mul3A_191 = arith.muli %scan3A_186, %mul3A_190 : i32
      %add3A_192 = arith.addi %add3A_189, %mul3A_191 : i32
      %add3A_193 = vector.broadcast %add3A_192 : i32 to vector<16xi32>
      %add3A_194 = arith.addi %iota3A_187, %add3A_193 : vector<16xi32>
      %rem3A_195 = arith.constant 100 : i32
      %rem3A_196 = vector.broadcast %rem3A_195 : i32 to vector<16xi32>
      %rem3A_197 = arith.remsi %add3A_194, %rem3A_196 : vector<16xi32>
      %mul3A_198 = arith.constant 16 : i32
      %mul3A_199 = arith.muli %scan3A_186, %mul3A_198 : i32
      %get3A_200 = arith.index_cast %mul3A_199 : i32 to index
      %get3A_201 = tpu.vector_load %arg5[%get3A_200] {strides = array<i32>} : memref<128xi32, #tpu.memory_space<vmem>>, vector<16xi32>,
      %get3A_202 = vector.shape_cast %get3A_201 : vector<16xi32> to vector<16xi32>
      %mul3A_203 = arith.constant 1000 : i32
      %mul3A_204 = vector.broadcast %mul3A_203 : i32 to vector<16xi32>
      %mul3A_205 = arith.muli %rem3A_197, %mul3A_204 : vector<16xi32>
      %add3A_206 = arith.addi %get3A_202, %mul3A_205 : vector<16xi32>
      %swap3A_207 = arith.index_cast %mul3A_199 : i32 to index
      %swap3A_208 = tpu.vector_load %arg5[%swap3A_207] {strides = array<i32>} : memref<128xi32, #tpu.memory_space<vmem>>, vector<16xi32>,
      %swap3A_209 = vector.shape_cast %swap3A_208 : vector<16xi32> to vector<16xi32>
      %swap3A_210 = vector.shape_cast %add3A_206 : vector<16xi32> to vector<16xi32>
      tpu.vector_store %arg5[%swap3A_207], %swap3A_210 {strides = array<i32>} : memref<128xi32, #tpu.memory_space<vmem>>, vector<16xi32>,
      %scan3A_211 = arith.constant 8 : i32
      %dma_start3A = arith.constant 0 : i32
      %dma_start3A_212 = arith.constant 0 : i32
      %dma_start3A_213 = tpu.memref_slice %arg3[%dma_start3A, %dma_start3A_212] : memref<100000x128xf32, #tpu.memory_space<hbm>> -> memref<100000x128xf32, #tpu.memory_space<hbm>>
      tpu.enqueue_indirect_dma source(%dma_start3A_213 : memref<100000x128xf32, #tpu.memory_space<hbm>>) target(%arg6 : memref<128x128xf32, #tpu.memory_space<vmem>>) offsets(%arg5 : memref<128xi32, #tpu.memory_space<vmem>>) semaphore(%arg7 : memref<!tpu.dma_semaphore, #tpu.memory_space<semaphore_mem>>)
      %dma_wait3A = arith.constant 0 : i32
      %dma_wait3A_214 = arith.constant 0 : i32
      %dma_wait3A_215 = tpu.memref_slice %arg3[%dma_wait3A, %dma_wait3A_214] : memref<100000x128xf32, #tpu.memory_space<hbm>> -> memref<100000x128xf32, #tpu.memory_space<hbm>>
      tpu.wait_indirect_dma semaphore(%arg7 : memref<!tpu.dma_semaphore, #tpu.memory_space<semaphore_mem>>) src(%dma_wait3A_215 : memref<100000x128xf32, #tpu.memory_space<hbm>>) dst(%arg6 : memref<128x128xf32, #tpu.memory_space<vmem>>)
      "tpu.region"() ({
        %run_scoped3A = tpu.sem_alloc : memref<!tpu.dma_semaphore, #tpu.memory_space<semaphore_mem>>
        %dma_start3A_216 = arith.constant 0 : i32
        %dma_start3A_217 = tpu.memref_slice %arg4[%add3A_11, %dma_start3A_216] : memref<102400x128xf32, #tpu.memory_space<hbm>> -> memref<128x128xf32, #tpu.memory_space<hbm>>
        %dma_start3A_218 = arith.constant 0 : i32
        %dma_start3A_219 = tpu.memref_slice %arg4[%add3A_11, %dma_start3A_218] : memref<102400x128xf32, #tpu.memory_space<hbm>> -> memref<128x128xf32, #tpu.memory_space<hbm>>
        tpu.enqueue_dma source(%arg6 : memref<128x128xf32, #tpu.memory_space<vmem>>) target(%dma_start3A_219 : memref<128x128xf32, #tpu.memory_space<hbm>>) target_semaphore(%run_scoped3A : memref<!tpu.dma_semaphore, #tpu.memory_space<semaphore_mem>>)
        %dma_wait3A_220 = arith.constant 0 : i32
        %dma_wait3A_221 = tpu.memref_slice %arg4[%add3A_11, %dma_wait3A_220] : memref<102400x128xf32, #tpu.memory_space<hbm>> -> memref<128x128xf32, #tpu.memory_space<hbm>>
        %dma_wait3A_222 = arith.constant 0 : i32
        %dma_wait3A_223 = tpu.memref_slice %arg4[%add3A_11, %dma_wait3A_222] : memref<102400x128xf32, #tpu.memory_space<hbm>> -> memref<128x128xf32, #tpu.memory_space<hbm>>
        tpu.wait_dma2 semaphore(%run_scoped3A : memref<!tpu.dma_semaphore, #tpu.memory_space<semaphore_mem>>) src(%arg6 : memref<128x128xf32, #tpu.memory_space<vmem>>) dst(%dma_wait3A_223 : memref<128x128xf32, #tpu.memory_space<hbm>>)
        tpu.yield
      }) : () -> ()
    }
    %scan3A_7 = arith.constant 25 : i32
    return
  }
}

#map = affine_map<(d0, d1) -> (0)>
#map1 = affine_map<(d0, d1) -> (0, 0)>
module attributes {stable_mosaic.version = 14 : i64} {
  func.func @k(%arg0: i32, %arg1: i32, %arg2: memref<409600xi32, #tpu.memory_space<hbm>>, %arg3: memref<100000x128xf32, #tpu.memory_space<hbm>>, %arg4: memref<102400x128xf32, #tpu.memory_space<hbm>>, %arg5: memref<128xi32, #tpu.memory_space<vmem>>, %arg6: memref<128x128xf32, #tpu.memory_space<vmem>>, %arg7: memref<!tpu.dma_semaphore, #tpu.memory_space<semaphore_mem>>) attributes {dimension_semantics = [#tpu.dimension_semantics<core_parallel>, #tpu.dimension_semantics<subcore_parallel>], iteration_bounds = array<i64: 2, 16>, scalar_prefetch = 0 : i64, scratch_operands = 3 : i64, tpu.core_type = #tpu.core_type<sc_vector_subcore>, window_params = [{transform_indices = #map}, {transform_indices = #map1}, {transform_indices = #map1}]} {
    %mul3A = arith.constant 2 : i32
    %mul3A_0 = arith.muli %arg1, %mul3A : i32
    %add3A = arith.addi %mul3A_0, %arg0 : i32
    %mul3A_1 = arith.constant 3200 : i32
    %mul3A_2 = arith.muli %add3A, %mul3A_1 : i32
    %scan3A = arith.constant 0 : i32
    %scan3A_3 = arith.constant 0 : i32
    %scan3A_4 = arith.constant 25 : i32
    %scan3A_5 = arith.addi %scan3A_3, %scan3A_4 : i32
    %scan3A_6 = arith.constant 1 : i32
    scf.for %scan3A_8 = %scan3A_3 to %scan3A_5 step %scan3A_6  : i32 {
      %mul3A_9 = arith.constant 128 : i32
      %mul3A_10 = arith.muli %scan3A_8, %mul3A_9 : i32
      %add3A_11 = arith.addi %mul3A_2, %mul3A_10 : i32
      %add3A_12 = arith.constant 0 : i32
      %add3A_13 = arith.addi %add3A_12, %add3A_11 : i32
      "tpu.region"() ({
        %run_scoped3A = tpu.sem_alloc : memref<!tpu.dma_semaphore, #tpu.memory_space<semaphore_mem>>
        %dma_start3A_216 = tpu.memref_slice %arg2[%add3A_13] : memref<409600xi32, #tpu.memory_space<hbm>> -> memref<128xi32, #tpu.memory_space<hbm>>
        %dma_start3A_217 = tpu.memref_slice %arg2[%add3A_13] : memref<409600xi32, #tpu.memory_space<hbm>> -> memref<128xi32, #tpu.memory_space<hbm>>
        tpu.enqueue_dma source(%dma_start3A_217 : memref<128xi32, #tpu.memory_space<hbm>>) target(%arg5 : memref<128xi32, #tpu.memory_space<vmem>>) target_semaphore(%run_scoped3A : memref<!tpu.dma_semaphore, #tpu.memory_space<semaphore_mem>>)
        %dma_wait3A_218 = tpu.memref_slice %arg2[%add3A_13] : memref<409600xi32, #tpu.memory_space<hbm>> -> memref<128xi32, #tpu.memory_space<hbm>>
        %dma_wait3A_219 = tpu.memref_slice %arg2[%add3A_13] : memref<409600xi32, #tpu.memory_space<hbm>> -> memref<128xi32, #tpu.memory_space<hbm>>
        tpu.wait_dma2 semaphore(%run_scoped3A : memref<!tpu.dma_semaphore, #tpu.memory_space<semaphore_mem>>) src(%dma_wait3A_219 : memref<128xi32, #tpu.memory_space<hbm>>) dst(%arg5 : memref<128xi32, #tpu.memory_space<vmem>>)
        tpu.yield
      }) : () -> ()
      %scan3A_14 = arith.constant 0 : i32
      %scan3A_15 = arith.constant 0 : i32
      %iota3A = tpu.iota {dimensions = array<i32: 0>} : vector<16xi32>
      %add3A_16 = arith.constant 0 : i32
      %add3A_17 = arith.addi %add3A_16, %add3A_11 : i32
      %mul3A_18 = arith.constant 16 : i32
      %mul3A_19 = arith.muli %scan3A_15, %mul3A_18 : i32
      %add3A_20 = arith.addi %add3A_17, %mul3A_19 : i32
      %add3A_21 = vector.broadcast %add3A_20 : i32 to vector<16xi32>
      %add3A_22 = arith.addi %iota3A, %add3A_21 : vector<16xi32>
      %rem3A = arith.constant 100 : i32
      %rem3A_23 = vector.broadcast %rem3A : i32 to vector<16xi32>
      %rem3A_24 = arith.remsi %add3A_22, %rem3A_23 : vector<16xi32>
      %mul3A_25 = arith.constant 16 : i32
      %mul3A_26 = arith.muli %scan3A_15, %mul3A_25 : i32
      %get3A = arith.index_cast %mul3A_26 : i32 to index
      %get3A_27 = tpu.vector_load %arg5[%get3A] {strides = array<i32>} : memref<128xi32, #tpu.memory_space<vmem>>, vector<16xi32>,
      %get3A_28 = vector.shape_cast %get3A_27 : vector<16xi32> to vector<16xi32>
      %mul3A_29 = arith.constant 1000 : i32
      %mul3A_30 = vector.broadcast %mul3A_29 : i32 to vector<16xi32>
      %mul3A_31 = arith.muli %rem3A_24, %mul3A_30 : vector<16xi32>
      %add3A_32 = arith.addi %get3A_28, %mul3A_31 : vector<16xi32>
      %swap3A = arith.index_cast %mul3A_26 : i32 to index
      %swap3A_33 = tpu.vector_load %arg5[%swap3A] {strides = array<i32>} : memref<128xi32, #tpu.memory_space<vmem>>, vector<16xi32>,
      %swap3A_34 = vector.shape_cast %swap3A_33 : vector<16xi32> to vector<16xi32>
      %swap3A_35 = vector.shape_cast %add3A_32 : vector<16xi32> to vector<16xi32>
      tpu.vector_store %arg5[%swap3A], %swap3A_35 {strides = array<i32>} : memref<128xi32, #tpu.memory_space<vmem>>, vector<16xi32>,
      %scan3A_36 = arith.constant 1 : i32
      %iota3A_37 = tpu.iota {dimensions = array<i32: 0>} : vector<16xi32>
      %add3A_38 = arith.constant 0 : i32
      %add3A_39 = arith.addi %add3A_38, %add3A_11 : i32
      %mul3A_40 = arith.constant 16 : i32
      %mul3A_41 = arith.muli %scan3A_36, %mul3A_40 : i32
      %add3A_42 = arith.addi %add3A_39, %mul3A_41 : i32
      %add3A_43 = vector.broadcast %add3A_42 : i32 to vector<16xi32>
      %add3A_44 = arith.addi %iota3A_37, %add3A_43 : vector<16xi32>
      %rem3A_45 = arith.constant 100 : i32
      %rem3A_46 = vector.broadcast %rem3A_45 : i32 to vector<16xi32>
      %rem3A_47 = arith.remsi %add3A_44, %rem3A_46 : vector<16xi32>
      %mul3A_48 = arith.constant 16 : i32
      %mul3A_49 = arith.muli %scan3A_36, %mul3A_48 : i32
      %get3A_50 = arith.index_cast %mul3A_49 : i32 to index
      %get3A_51 = tpu.vector_load %arg5[%get3A_50] {strides = array<i32>} : memref<128xi32, #tpu.memory_space<vmem>>, vector<16xi32>,
      %get3A_52 = vector.shape_cast %get3A_51 : vector<16xi32> to vector<16xi32>
      %mul3A_53 = arith.constant 1000 : i32
      %mul3A_54 = vector.broadcast %mul3A_53 : i32 to vector<16xi32>
      %mul3A_55 = arith.muli %rem3A_47, %mul3A_54 : vector<16xi32>
      %add3A_56 = arith.addi %get3A_52, %mul3A_55 : vector<16xi32>
      %swap3A_57 = arith.index_cast %mul3A_49 : i32 to index
      %swap3A_58 = tpu.vector_load %arg5[%swap3A_57] {strides = array<i32>} : memref<128xi32, #tpu.memory_space<vmem>>, vector<16xi32>,
      %swap3A_59 = vector.shape_cast %swap3A_58 : vector<16xi32> to vector<16xi32>
      %swap3A_60 = vector.shape_cast %add3A_56 : vector<16xi32> to vector<16xi32>
      tpu.vector_store %arg5[%swap3A_57], %swap3A_60 {strides = array<i32>} : memref<128xi32, #tpu.memory_space<vmem>>, vector<16xi32>,
      %scan3A_61 = arith.constant 2 : i32
      %iota3A_62 = tpu.iota {dimensions = array<i32: 0>} : vector<16xi32>
      %add3A_63 = arith.constant 0 : i32
      %add3A_64 = arith.addi %add3A_63, %add3A_11 : i32
      %mul3A_65 = arith.constant 16 : i32
      %mul3A_66 = arith.muli %scan3A_61, %mul3A_65 : i32
      %add3A_67 = arith.addi %add3A_64, %mul3A_66 : i32
      %add3A_68 = vector.broadcast %add3A_67 : i32 to vector<16xi32>
      %add3A_69 = arith.addi %iota3A_62, %add3A_68 : vector<16xi32>
      %rem3A_70 = arith.constant 100 : i32
      %rem3A_71 = vector.broadcast %rem3A_70 : i32 to vector<16xi32>
      %rem3A_72 = arith.remsi %add3A_69, %rem3A_71 : vector<16xi32>
      %mul3A_73 = arith.constant 16 : i32
      %mul3A_74 = arith.muli %scan3A_61, %mul3A_73 : i32
      %get3A_75 = arith.index_cast %mul3A_74 : i32 to index
      %get3A_76 = tpu.vector_load %arg5[%get3A_75] {strides = array<i32>} : memref<128xi32, #tpu.memory_space<vmem>>, vector<16xi32>,
      %get3A_77 = vector.shape_cast %get3A_76 : vector<16xi32> to vector<16xi32>
      %mul3A_78 = arith.constant 1000 : i32
      %mul3A_79 = vector.broadcast %mul3A_78 : i32 to vector<16xi32>
      %mul3A_80 = arith.muli %rem3A_72, %mul3A_79 : vector<16xi32>
      %add3A_81 = arith.addi %get3A_77, %mul3A_80 : vector<16xi32>
      %swap3A_82 = arith.index_cast %mul3A_74 : i32 to index
      %swap3A_83 = tpu.vector_load %arg5[%swap3A_82] {strides = array<i32>} : memref<128xi32, #tpu.memory_space<vmem>>, vector<16xi32>,
      %swap3A_84 = vector.shape_cast %swap3A_83 : vector<16xi32> to vector<16xi32>
      %swap3A_85 = vector.shape_cast %add3A_81 : vector<16xi32> to vector<16xi32>
      tpu.vector_store %arg5[%swap3A_82], %swap3A_85 {strides = array<i32>} : memref<128xi32, #tpu.memory_space<vmem>>, vector<16xi32>,
      %scan3A_86 = arith.constant 3 : i32
      %iota3A_87 = tpu.iota {dimensions = array<i32: 0>} : vector<16xi32>
      %add3A_88 = arith.constant 0 : i32
      %add3A_89 = arith.addi %add3A_88, %add3A_11 : i32
      %mul3A_90 = arith.constant 16 : i32
      %mul3A_91 = arith.muli %scan3A_86, %mul3A_90 : i32
      %add3A_92 = arith.addi %add3A_89, %mul3A_91 : i32
      %add3A_93 = vector.broadcast %add3A_92 : i32 to vector<16xi32>
      %add3A_94 = arith.addi %iota3A_87, %add3A_93 : vector<16xi32>
      %rem3A_95 = arith.constant 100 : i32
      %rem3A_96 = vector.broadcast %rem3A_95 : i32 to vector<16xi32>
      %rem3A_97 = arith.remsi %add3A_94, %rem3A_96 : vector<16xi32>
      %mul3A_98 = arith.constant 16 : i32
      %mul3A_99 = arith.muli %scan3A_86, %mul3A_98 : i32
      %get3A_100 = arith.index_cast %mul3A_99 : i32 to index
      %get3A_101 = tpu.vector_load %arg5[%get3A_100] {strides = array<i32>} : memref<128xi32, #tpu.memory_space<vmem>>, vector<16xi32>,
      %get3A_102 = vector.shape_cast %get3A_101 : vector<16xi32> to vector<16xi32>
      %mul3A_103 = arith.constant 1000 : i32
      %mul3A_104 = vector.broadcast %mul3A_103 : i32 to vector<16xi32>
      %mul3A_105 = arith.muli %rem3A_97, %mul3A_104 : vector<16xi32>
      %add3A_106 = arith.addi %get3A_102, %mul3A_105 : vector<16xi32>
      %swap3A_107 = arith.index_cast %mul3A_99 : i32 to index
      %swap3A_108 = tpu.vector_load %arg5[%swap3A_107] {strides = array<i32>} : memref<128xi32, #tpu.memory_space<vmem>>, vector<16xi32>,
      %swap3A_109 = vector.shape_cast %swap3A_108 : vector<16xi32> to vector<16xi32>
      %swap3A_110 = vector.shape_cast %add3A_106 : vector<16xi32> to vector<16xi32>
      tpu.vector_store %arg5[%swap3A_107], %swap3A_110 {strides = array<i32>} : memref<128xi32, #tpu.memory_space<vmem>>, vector<16xi32>,
      %scan3A_111 = arith.constant 4 : i32
      %iota3A_112 = tpu.iota {dimensions = array<i32: 0>} : vector<16xi32>
      %add3A_113 = arith.constant 0 : i32
      %add3A_114 = arith.addi %add3A_113, %add3A_11 : i32
      %mul3A_115 = arith.constant 16 : i32
      %mul3A_116 = arith.muli %scan3A_111, %mul3A_115 : i32
      %add3A_117 = arith.addi %add3A_114, %mul3A_116 : i32
      %add3A_118 = vector.broadcast %add3A_117 : i32 to vector<16xi32>
      %add3A_119 = arith.addi %iota3A_112, %add3A_118 : vector<16xi32>
      %rem3A_120 = arith.constant 100 : i32
      %rem3A_121 = vector.broadcast %rem3A_120 : i32 to vector<16xi32>
      %rem3A_122 = arith.remsi %add3A_119, %rem3A_121 : vector<16xi32>
      %mul3A_123 = arith.constant 16 : i32
      %mul3A_124 = arith.muli %scan3A_111, %mul3A_123 : i32
      %get3A_125 = arith.index_cast %mul3A_124 : i32 to index
      %get3A_126 = tpu.vector_load %arg5[%get3A_125] {strides = array<i32>} : memref<128xi32, #tpu.memory_space<vmem>>, vector<16xi32>,
      %get3A_127 = vector.shape_cast %get3A_126 : vector<16xi32> to vector<16xi32>
      %mul3A_128 = arith.constant 1000 : i32
      %mul3A_129 = vector.broadcast %mul3A_128 : i32 to vector<16xi32>
      %mul3A_130 = arith.muli %rem3A_122, %mul3A_129 : vector<16xi32>
      %add3A_131 = arith.addi %get3A_127, %mul3A_130 : vector<16xi32>
      %swap3A_132 = arith.index_cast %mul3A_124 : i32 to index
      %swap3A_133 = tpu.vector_load %arg5[%swap3A_132] {strides = array<i32>} : memref<128xi32, #tpu.memory_space<vmem>>, vector<16xi32>,
      %swap3A_134 = vector.shape_cast %swap3A_133 : vector<16xi32> to vector<16xi32>
      %swap3A_135 = vector.shape_cast %add3A_131 : vector<16xi32> to vector<16xi32>
      tpu.vector_store %arg5[%swap3A_132], %swap3A_135 {strides = array<i32>} : memref<128xi32, #tpu.memory_space<vmem>>, vector<16xi32>,
      %scan3A_136 = arith.constant 5 : i32
      %iota3A_137 = tpu.iota {dimensions = array<i32: 0>} : vector<16xi32>
      %add3A_138 = arith.constant 0 : i32
      %add3A_139 = arith.addi %add3A_138, %add3A_11 : i32
      %mul3A_140 = arith.constant 16 : i32
      %mul3A_141 = arith.muli %scan3A_136, %mul3A_140 : i32
      %add3A_142 = arith.addi %add3A_139, %mul3A_141 : i32
      %add3A_143 = vector.broadcast %add3A_142 : i32 to vector<16xi32>
      %add3A_144 = arith.addi %iota3A_137, %add3A_143 : vector<16xi32>
      %rem3A_145 = arith.constant 100 : i32
      %rem3A_146 = vector.broadcast %rem3A_145 : i32 to vector<16xi32>
      %rem3A_147 = arith.remsi %add3A_144, %rem3A_146 : vector<16xi32>
      %mul3A_148 = arith.constant 16 : i32
      %mul3A_149 = arith.muli %scan3A_136, %mul3A_148 : i32
      %get3A_150 = arith.index_cast %mul3A_149 : i32 to index
      %get3A_151 = tpu.vector_load %arg5[%get3A_150] {strides = array<i32>} : memref<128xi32, #tpu.memory_space<vmem>>, vector<16xi32>,
      %get3A_152 = vector.shape_cast %get3A_151 : vector<16xi32> to vector<16xi32>
      %mul3A_153 = arith.constant 1000 : i32
      %mul3A_154 = vector.broadcast %mul3A_153 : i32 to vector<16xi32>
      %mul3A_155 = arith.muli %rem3A_147, %mul3A_154 : vector<16xi32>
      %add3A_156 = arith.addi %get3A_152, %mul3A_155 : vector<16xi32>
      %swap3A_157 = arith.index_cast %mul3A_149 : i32 to index
      %swap3A_158 = tpu.vector_load %arg5[%swap3A_157] {strides = array<i32>} : memref<128xi32, #tpu.memory_space<vmem>>, vector<16xi32>,
      %swap3A_159 = vector.shape_cast %swap3A_158 : vector<16xi32> to vector<16xi32>
      %swap3A_160 = vector.shape_cast %add3A_156 : vector<16xi32> to vector<16xi32>
      tpu.vector_store %arg5[%swap3A_157], %swap3A_160 {strides = array<i32>} : memref<128xi32, #tpu.memory_space<vmem>>, vector<16xi32>,
      %scan3A_161 = arith.constant 6 : i32
      %iota3A_162 = tpu.iota {dimensions = array<i32: 0>} : vector<16xi32>
      %add3A_163 = arith.constant 0 : i32
      %add3A_164 = arith.addi %add3A_163, %add3A_11 : i32
      %mul3A_165 = arith.constant 16 : i32
      %mul3A_166 = arith.muli %scan3A_161, %mul3A_165 : i32
      %add3A_167 = arith.addi %add3A_164, %mul3A_166 : i32
      %add3A_168 = vector.broadcast %add3A_167 : i32 to vector<16xi32>
      %add3A_169 = arith.addi %iota3A_162, %add3A_168 : vector<16xi32>
      %rem3A_170 = arith.constant 100 : i32
      %rem3A_171 = vector.broadcast %rem3A_170 : i32 to vector<16xi32>
      %rem3A_172 = arith.remsi %add3A_169, %rem3A_171 : vector<16xi32>
      %mul3A_173 = arith.constant 16 : i32
      %mul3A_174 = arith.muli %scan3A_161, %mul3A_173 : i32
      %get3A_175 = arith.index_cast %mul3A_174 : i32 to index
      %get3A_176 = tpu.vector_load %arg5[%get3A_175] {strides = array<i32>} : memref<128xi32, #tpu.memory_space<vmem>>, vector<16xi32>,
      %get3A_177 = vector.shape_cast %get3A_176 : vector<16xi32> to vector<16xi32>
      %mul3A_178 = arith.constant 1000 : i32
      %mul3A_179 = vector.broadcast %mul3A_178 : i32 to vector<16xi32>
      %mul3A_180 = arith.muli %rem3A_172, %mul3A_179 : vector<16xi32>
      %add3A_181 = arith.addi %get3A_177, %mul3A_180 : vector<16xi32>
      %swap3A_182 = arith.index_cast %mul3A_174 : i32 to index
      %swap3A_183 = tpu.vector_load %arg5[%swap3A_182] {strides = array<i32>} : memref<128xi32, #tpu.memory_space<vmem>>, vector<16xi32>,
      %swap3A_184 = vector.shape_cast %swap3A_183 : vector<16xi32> to vector<16xi32>
      %swap3A_185 = vector.shape_cast %add3A_181 : vector<16xi32> to vector<16xi32>
      tpu.vector_store %arg5[%swap3A_182], %swap3A_185 {strides = array<i32>} : memref<128xi32, #tpu.memory_space<vmem>>, vector<16xi32>,
      %scan3A_186 = arith.constant 7 : i32
      %iota3A_187 = tpu.iota {dimensions = array<i32: 0>} : vector<16xi32>
      %add3A_188 = arith.constant 0 : i32
      %add3A_189 = arith.addi %add3A_188, %add3A_11 : i32
      %mul3A_190 = arith.constant 16 : i32
      %mul3A_191 = arith.muli %scan3A_186, %mul3A_190 : i32
      %add3A_192 = arith.addi %add3A_189, %mul3A_191 : i32
      %add3A_193 = vector.broadcast %add3A_192 : i32 to vector<16xi32>
      %add3A_194 = arith.addi %iota3A_187, %add3A_193 : vector<16xi32>
      %rem3A_195 = arith.constant 100 : i32
      %rem3A_196 = vector.broadcast %rem3A_195 : i32 to vector<16xi32>
      %rem3A_197 = arith.remsi %add3A_194, %rem3A_196 : vector<16xi32>
      %mul3A_198 = arith.constant 16 : i32
      %mul3A_199 = arith.muli %scan3A_186, %mul3A_198 : i32
      %get3A_200 = arith.index_cast %mul3A_199 : i32 to index
      %get3A_201 = tpu.vector_load %arg5[%get3A_200] {strides = array<i32>} : memref<128xi32, #tpu.memory_space<vmem>>, vector<16xi32>,
      %get3A_202 = vector.shape_cast %get3A_201 : vector<16xi32> to vector<16xi32>
      %mul3A_203 = arith.constant 1000 : i32
      %mul3A_204 = vector.broadcast %mul3A_203 : i32 to vector<16xi32>
      %mul3A_205 = arith.muli %rem3A_197, %mul3A_204 : vector<16xi32>
      %add3A_206 = arith.addi %get3A_202, %mul3A_205 : vector<16xi32>
      %swap3A_207 = arith.index_cast %mul3A_199 : i32 to index
      %swap3A_208 = tpu.vector_load %arg5[%swap3A_207] {strides = array<i32>} : memref<128xi32, #tpu.memory_space<vmem>>, vector<16xi32>,
      %swap3A_209 = vector.shape_cast %swap3A_208 : vector<16xi32> to vector<16xi32>
      %swap3A_210 = vector.shape_cast %add3A_206 : vector<16xi32> to vector<16xi32>
      tpu.vector_store %arg5[%swap3A_207], %swap3A_210 {strides = array<i32>} : memref<128xi32, #tpu.memory_space<vmem>>, vector<16xi32>,
      %scan3A_211 = arith.constant 8 : i32
      %dma_start3A = arith.constant 0 : i32
      %dma_start3A_212 = arith.constant 0 : i32
      %dma_start3A_213 = tpu.memref_slice %arg3[%dma_start3A, %dma_start3A_212] : memref<100000x128xf32, #tpu.memory_space<hbm>> -> memref<100000x128xf32, #tpu.memory_space<hbm>>
      tpu.enqueue_indirect_dma source(%dma_start3A_213 : memref<100000x128xf32, #tpu.memory_space<hbm>>) target(%arg6 : memref<128x128xf32, #tpu.memory_space<vmem>>) offsets(%arg5 : memref<128xi32, #tpu.memory_space<vmem>>) semaphore(%arg7 : memref<!tpu.dma_semaphore, #tpu.memory_space<semaphore_mem>>)
      %dma_wait3A = arith.constant 0 : i32
      %dma_wait3A_214 = arith.constant 0 : i32
      %dma_wait3A_215 = tpu.memref_slice %arg3[%dma_wait3A, %dma_wait3A_214] : memref<100000x128xf32, #tpu.memory_space<hbm>> -> memref<100000x128xf32, #tpu.memory_space<hbm>>
      tpu.wait_indirect_dma semaphore(%arg7 : memref<!tpu.dma_semaphore, #tpu.memory_space<semaphore_mem>>) src(%dma_wait3A_215 : memref<100000x128xf32, #tpu.memory_space<hbm>>) dst(%arg6 : memref<128x128xf32, #tpu.memory_space<vmem>>)
      "tpu.region"() ({
        %run_scoped3A = tpu.sem_alloc : memref<!tpu.dma_semaphore, #tpu.memory_space<semaphore_mem>>
        %dma_start3A_216 = arith.constant 0 : i32
        %dma_start3A_217 = tpu.memref_slice %arg4[%add3A_11, %dma_start3A_216] : memref<102400x128xf32, #tpu.memory_space<hbm>> -> memref<128x128xf32, #tpu.memory_space<hbm>>
        %dma_start3A_218 = arith.constant 0 : i32
        %dma_start3A_219 = tpu.memref_slice %arg4[%add3A_11, %dma_start3A_218] : memref<102400x128xf32, #tpu.memory_space<hbm>> -> memref<128x128xf32, #tpu.memory_space<hbm>>
        tpu.enqueue_dma source(%arg6 : memref<128x128xf32, #tpu.memory_space<vmem>>) target(%dma_start3A_219 : memref<128x128xf32, #tpu.memory_space<hbm>>) target_semaphore(%run_scoped3A : memref<!tpu.dma_semaphore, #tpu.memory_space<semaphore_mem>>)
        %dma_wait3A_220 = arith.constant 0 : i32
        %dma_wait3A_221 = tpu.memref_slice %arg4[%add3A_11, %dma_wait3A_220] : memref<102400x128xf32, #tpu.memory_space<hbm>> -> memref<128x128xf32, #tpu.memory_space<hbm>>
        %dma_wait3A_222 = arith.constant 0 : i32
        %dma_wait3A_223 = tpu.memref_slice %arg4[%add3A_11, %dma_wait3A_222] : memref<102400x128xf32, #tpu.memory_space<hbm>> -> memref<128x128xf32, #tpu.memory_space<hbm>>
        tpu.wait_dma2 semaphore(%run_scoped3A : memref<!tpu.dma_semaphore, #tpu.memory_space<semaphore_mem>>) src(%arg6 : memref<128x128xf32, #tpu.memory_space<vmem>>) dst(%dma_wait3A_223 : memref<128x128xf32, #tpu.memory_space<hbm>>)
        tpu.yield
      }) : () -> ()
    }
    %scan3A_7 = arith.constant 25 : i32
    return
  }
}

module attributes {stable_mosaic.version = 14 : i64} {
  func.func @body(%arg0: i32, %arg1: memref<3200x128xf32, #tpu.memory_space<vmem>>, %arg2: memref<1x1x32xi32, #tpu.memory_space<vmem>>, %arg3: memref<2x128xf32, #tpu.memory_space<vmem>>, %arg4: memref<100x128xf32, #tpu.memory_space<vmem>>, %arg5: memref<128xf32, #tpu.memory_space<vmem>>, %arg6: memref<128xf32, #tpu.memory_space<vmem>>, %arg7: memref<32x100x128xf32, #tpu.memory_space<vmem>>) attributes {dimension_semantics = [#tpu.dimension_semantics<arbitrary>], iteration_bounds = array<i64: 32>, scalar_prefetch = 0 : i64, scratch_operands = 0 : i64, tpu.core_type = #tpu.core_type<tc>, window_params = [{transform_indices = @transform_0, window_bounds = array<i64: 3200, 128>}, {transform_indices = @transform_1, window_bounds = array<i64: 1, 1, 32>}, {pipeline_mode = #tpu.pipeline_mode<synchronous>, transform_indices = @transform_2, window_bounds = array<i64: 2, 128>}, {pipeline_mode = #tpu.pipeline_mode<synchronous>, transform_indices = @transform_3, window_bounds = array<i64: 100, 128>}, {pipeline_mode = #tpu.pipeline_mode<synchronous>, transform_indices = @transform_4, window_bounds = array<i64: 128>}, {pipeline_mode = #tpu.pipeline_mode<synchronous>, transform_indices = @transform_5, window_bounds = array<i64: 128>}, {transform_indices = @transform_6, window_bounds = array<i64: 32, 100, 128>}]} {
    %get3A = arith.constant 0 : index
    %get3A_0 = arith.constant 0 : index
    %get3A_1 = vector.load %arg1[%get3A, %get3A_0] : memref<3200x128xf32, #tpu.memory_space<vmem>>, vector<3200x128xf32>
    %reshape3A = vector.shape_cast %get3A_1 : vector<3200x128xf32> to vector<32x100x128xf32>
    %get3A_2 = arith.constant 0 : index
    %get3A_3 = arith.constant 0 : index
    %get3A_4 = arith.constant 0 : index
    %get3A_5 = vector.load %arg2[%get3A_2, %get3A_3, %get3A_4] : memref<1x1x32xi32, #tpu.memory_space<vmem>>, vector<1x1x32xi32>
    %get3A_6 = vector.shape_cast %get3A_5 : vector<1x1x32xi32> to vector<32xi32>
    %convert_element_type3A = arith.sitofp %get3A_6 : vector<32xi32> to vector<32xf32>
    %get3A_7 = arith.constant 0 : index
    %get3A_8 = arith.constant 0 : index
    %get3A_9 = vector.load %arg3[%get3A_7, %get3A_8] : memref<2x128xf32, #tpu.memory_space<vmem>>, vector<2x128xf32>
    %slice3A = vector.extract_strided_slice %get3A_9 {offsets = [0, 0], sizes = [1, 128], strides = [1, 1]} : vector<2x128xf32> to vector<1x128xf32>
    %squeeze3A = vector.shape_cast %slice3A : vector<1x128xf32> to vector<128xf32>
    %broadcast_in_dim3A = vector.shape_cast %squeeze3A : vector<128xf32> to vector<1x128xf32>
    %broadcast_in_dim3A_10 = vector.shape_cast %convert_element_type3A : vector<32xf32> to vector<32x1xf32>
    %slice3A_11 = vector.extract_strided_slice %get3A_9 {offsets = [1, 0], sizes = [1, 128], strides = [1, 1]} : vector<2x128xf32> to vector<1x128xf32>
    %squeeze3A_12 = vector.shape_cast %slice3A_11 : vector<1x128xf32> to vector<128xf32>
    %slice3A_13 = vector.extract_strided_slice %get3A_9 {offsets = [0, 0], sizes = [1, 128], strides = [1, 1]} : vector<2x128xf32> to vector<1x128xf32>
    %squeeze3A_14 = vector.shape_cast %slice3A_13 : vector<1x128xf32> to vector<128xf32>
    %sub3A = arith.subf %squeeze3A_12, %squeeze3A_14 : vector<128xf32>
    %broadcast_in_dim3A_15 = vector.shape_cast %sub3A : vector<128xf32> to vector<1x128xf32>
    %mul3A = vector.broadcast %broadcast_in_dim3A_10 : vector<32x1xf32> to vector<32x128xf32>
    %mul3A_16 = vector.broadcast %broadcast_in_dim3A_15 : vector<1x128xf32> to vector<32x128xf32>
    %mul3A_17 = arith.mulf %mul3A, %mul3A_16 : vector<32x128xf32>
    %add3A = vector.broadcast %broadcast_in_dim3A : vector<1x128xf32> to vector<32x128xf32>
    %add3A_18 = arith.addf %add3A, %mul3A_17 : vector<32x128xf32>
    %get3A_19 = arith.constant 0 : index
    %get3A_20 = arith.constant 0 : index
    %get3A_21 = vector.load %arg4[%get3A_19, %get3A_20] : memref<100x128xf32, #tpu.memory_space<vmem>>, vector<100x128xf32>
    %broadcast_in_dim3A_22 = vector.shape_cast %get3A_21 : vector<100x128xf32> to vector<1x100x128xf32>
    %add3A_23 = vector.broadcast %broadcast_in_dim3A_22 : vector<1x100x128xf32> to vector<32x100x128xf32>
    %add3A_24 = arith.addf %reshape3A, %add3A_23 : vector<32x100x128xf32>
    %broadcast_in_dim3A_25 = vector.shape_cast %add3A_18 : vector<32x128xf32> to vector<32x1x128xf32>
    %add3A_26 = vector.broadcast %broadcast_in_dim3A_25 : vector<32x1x128xf32> to vector<32x100x128xf32>
    %add3A_27 = arith.addf %add3A_24, %add3A_26 : vector<32x100x128xf32>
    %reduce_sum3A = arith.constant dense<0.000000e+00> : vector<32x100xf32>
    %reduce_sum3A_28 = vector.multi_reduction <add>, %add3A_27, %reduce_sum3A [2] : vector<32x100x128xf32> to vector<32x100xf32>
    %broadcast_in_dim3A_29 = vector.shape_cast %reduce_sum3A_28 : vector<32x100xf32> to vector<32x100x1xf32>
    %div3A = arith.constant 1.280000e+02 : f32
    %div3A_30 = vector.broadcast %div3A : f32 to vector<32x100x1xf32>
    %div3A_31 = arith.divf %broadcast_in_dim3A_29, %div3A_30 : vector<32x100x1xf32>
    %sub3A_32 = vector.broadcast %div3A_31 : vector<32x100x1xf32> to vector<32x100x128xf32>
    %sub3A_33 = arith.subf %add3A_27, %sub3A_32 : vector<32x100x128xf32>
    %mul3A_34 = arith.mulf %sub3A_33, %sub3A_33 : vector<32x100x128xf32>
    %reduce_sum3A_35 = arith.constant dense<0.000000e+00> : vector<32x100xf32>
    %reduce_sum3A_36 = vector.multi_reduction <add>, %mul3A_34, %reduce_sum3A_35 [2] : vector<32x100x128xf32> to vector<32x100xf32>
    %broadcast_in_dim3A_37 = vector.shape_cast %reduce_sum3A_36 : vector<32x100xf32> to vector<32x100x1xf32>
    %div3A_38 = arith.constant 1.280000e+02 : f32
    %div3A_39 = vector.broadcast %div3A_38 : f32 to vector<32x100x1xf32>
    %div3A_40 = arith.divf %broadcast_in_dim3A_37, %div3A_39 : vector<32x100x1xf32>
    %add3A_41 = arith.constant 9.99999974E-6 : f32
    %add3A_42 = vector.broadcast %add3A_41 : f32 to vector<32x100x1xf32>
    %add3A_43 = arith.addf %div3A_40, %add3A_42 : vector<32x100x1xf32>
    %rsqrt3A = math.rsqrt %add3A_43 : vector<32x100x1xf32>
    %mul3A_44 = vector.broadcast %rsqrt3A : vector<32x100x1xf32> to vector<32x100x128xf32>
    %mul3A_45 = arith.mulf %sub3A_33, %mul3A_44 : vector<32x100x128xf32>
    %get3A_46 = arith.constant 0 : index
    %get3A_47 = vector.load %arg5[%get3A_46] : memref<128xf32, #tpu.memory_space<vmem>>, vector<128xf32>
    %broadcast_in_dim3A_48 = vector.shape_cast %get3A_47 : vector<128xf32> to vector<1x1x128xf32>
    %mul3A_49 = vector.broadcast %broadcast_in_dim3A_48 : vector<1x1x128xf32> to vector<32x100x128xf32>
    %mul3A_50 = arith.mulf %mul3A_45, %mul3A_49 : vector<32x100x128xf32>
    %get3A_51 = arith.constant 0 : index
    %get3A_52 = vector.load %arg6[%get3A_51] : memref<128xf32, #tpu.memory_space<vmem>>, vector<128xf32>
    %broadcast_in_dim3A_53 = vector.shape_cast %get3A_52 : vector<128xf32> to vector<1x1x128xf32>
    %add3A_54 = vector.broadcast %broadcast_in_dim3A_53 : vector<1x1x128xf32> to vector<32x100x128xf32>
    %add3A_55 = arith.addf %mul3A_50, %add3A_54 : vector<32x100x128xf32>
    %swap3A = arith.constant 0 : index
    %swap3A_56 = arith.constant 0 : index
    %swap3A_57 = arith.constant 0 : index
    %swap3A_58 = vector.load %arg7[%swap3A, %swap3A_56, %swap3A_57] : memref<32x100x128xf32, #tpu.memory_space<vmem>>, vector<32x100x128xf32>
    tpu.vector_store %arg7[%swap3A, %swap3A_56, %swap3A_57], %add3A_55 {strides = array<i32>} : memref<32x100x128xf32, #tpu.memory_space<vmem>>, vector<32x100x128xf32>,
    return
  }
  func.func @transform_0(%arg0: i32) -> (i32, i32) {
    %c0_i32 = arith.constant 0 : i32
    %c0_i32_0 = arith.constant 0 : i32
    return %arg0, %c0_i32 : i32, i32
  }
  func.func @transform_1(%arg0: i32) -> (i32, i32, i32) {
    %c0_i32 = arith.constant 0 : i32
    %c0_i32_0 = arith.constant 0 : i32
    %c0_i32_1 = arith.constant 0 : i32
    return %arg0, %c0_i32, %c0_i32_0 : i32, i32, i32
  }
  func.func @transform_2(%arg0: i32) -> (i32, i32) {
    %c0_i32 = arith.constant 0 : i32
    %c0_i32_0 = arith.constant 0 : i32
    %c0_i32_1 = arith.constant 0 : i32
    return %c0_i32, %c0_i32_0 : i32, i32
  }
  func.func @transform_3(%arg0: i32) -> (i32, i32) {
    %c0_i32 = arith.constant 0 : i32
    %c0_i32_0 = arith.constant 0 : i32
    %c0_i32_1 = arith.constant 0 : i32
    return %c0_i32, %c0_i32_0 : i32, i32
  }
  func.func @transform_4(%arg0: i32) -> i32 {
    %c0_i32 = arith.constant 0 : i32
    %c0_i32_0 = arith.constant 0 : i32
    return %c0_i32 : i32
  }
  func.func @transform_5(%arg0: i32) -> i32 {
    %c0_i32 = arith.constant 0 : i32
    %c0_i32_0 = arith.constant 0 : i32
    return %c0_i32 : i32
  }
  func.func @transform_6(%arg0: i32) -> (i32, i32, i32) {
    %add3A = arith.constant 0 : i32
    %add3A_0 = arith.addi %arg0, %add3A : i32
    %c0_i32 = arith.constant 0 : i32
    %c0_i32_1 = arith.constant 0 : i32
    %c0_i32_2 = arith.constant 0 : i32
    return %add3A_0, %c0_i32, %c0_i32_1 : i32, i32, i32
  }
}

module attributes {stable_mosaic.version = 14 : i64} {
  func.func @body(%arg0: i32, %arg1: memref<3200x128xf32, #tpu.memory_space<vmem>>, %arg2: memref<1x1x32xi32, #tpu.memory_space<vmem>>, %arg3: memref<2x128xf32, #tpu.memory_space<vmem>>, %arg4: memref<100x128xf32, #tpu.memory_space<vmem>>, %arg5: memref<128xf32, #tpu.memory_space<vmem>>, %arg6: memref<128xf32, #tpu.memory_space<vmem>>, %arg7: memref<4096x100x128xf32, #tpu.memory_space<any>>, %arg8: memref<32x100x128xf32, #tpu.memory_space<vmem>>) attributes {dimension_semantics = [#tpu.dimension_semantics<arbitrary>], iteration_bounds = array<i64: 32>, scalar_prefetch = 0 : i64, scratch_operands = 0 : i64, tpu.core_type = #tpu.core_type<tc>, window_params = [{transform_indices = @transform_0, window_bounds = array<i64: 3200, 128>}, {transform_indices = @transform_1, window_bounds = array<i64: 1, 1, 32>}, {pipeline_mode = #tpu.pipeline_mode<synchronous>, transform_indices = @transform_2, window_bounds = array<i64: 2, 128>}, {pipeline_mode = #tpu.pipeline_mode<synchronous>, transform_indices = @transform_3, window_bounds = array<i64: 100, 128>}, {pipeline_mode = #tpu.pipeline_mode<synchronous>, transform_indices = @transform_4, window_bounds = array<i64: 128>}, {pipeline_mode = #tpu.pipeline_mode<synchronous>, transform_indices = @transform_5, window_bounds = array<i64: 128>}, {}, {transform_indices = @transform_7, window_bounds = array<i64: 32, 100, 128>}]} {
    %get3A = arith.constant 0 : index
    %get3A_0 = arith.constant 0 : index
    %get3A_1 = vector.load %arg1[%get3A, %get3A_0] : memref<3200x128xf32, #tpu.memory_space<vmem>>, vector<3200x128xf32>
    %reshape3A = vector.shape_cast %get3A_1 : vector<3200x128xf32> to vector<32x100x128xf32>
    %get3A_2 = arith.constant 0 : index
    %get3A_3 = arith.constant 0 : index
    %get3A_4 = arith.constant 0 : index
    %get3A_5 = vector.load %arg2[%get3A_2, %get3A_3, %get3A_4] : memref<1x1x32xi32, #tpu.memory_space<vmem>>, vector<1x1x32xi32>
    %get3A_6 = vector.shape_cast %get3A_5 : vector<1x1x32xi32> to vector<32xi32>
    %convert_element_type3A = arith.sitofp %get3A_6 : vector<32xi32> to vector<32xf32>
    %get3A_7 = arith.constant 0 : index
    %get3A_8 = arith.constant 0 : index
    %get3A_9 = vector.load %arg3[%get3A_7, %get3A_8] : memref<2x128xf32, #tpu.memory_space<vmem>>, vector<2x128xf32>
    %slice3A = vector.extract_strided_slice %get3A_9 {offsets = [0, 0], sizes = [1, 128], strides = [1, 1]} : vector<2x128xf32> to vector<1x128xf32>
    %squeeze3A = vector.shape_cast %slice3A : vector<1x128xf32> to vector<128xf32>
    %broadcast_in_dim3A = vector.shape_cast %squeeze3A : vector<128xf32> to vector<1x128xf32>
    %broadcast_in_dim3A_10 = vector.shape_cast %convert_element_type3A : vector<32xf32> to vector<32x1xf32>
    %slice3A_11 = vector.extract_strided_slice %get3A_9 {offsets = [1, 0], sizes = [1, 128], strides = [1, 1]} : vector<2x128xf32> to vector<1x128xf32>
    %squeeze3A_12 = vector.shape_cast %slice3A_11 : vector<1x128xf32> to vector<128xf32>
    %slice3A_13 = vector.extract_strided_slice %get3A_9 {offsets = [0, 0], sizes = [1, 128], strides = [1, 1]} : vector<2x128xf32> to vector<1x128xf32>
    %squeeze3A_14 = vector.shape_cast %slice3A_13 : vector<1x128xf32> to vector<128xf32>
    %sub3A = arith.subf %squeeze3A_12, %squeeze3A_14 : vector<128xf32>
    %broadcast_in_dim3A_15 = vector.shape_cast %sub3A : vector<128xf32> to vector<1x128xf32>
    %mul3A = vector.broadcast %broadcast_in_dim3A_10 : vector<32x1xf32> to vector<32x128xf32>
    %mul3A_16 = vector.broadcast %broadcast_in_dim3A_15 : vector<1x128xf32> to vector<32x128xf32>
    %mul3A_17 = arith.mulf %mul3A, %mul3A_16 : vector<32x128xf32>
    %add3A = vector.broadcast %broadcast_in_dim3A : vector<1x128xf32> to vector<32x128xf32>
    %add3A_18 = arith.addf %add3A, %mul3A_17 : vector<32x128xf32>
    %get3A_19 = arith.constant 0 : index
    %get3A_20 = arith.constant 0 : index
    %get3A_21 = vector.load %arg4[%get3A_19, %get3A_20] : memref<100x128xf32, #tpu.memory_space<vmem>>, vector<100x128xf32>
    %broadcast_in_dim3A_22 = vector.shape_cast %get3A_21 : vector<100x128xf32> to vector<1x100x128xf32>
    %add3A_23 = vector.broadcast %broadcast_in_dim3A_22 : vector<1x100x128xf32> to vector<32x100x128xf32>
    %add3A_24 = arith.addf %reshape3A, %add3A_23 : vector<32x100x128xf32>
    %broadcast_in_dim3A_25 = vector.shape_cast %add3A_18 : vector<32x128xf32> to vector<32x1x128xf32>
    %add3A_26 = vector.broadcast %broadcast_in_dim3A_25 : vector<32x1x128xf32> to vector<32x100x128xf32>
    %add3A_27 = arith.addf %add3A_24, %add3A_26 : vector<32x100x128xf32>
    %reduce_sum3A = arith.constant dense<0.000000e+00> : vector<32x100xf32>
    %reduce_sum3A_28 = vector.multi_reduction <add>, %add3A_27, %reduce_sum3A [2] : vector<32x100x128xf32> to vector<32x100xf32>
    %broadcast_in_dim3A_29 = vector.shape_cast %reduce_sum3A_28 : vector<32x100xf32> to vector<32x100x1xf32>
    %div3A = arith.constant 1.280000e+02 : f32
    %div3A_30 = vector.broadcast %div3A : f32 to vector<32x100x1xf32>
    %div3A_31 = arith.divf %broadcast_in_dim3A_29, %div3A_30 : vector<32x100x1xf32>
    %sub3A_32 = vector.broadcast %div3A_31 : vector<32x100x1xf32> to vector<32x100x128xf32>
    %sub3A_33 = arith.subf %add3A_27, %sub3A_32 : vector<32x100x128xf32>
    %mul3A_34 = arith.mulf %sub3A_33, %sub3A_33 : vector<32x100x128xf32>
    %reduce_sum3A_35 = arith.constant dense<0.000000e+00> : vector<32x100xf32>
    %reduce_sum3A_36 = vector.multi_reduction <add>, %mul3A_34, %reduce_sum3A_35 [2] : vector<32x100x128xf32> to vector<32x100xf32>
    %broadcast_in_dim3A_37 = vector.shape_cast %reduce_sum3A_36 : vector<32x100xf32> to vector<32x100x1xf32>
    %div3A_38 = arith.constant 1.280000e+02 : f32
    %div3A_39 = vector.broadcast %div3A_38 : f32 to vector<32x100x1xf32>
    %div3A_40 = arith.divf %broadcast_in_dim3A_37, %div3A_39 : vector<32x100x1xf32>
    %add3A_41 = arith.constant 9.99999974E-6 : f32
    %add3A_42 = vector.broadcast %add3A_41 : f32 to vector<32x100x1xf32>
    %add3A_43 = arith.addf %div3A_40, %add3A_42 : vector<32x100x1xf32>
    %rsqrt3A = math.rsqrt %add3A_43 : vector<32x100x1xf32>
    %mul3A_44 = vector.broadcast %rsqrt3A : vector<32x100x1xf32> to vector<32x100x128xf32>
    %mul3A_45 = arith.mulf %sub3A_33, %mul3A_44 : vector<32x100x128xf32>
    %get3A_46 = arith.constant 0 : index
    %get3A_47 = vector.load %arg5[%get3A_46] : memref<128xf32, #tpu.memory_space<vmem>>, vector<128xf32>
    %broadcast_in_dim3A_48 = vector.shape_cast %get3A_47 : vector<128xf32> to vector<1x1x128xf32>
    %mul3A_49 = vector.broadcast %broadcast_in_dim3A_48 : vector<1x1x128xf32> to vector<32x100x128xf32>
    %mul3A_50 = arith.mulf %mul3A_45, %mul3A_49 : vector<32x100x128xf32>
    %get3A_51 = arith.constant 0 : index
    %get3A_52 = vector.load %arg6[%get3A_51] : memref<128xf32, #tpu.memory_space<vmem>>, vector<128xf32>
    %broadcast_in_dim3A_53 = vector.shape_cast %get3A_52 : vector<128xf32> to vector<1x1x128xf32>
    %add3A_54 = vector.broadcast %broadcast_in_dim3A_53 : vector<1x1x128xf32> to vector<32x100x128xf32>
    %add3A_55 = arith.addf %mul3A_50, %add3A_54 : vector<32x100x128xf32>
    %swap3A = arith.constant 0 : index
    %swap3A_56 = arith.constant 0 : index
    %swap3A_57 = arith.constant 0 : index
    %swap3A_58 = vector.load %arg8[%swap3A, %swap3A_56, %swap3A_57] : memref<32x100x128xf32, #tpu.memory_space<vmem>>, vector<32x100x128xf32>
    tpu.vector_store %arg8[%swap3A, %swap3A_56, %swap3A_57], %add3A_55 {strides = array<i32>} : memref<32x100x128xf32, #tpu.memory_space<vmem>>, vector<32x100x128xf32>,
    return
  }
  func.func @transform_0(%arg0: i32) -> (i32, i32) {
    %c0_i32 = arith.constant 0 : i32
    %c0_i32_0 = arith.constant 0 : i32
    return %arg0, %c0_i32 : i32, i32
  }
  func.func @transform_1(%arg0: i32) -> (i32, i32, i32) {
    %c0_i32 = arith.constant 0 : i32
    %c0_i32_0 = arith.constant 0 : i32
    %c0_i32_1 = arith.constant 0 : i32
    return %arg0, %c0_i32, %c0_i32_0 : i32, i32, i32
  }
  func.func @transform_2(%arg0: i32) -> (i32, i32) {
    %c0_i32 = arith.constant 0 : i32
    %c0_i32_0 = arith.constant 0 : i32
    %c0_i32_1 = arith.constant 0 : i32
    return %c0_i32, %c0_i32_0 : i32, i32
  }
  func.func @transform_3(%arg0: i32) -> (i32, i32) {
    %c0_i32 = arith.constant 0 : i32
    %c0_i32_0 = arith.constant 0 : i32
    %c0_i32_1 = arith.constant 0 : i32
    return %c0_i32, %c0_i32_0 : i32, i32
  }
  func.func @transform_4(%arg0: i32) -> i32 {
    %c0_i32 = arith.constant 0 : i32
    %c0_i32_0 = arith.constant 0 : i32
    return %c0_i32 : i32
  }
  func.func @transform_5(%arg0: i32) -> i32 {
    %c0_i32 = arith.constant 0 : i32
    %c0_i32_0 = arith.constant 0 : i32
    return %c0_i32 : i32
  }
  func.func @transform_7(%arg0: i32) -> (i32, i32, i32) {
    %add3A = arith.constant 32 : i32
    %add3A_0 = arith.addi %arg0, %add3A : i32
    %c0_i32 = arith.constant 0 : i32
    %c0_i32_1 = arith.constant 0 : i32
    %c0_i32_2 = arith.constant 0 : i32
    return %add3A_0, %c0_i32, %c0_i32_1 : i32, i32, i32
  }
}

module attributes {stable_mosaic.version = 14 : i64} {
  func.func @body(%arg0: i32, %arg1: memref<3200x128xf32, #tpu.memory_space<vmem>>, %arg2: memref<1x1x32xi32, #tpu.memory_space<vmem>>, %arg3: memref<2x128xf32, #tpu.memory_space<vmem>>, %arg4: memref<100x128xf32, #tpu.memory_space<vmem>>, %arg5: memref<128xf32, #tpu.memory_space<vmem>>, %arg6: memref<128xf32, #tpu.memory_space<vmem>>, %arg7: memref<4096x100x128xf32, #tpu.memory_space<any>>, %arg8: memref<32x100x128xf32, #tpu.memory_space<vmem>>) attributes {dimension_semantics = [#tpu.dimension_semantics<arbitrary>], iteration_bounds = array<i64: 32>, scalar_prefetch = 0 : i64, scratch_operands = 0 : i64, tpu.core_type = #tpu.core_type<tc>, window_params = [{transform_indices = @transform_0, window_bounds = array<i64: 3200, 128>}, {transform_indices = @transform_1, window_bounds = array<i64: 1, 1, 32>}, {pipeline_mode = #tpu.pipeline_mode<synchronous>, transform_indices = @transform_2, window_bounds = array<i64: 2, 128>}, {pipeline_mode = #tpu.pipeline_mode<synchronous>, transform_indices = @transform_3, window_bounds = array<i64: 100, 128>}, {pipeline_mode = #tpu.pipeline_mode<synchronous>, transform_indices = @transform_4, window_bounds = array<i64: 128>}, {pipeline_mode = #tpu.pipeline_mode<synchronous>, transform_indices = @transform_5, window_bounds = array<i64: 128>}, {}, {transform_indices = @transform_7, window_bounds = array<i64: 32, 100, 128>}]} {
    %get3A = arith.constant 0 : index
    %get3A_0 = arith.constant 0 : index
    %get3A_1 = vector.load %arg1[%get3A, %get3A_0] : memref<3200x128xf32, #tpu.memory_space<vmem>>, vector<3200x128xf32>
    %reshape3A = vector.shape_cast %get3A_1 : vector<3200x128xf32> to vector<32x100x128xf32>
    %get3A_2 = arith.constant 0 : index
    %get3A_3 = arith.constant 0 : index
    %get3A_4 = arith.constant 0 : index
    %get3A_5 = vector.load %arg2[%get3A_2, %get3A_3, %get3A_4] : memref<1x1x32xi32, #tpu.memory_space<vmem>>, vector<1x1x32xi32>
    %get3A_6 = vector.shape_cast %get3A_5 : vector<1x1x32xi32> to vector<32xi32>
    %convert_element_type3A = arith.sitofp %get3A_6 : vector<32xi32> to vector<32xf32>
    %get3A_7 = arith.constant 0 : index
    %get3A_8 = arith.constant 0 : index
    %get3A_9 = vector.load %arg3[%get3A_7, %get3A_8] : memref<2x128xf32, #tpu.memory_space<vmem>>, vector<2x128xf32>
    %slice3A = vector.extract_strided_slice %get3A_9 {offsets = [0, 0], sizes = [1, 128], strides = [1, 1]} : vector<2x128xf32> to vector<1x128xf32>
    %squeeze3A = vector.shape_cast %slice3A : vector<1x128xf32> to vector<128xf32>
    %broadcast_in_dim3A = vector.shape_cast %squeeze3A : vector<128xf32> to vector<1x128xf32>
    %broadcast_in_dim3A_10 = vector.shape_cast %convert_element_type3A : vector<32xf32> to vector<32x1xf32>
    %slice3A_11 = vector.extract_strided_slice %get3A_9 {offsets = [1, 0], sizes = [1, 128], strides = [1, 1]} : vector<2x128xf32> to vector<1x128xf32>
    %squeeze3A_12 = vector.shape_cast %slice3A_11 : vector<1x128xf32> to vector<128xf32>
    %slice3A_13 = vector.extract_strided_slice %get3A_9 {offsets = [0, 0], sizes = [1, 128], strides = [1, 1]} : vector<2x128xf32> to vector<1x128xf32>
    %squeeze3A_14 = vector.shape_cast %slice3A_13 : vector<1x128xf32> to vector<128xf32>
    %sub3A = arith.subf %squeeze3A_12, %squeeze3A_14 : vector<128xf32>
    %broadcast_in_dim3A_15 = vector.shape_cast %sub3A : vector<128xf32> to vector<1x128xf32>
    %mul3A = vector.broadcast %broadcast_in_dim3A_10 : vector<32x1xf32> to vector<32x128xf32>
    %mul3A_16 = vector.broadcast %broadcast_in_dim3A_15 : vector<1x128xf32> to vector<32x128xf32>
    %mul3A_17 = arith.mulf %mul3A, %mul3A_16 : vector<32x128xf32>
    %add3A = vector.broadcast %broadcast_in_dim3A : vector<1x128xf32> to vector<32x128xf32>
    %add3A_18 = arith.addf %add3A, %mul3A_17 : vector<32x128xf32>
    %get3A_19 = arith.constant 0 : index
    %get3A_20 = arith.constant 0 : index
    %get3A_21 = vector.load %arg4[%get3A_19, %get3A_20] : memref<100x128xf32, #tpu.memory_space<vmem>>, vector<100x128xf32>
    %broadcast_in_dim3A_22 = vector.shape_cast %get3A_21 : vector<100x128xf32> to vector<1x100x128xf32>
    %add3A_23 = vector.broadcast %broadcast_in_dim3A_22 : vector<1x100x128xf32> to vector<32x100x128xf32>
    %add3A_24 = arith.addf %reshape3A, %add3A_23 : vector<32x100x128xf32>
    %broadcast_in_dim3A_25 = vector.shape_cast %add3A_18 : vector<32x128xf32> to vector<32x1x128xf32>
    %add3A_26 = vector.broadcast %broadcast_in_dim3A_25 : vector<32x1x128xf32> to vector<32x100x128xf32>
    %add3A_27 = arith.addf %add3A_24, %add3A_26 : vector<32x100x128xf32>
    %reduce_sum3A = arith.constant dense<0.000000e+00> : vector<32x100xf32>
    %reduce_sum3A_28 = vector.multi_reduction <add>, %add3A_27, %reduce_sum3A [2] : vector<32x100x128xf32> to vector<32x100xf32>
    %broadcast_in_dim3A_29 = vector.shape_cast %reduce_sum3A_28 : vector<32x100xf32> to vector<32x100x1xf32>
    %div3A = arith.constant 1.280000e+02 : f32
    %div3A_30 = vector.broadcast %div3A : f32 to vector<32x100x1xf32>
    %div3A_31 = arith.divf %broadcast_in_dim3A_29, %div3A_30 : vector<32x100x1xf32>
    %sub3A_32 = vector.broadcast %div3A_31 : vector<32x100x1xf32> to vector<32x100x128xf32>
    %sub3A_33 = arith.subf %add3A_27, %sub3A_32 : vector<32x100x128xf32>
    %mul3A_34 = arith.mulf %sub3A_33, %sub3A_33 : vector<32x100x128xf32>
    %reduce_sum3A_35 = arith.constant dense<0.000000e+00> : vector<32x100xf32>
    %reduce_sum3A_36 = vector.multi_reduction <add>, %mul3A_34, %reduce_sum3A_35 [2] : vector<32x100x128xf32> to vector<32x100xf32>
    %broadcast_in_dim3A_37 = vector.shape_cast %reduce_sum3A_36 : vector<32x100xf32> to vector<32x100x1xf32>
    %div3A_38 = arith.constant 1.280000e+02 : f32
    %div3A_39 = vector.broadcast %div3A_38 : f32 to vector<32x100x1xf32>
    %div3A_40 = arith.divf %broadcast_in_dim3A_37, %div3A_39 : vector<32x100x1xf32>
    %add3A_41 = arith.constant 9.99999974E-6 : f32
    %add3A_42 = vector.broadcast %add3A_41 : f32 to vector<32x100x1xf32>
    %add3A_43 = arith.addf %div3A_40, %add3A_42 : vector<32x100x1xf32>
    %rsqrt3A = math.rsqrt %add3A_43 : vector<32x100x1xf32>
    %mul3A_44 = vector.broadcast %rsqrt3A : vector<32x100x1xf32> to vector<32x100x128xf32>
    %mul3A_45 = arith.mulf %sub3A_33, %mul3A_44 : vector<32x100x128xf32>
    %get3A_46 = arith.constant 0 : index
    %get3A_47 = vector.load %arg5[%get3A_46] : memref<128xf32, #tpu.memory_space<vmem>>, vector<128xf32>
    %broadcast_in_dim3A_48 = vector.shape_cast %get3A_47 : vector<128xf32> to vector<1x1x128xf32>
    %mul3A_49 = vector.broadcast %broadcast_in_dim3A_48 : vector<1x1x128xf32> to vector<32x100x128xf32>
    %mul3A_50 = arith.mulf %mul3A_45, %mul3A_49 : vector<32x100x128xf32>
    %get3A_51 = arith.constant 0 : index
    %get3A_52 = vector.load %arg6[%get3A_51] : memref<128xf32, #tpu.memory_space<vmem>>, vector<128xf32>
    %broadcast_in_dim3A_53 = vector.shape_cast %get3A_52 : vector<128xf32> to vector<1x1x128xf32>
    %add3A_54 = vector.broadcast %broadcast_in_dim3A_53 : vector<1x1x128xf32> to vector<32x100x128xf32>
    %add3A_55 = arith.addf %mul3A_50, %add3A_54 : vector<32x100x128xf32>
    %swap3A = arith.constant 0 : index
    %swap3A_56 = arith.constant 0 : index
    %swap3A_57 = arith.constant 0 : index
    %swap3A_58 = vector.load %arg8[%swap3A, %swap3A_56, %swap3A_57] : memref<32x100x128xf32, #tpu.memory_space<vmem>>, vector<32x100x128xf32>
    tpu.vector_store %arg8[%swap3A, %swap3A_56, %swap3A_57], %add3A_55 {strides = array<i32>} : memref<32x100x128xf32, #tpu.memory_space<vmem>>, vector<32x100x128xf32>,
    return
  }
  func.func @transform_0(%arg0: i32) -> (i32, i32) {
    %c0_i32 = arith.constant 0 : i32
    %c0_i32_0 = arith.constant 0 : i32
    return %arg0, %c0_i32 : i32, i32
  }
  func.func @transform_1(%arg0: i32) -> (i32, i32, i32) {
    %c0_i32 = arith.constant 0 : i32
    %c0_i32_0 = arith.constant 0 : i32
    %c0_i32_1 = arith.constant 0 : i32
    return %arg0, %c0_i32, %c0_i32_0 : i32, i32, i32
  }
  func.func @transform_2(%arg0: i32) -> (i32, i32) {
    %c0_i32 = arith.constant 0 : i32
    %c0_i32_0 = arith.constant 0 : i32
    %c0_i32_1 = arith.constant 0 : i32
    return %c0_i32, %c0_i32_0 : i32, i32
  }
  func.func @transform_3(%arg0: i32) -> (i32, i32) {
    %c0_i32 = arith.constant 0 : i32
    %c0_i32_0 = arith.constant 0 : i32
    %c0_i32_1 = arith.constant 0 : i32
    return %c0_i32, %c0_i32_0 : i32, i32
  }
  func.func @transform_4(%arg0: i32) -> i32 {
    %c0_i32 = arith.constant 0 : i32
    %c0_i32_0 = arith.constant 0 : i32
    return %c0_i32 : i32
  }
  func.func @transform_5(%arg0: i32) -> i32 {
    %c0_i32 = arith.constant 0 : i32
    %c0_i32_0 = arith.constant 0 : i32
    return %c0_i32 : i32
  }
  func.func @transform_7(%arg0: i32) -> (i32, i32, i32) {
    %add3A = arith.constant 64 : i32
    %add3A_0 = arith.addi %arg0, %add3A : i32
    %c0_i32 = arith.constant 0 : i32
    %c0_i32_1 = arith.constant 0 : i32
    %c0_i32_2 = arith.constant 0 : i32
    return %add3A_0, %c0_i32, %c0_i32_1 : i32, i32, i32
  }
}

module attributes {stable_mosaic.version = 14 : i64} {
  func.func @body(%arg0: i32, %arg1: memref<3200x128xf32, #tpu.memory_space<vmem>>, %arg2: memref<1x1x32xi32, #tpu.memory_space<vmem>>, %arg3: memref<2x128xf32, #tpu.memory_space<vmem>>, %arg4: memref<100x128xf32, #tpu.memory_space<vmem>>, %arg5: memref<128xf32, #tpu.memory_space<vmem>>, %arg6: memref<128xf32, #tpu.memory_space<vmem>>, %arg7: memref<4096x100x128xf32, #tpu.memory_space<any>>, %arg8: memref<32x100x128xf32, #tpu.memory_space<vmem>>) attributes {dimension_semantics = [#tpu.dimension_semantics<arbitrary>], iteration_bounds = array<i64: 32>, scalar_prefetch = 0 : i64, scratch_operands = 0 : i64, tpu.core_type = #tpu.core_type<tc>, window_params = [{transform_indices = @transform_0, window_bounds = array<i64: 3200, 128>}, {transform_indices = @transform_1, window_bounds = array<i64: 1, 1, 32>}, {pipeline_mode = #tpu.pipeline_mode<synchronous>, transform_indices = @transform_2, window_bounds = array<i64: 2, 128>}, {pipeline_mode = #tpu.pipeline_mode<synchronous>, transform_indices = @transform_3, window_bounds = array<i64: 100, 128>}, {pipeline_mode = #tpu.pipeline_mode<synchronous>, transform_indices = @transform_4, window_bounds = array<i64: 128>}, {pipeline_mode = #tpu.pipeline_mode<synchronous>, transform_indices = @transform_5, window_bounds = array<i64: 128>}, {}, {transform_indices = @transform_7, window_bounds = array<i64: 32, 100, 128>}]} {
    %get3A = arith.constant 0 : index
    %get3A_0 = arith.constant 0 : index
    %get3A_1 = vector.load %arg1[%get3A, %get3A_0] : memref<3200x128xf32, #tpu.memory_space<vmem>>, vector<3200x128xf32>
    %reshape3A = vector.shape_cast %get3A_1 : vector<3200x128xf32> to vector<32x100x128xf32>
    %get3A_2 = arith.constant 0 : index
    %get3A_3 = arith.constant 0 : index
    %get3A_4 = arith.constant 0 : index
    %get3A_5 = vector.load %arg2[%get3A_2, %get3A_3, %get3A_4] : memref<1x1x32xi32, #tpu.memory_space<vmem>>, vector<1x1x32xi32>
    %get3A_6 = vector.shape_cast %get3A_5 : vector<1x1x32xi32> to vector<32xi32>
    %convert_element_type3A = arith.sitofp %get3A_6 : vector<32xi32> to vector<32xf32>
    %get3A_7 = arith.constant 0 : index
    %get3A_8 = arith.constant 0 : index
    %get3A_9 = vector.load %arg3[%get3A_7, %get3A_8] : memref<2x128xf32, #tpu.memory_space<vmem>>, vector<2x128xf32>
    %slice3A = vector.extract_strided_slice %get3A_9 {offsets = [0, 0], sizes = [1, 128], strides = [1, 1]} : vector<2x128xf32> to vector<1x128xf32>
    %squeeze3A = vector.shape_cast %slice3A : vector<1x128xf32> to vector<128xf32>
    %broadcast_in_dim3A = vector.shape_cast %squeeze3A : vector<128xf32> to vector<1x128xf32>
    %broadcast_in_dim3A_10 = vector.shape_cast %convert_element_type3A : vector<32xf32> to vector<32x1xf32>
    %slice3A_11 = vector.extract_strided_slice %get3A_9 {offsets = [1, 0], sizes = [1, 128], strides = [1, 1]} : vector<2x128xf32> to vector<1x128xf32>
    %squeeze3A_12 = vector.shape_cast %slice3A_11 : vector<1x128xf32> to vector<128xf32>
    %slice3A_13 = vector.extract_strided_slice %get3A_9 {offsets = [0, 0], sizes = [1, 128], strides = [1, 1]} : vector<2x128xf32> to vector<1x128xf32>
    %squeeze3A_14 = vector.shape_cast %slice3A_13 : vector<1x128xf32> to vector<128xf32>
    %sub3A = arith.subf %squeeze3A_12, %squeeze3A_14 : vector<128xf32>
    %broadcast_in_dim3A_15 = vector.shape_cast %sub3A : vector<128xf32> to vector<1x128xf32>
    %mul3A = vector.broadcast %broadcast_in_dim3A_10 : vector<32x1xf32> to vector<32x128xf32>
    %mul3A_16 = vector.broadcast %broadcast_in_dim3A_15 : vector<1x128xf32> to vector<32x128xf32>
    %mul3A_17 = arith.mulf %mul3A, %mul3A_16 : vector<32x128xf32>
    %add3A = vector.broadcast %broadcast_in_dim3A : vector<1x128xf32> to vector<32x128xf32>
    %add3A_18 = arith.addf %add3A, %mul3A_17 : vector<32x128xf32>
    %get3A_19 = arith.constant 0 : index
    %get3A_20 = arith.constant 0 : index
    %get3A_21 = vector.load %arg4[%get3A_19, %get3A_20] : memref<100x128xf32, #tpu.memory_space<vmem>>, vector<100x128xf32>
    %broadcast_in_dim3A_22 = vector.shape_cast %get3A_21 : vector<100x128xf32> to vector<1x100x128xf32>
    %add3A_23 = vector.broadcast %broadcast_in_dim3A_22 : vector<1x100x128xf32> to vector<32x100x128xf32>
    %add3A_24 = arith.addf %reshape3A, %add3A_23 : vector<32x100x128xf32>
    %broadcast_in_dim3A_25 = vector.shape_cast %add3A_18 : vector<32x128xf32> to vector<32x1x128xf32>
    %add3A_26 = vector.broadcast %broadcast_in_dim3A_25 : vector<32x1x128xf32> to vector<32x100x128xf32>
    %add3A_27 = arith.addf %add3A_24, %add3A_26 : vector<32x100x128xf32>
    %reduce_sum3A = arith.constant dense<0.000000e+00> : vector<32x100xf32>
    %reduce_sum3A_28 = vector.multi_reduction <add>, %add3A_27, %reduce_sum3A [2] : vector<32x100x128xf32> to vector<32x100xf32>
    %broadcast_in_dim3A_29 = vector.shape_cast %reduce_sum3A_28 : vector<32x100xf32> to vector<32x100x1xf32>
    %div3A = arith.constant 1.280000e+02 : f32
    %div3A_30 = vector.broadcast %div3A : f32 to vector<32x100x1xf32>
    %div3A_31 = arith.divf %broadcast_in_dim3A_29, %div3A_30 : vector<32x100x1xf32>
    %sub3A_32 = vector.broadcast %div3A_31 : vector<32x100x1xf32> to vector<32x100x128xf32>
    %sub3A_33 = arith.subf %add3A_27, %sub3A_32 : vector<32x100x128xf32>
    %mul3A_34 = arith.mulf %sub3A_33, %sub3A_33 : vector<32x100x128xf32>
    %reduce_sum3A_35 = arith.constant dense<0.000000e+00> : vector<32x100xf32>
    %reduce_sum3A_36 = vector.multi_reduction <add>, %mul3A_34, %reduce_sum3A_35 [2] : vector<32x100x128xf32> to vector<32x100xf32>
    %broadcast_in_dim3A_37 = vector.shape_cast %reduce_sum3A_36 : vector<32x100xf32> to vector<32x100x1xf32>
    %div3A_38 = arith.constant 1.280000e+02 : f32
    %div3A_39 = vector.broadcast %div3A_38 : f32 to vector<32x100x1xf32>
    %div3A_40 = arith.divf %broadcast_in_dim3A_37, %div3A_39 : vector<32x100x1xf32>
    %add3A_41 = arith.constant 9.99999974E-6 : f32
    %add3A_42 = vector.broadcast %add3A_41 : f32 to vector<32x100x1xf32>
    %add3A_43 = arith.addf %div3A_40, %add3A_42 : vector<32x100x1xf32>
    %rsqrt3A = math.rsqrt %add3A_43 : vector<32x100x1xf32>
    %mul3A_44 = vector.broadcast %rsqrt3A : vector<32x100x1xf32> to vector<32x100x128xf32>
    %mul3A_45 = arith.mulf %sub3A_33, %mul3A_44 : vector<32x100x128xf32>
    %get3A_46 = arith.constant 0 : index
    %get3A_47 = vector.load %arg5[%get3A_46] : memref<128xf32, #tpu.memory_space<vmem>>, vector<128xf32>
    %broadcast_in_dim3A_48 = vector.shape_cast %get3A_47 : vector<128xf32> to vector<1x1x128xf32>
    %mul3A_49 = vector.broadcast %broadcast_in_dim3A_48 : vector<1x1x128xf32> to vector<32x100x128xf32>
    %mul3A_50 = arith.mulf %mul3A_45, %mul3A_49 : vector<32x100x128xf32>
    %get3A_51 = arith.constant 0 : index
    %get3A_52 = vector.load %arg6[%get3A_51] : memref<128xf32, #tpu.memory_space<vmem>>, vector<128xf32>
    %broadcast_in_dim3A_53 = vector.shape_cast %get3A_52 : vector<128xf32> to vector<1x1x128xf32>
    %add3A_54 = vector.broadcast %broadcast_in_dim3A_53 : vector<1x1x128xf32> to vector<32x100x128xf32>
    %add3A_55 = arith.addf %mul3A_50, %add3A_54 : vector<32x100x128xf32>
    %swap3A = arith.constant 0 : index
    %swap3A_56 = arith.constant 0 : index
    %swap3A_57 = arith.constant 0 : index
    %swap3A_58 = vector.load %arg8[%swap3A, %swap3A_56, %swap3A_57] : memref<32x100x128xf32, #tpu.memory_space<vmem>>, vector<32x100x128xf32>
    tpu.vector_store %arg8[%swap3A, %swap3A_56, %swap3A_57], %add3A_55 {strides = array<i32>} : memref<32x100x128xf32, #tpu.memory_space<vmem>>, vector<32x100x128xf32>,
    return
  }
  func.func @transform_0(%arg0: i32) -> (i32, i32) {
    %c0_i32 = arith.constant 0 : i32
    %c0_i32_0 = arith.constant 0 : i32
    return %arg0, %c0_i32 : i32, i32
  }
  func.func @transform_1(%arg0: i32) -> (i32, i32, i32) {
    %c0_i32 = arith.constant 0 : i32
    %c0_i32_0 = arith.constant 0 : i32
    %c0_i32_1 = arith.constant 0 : i32
    return %arg0, %c0_i32, %c0_i32_0 : i32, i32, i32
  }
  func.func @transform_2(%arg0: i32) -> (i32, i32) {
    %c0_i32 = arith.constant 0 : i32
    %c0_i32_0 = arith.constant 0 : i32
    %c0_i32_1 = arith.constant 0 : i32
    return %c0_i32, %c0_i32_0 : i32, i32
  }
  func.func @transform_3(%arg0: i32) -> (i32, i32) {
    %c0_i32 = arith.constant 0 : i32
    %c0_i32_0 = arith.constant 0 : i32
    %c0_i32_1 = arith.constant 0 : i32
    return %c0_i32, %c0_i32_0 : i32, i32
  }
  func.func @transform_4(%arg0: i32) -> i32 {
    %c0_i32 = arith.constant 0 : i32
    %c0_i32_0 = arith.constant 0 : i32
    return %c0_i32 : i32
  }
  func.func @transform_5(%arg0: i32) -> i32 {
    %c0_i32 = arith.constant 0 : i32
    %c0_i32_0 = arith.constant 0 : i32
    return %c0_i32 : i32
  }
  func.func @transform_7(%arg0: i32) -> (i32, i32, i32) {
    %add3A = arith.constant 96 : i32
    %add3A_0 = arith.addi %arg0, %add3A : i32
    %c0_i32 = arith.constant 0 : i32
    %c0_i32_1 = arith.constant 0 : i32
    %c0_i32_2 = arith.constant 0 : i32
    return %add3A_0, %c0_i32, %c0_i32_1 : i32, i32, i32
  }
}

</mosaic_0001>

<sc_bundles>
// kernel: kernel.10.cloned.1.call-start
scs
__scs_entry_jumppad:
0x0: {  	(pc) =	sbr.rel $0x88, $3  }
0x1: {  	(tag) =	ssettag $0x0;
	lr =	simm.s32 $0x1  }
0x2: {  	[smem:$0x3F9A] =	sst lr;
	_ =	strace $0xD0000000  }
0x3: {  	_ = 	snop  }
0x4: {  	_ = 	snop  }
0x5: {  	_ = 	snop  }
0x6: {  	_ = 	snop  }
0x7: {  	_ = 	snop  }
__scs_overlays_trampoline_lowered:
0x8: {  	[smem:$0x3FA9] =	sst s0  }
0x9: {  	[smem:$0x3FAA] =	sst s1  }
0xa: {  	[smem:$0x3FAB] =	sst s2  }
0xb: {  	[smem:$0x3FAC] =	sst s3  }
0xc: {  	[smem:$0x3FAD] =	sst s4  }
0xd: {  	[smem:$0x3FAE] =	sst s5  }
0xe: {  	[smem:$0x3FAF] =	sst s6  }
0xf: {  	[smem:$0x3FB0] =	sst s7  }
0x10: {  	[smem:$0x3FB1] =	sst s8  }
0x11: {  	[smem:$0x3FB2] =	sst s9;
	s0 =	simm.s32 @!p0 $0x0  }
0x12: {  	s1 =	sld [smem:$0x3F98];
	s0 =	simm.s32 @p0 $0x1  }
0x13: {  	[smem:$0x3FB3] =	sst s0;
	s0 =	simm.s32 @!p1 $0x0  }
0x14: {  	s2 =	sld [smem:$0x3F97];
	s0 =	simm.s32 @p1 $0x1  }
0x15: {  	[smem:$0x3FB4] =	sst s0;
	s0 =	simm.s32 @!p2 $0x0  }
0x16: {  	s3 =	sld [smem:$0x3FDB];
	s0 =	simm.s32 @p2 $0x1  }
0x17: {  	s4 =	simm.s32 $0x1BF5;
	[smem:$0x3FB6] =	sst s0  }
0x18: {  	s0 =	sld [smem:$0x3F99];
	_ =	swait.ge [sflag:s4], $0x0  }
0x19: {  	s7 =	sld [smem:$0x3F9A]  }
0x1a: {  	s8 =	sadd.s32 $0xFFFFE003, lr  }
0x1b: {  	s9 =	sadd.s32 $0xFFFFFEF7, lr;
	s5 =	simm.s32 $0xFFFFFFFF;
	p2 =	slt.u32 s8, $0xFFFFF086  }
0x1c: {  	p1 =	slt.u32 s9, $0xF7A;
	s5 =	simm.s32 @!p2 $0x0  }
0x1d: {  	s5 =	simm.s32 @p1 $0x1;
	p0 =	seq.s32 s7, s2  }
0x1e: {  	s7 =	smul.u32 @!p0 $0xF7A, s2;
	p2 =	seq.s32 @!p0 s5, $0x0  }
0x1f: {  	s9 =	smul.u32 $0xF7A, s1;
	s8 =	simm.s32 @!p0 $0x1BF5;
	p2 =	por !p2, p0  }
0x20: {  	[sflag:s8] =	ssyncset.s32 @!p0 $0xFFFFF086;
	s6 =	sadd.s32 @!p0 s3, s7;
	s7 =	simm.s32 @!p0 $0x108  }
0x21: {  	s3 =	sadd.s32 s3, s9;
	s6 =	sadd.s32 @!p0 $0x88, s6;
	s7 =	simm.s32 @p2 $0x1082  }
0x22: {  	[simem:s7], [sflag:s8] =	dma.local @!p0 [hbm:s6], $0xF7A  }
0x23: {  	s9 =	sor.u32 $0xD0000000, s2;
	s6 =	simm.s32 $0x108;
	_ =	swait.ge @!p0 [sflag:s8], $0x0  }
0x24: {  	s3 =	sadd.s32 $0x88, s3;
	s6 =	simm.s32 @!p1 $0x1082;
	[sflag:s4] =	ssyncset.s32 $0xFFFFF086  }
0x25: {  	[simem:s6], [sflag:s4] =	dma.local [hbm:s3], $0xF7A  }
0x26: {  	[smem:$0x3F9A] =	sst s1;
	(tag) =	ssettag s2;
	_ =	strace s9  }
0x27: {  	s1 =	sld [smem:$0x3FAA]  }
0x28: {  	s2 =	sld [smem:$0x3FAB]  }
0x29: {  	s4 =	sld [smem:$0x3FAD]  }
0x2a: {  	p0 =	seq.s32 s5, $0x0;
	s5 =	sld [smem:$0x3FAE]  }
0x2b: {  	s6 =	sld [smem:$0x3FAF]  }
0x2c: {  	s7 =	sld [smem:$0x3FB0]  }
0x2d: {  	s3 =	simm.s32 $0x108;
	s8 =	sld [smem:$0x3FB1]  }
0x2e: {  	s3 =	simm.s32 @!p0 $0x1082;
	s9 =	sld [smem:$0x3FB2]  }
0x2f: {  	lr =	sadd.s32 s0, s3;
	s0 =	sld [smem:$0x3FA9]  }
0x30: {  	s3 =	sld [smem:$0x3FAC]  }
0x31: {  	[smem:$0x3FB5] =	sst s10  }
0x32: {  	s10 =	sld [smem:$0x3FB3];
	_ =	sdelay $0x3  }
0x33: {  	p0 =	seq.s32 s10, $0x1;
	s10 =	sld [smem:$0x3FB5];
	_ =	sdelay $0x3  }
0x34: {  	[smem:$0x3FB5] =	sst s10  }
0x35: {  	s10 =	sld [smem:$0x3FB4];
	_ =	sdelay $0x3  }
0x36: {  	p1 =	seq.s32 s10, $0x1;
	s10 =	sld [smem:$0x3FB5];
	_ =	sdelay $0x3  }
0x37: {  	[smem:$0x3FB5] =	sst s10  }
0x38: {  	s10 =	sld [smem:$0x3FB6]  }
0x39: {  	_ = 	snop;
	(pc) =	sbr.ind lr, $3  }
0x3a: {  	_ = 	snop  }
0x3b: {  	_ = 	snop  }
0x3c: {  	p2 =	seq.s32 s10, $0x1;
	s10 =	sld [smem:$0x3FB5]  }
0x3d: {  	_ =	shalt  }
0x3e: {  	_ =	shalt  }
0x3f: {  	_ =	shalt  }
0x40: {  	_ =	shalt  }
0x41: {  	_ =	shalt  }
0x42: {  	_ =	shalt  }
0x43: {  	_ =	shalt  }
0x44: {  	_ =	shalt  }
0x45: {  	_ =	shalt  }
0x46: {  	_ =	shalt  }
0x47: {  	_ =	shalt  }
0x48: {  	_ =	shalt  }
0x49: {  	_ =	shalt  }
0x4a: {  	_ =	shalt  }
0x4b: {  	_ =	shalt  }
0x4c: {  	_ =	shalt  }
0x4d: {  	_ =	shalt  }
0x4e: {  	_ =	shalt  }
0x4f: {  	_ =	shalt  }
0x50: {  	_ =	shalt  }
0x51: {  	_ =	shalt  }
0x52: {  	_ =	shalt  }
0x53: {  	_ =	shalt  }
0x54: {  	_ =	shalt  }
0x55: {  	_ =	shalt  }
0x56: {  	_ =	shalt  }
0x57: {  	_ =	shalt  }
0x58: {  	_ =	shalt  }
0x59: {  	_ =	shalt  }
0x5a: {  	_ =	shalt  }
0x5b: {  	_ =	shalt  }
0x5c: {  	_ =	shalt  }
0x5d: {  	_ =	shalt  }
0x5e: {  	_ =	shalt  }
0x5f: {  	_ =	shalt  }
0x60: {  	_ =	shalt  }
0x61: {  	_ =	shalt  }
0x62: {  	_ =	shalt  }
0x63: {  	_ =	shalt  }
0x64: {  	_ =	shalt  }
0x65: {  	_ =	shalt  }
0x66: {  	_ =	shalt  }
0x67: {  	_ =	shalt  }
0x68: {  	_ =	shalt  }
0x69: {  	_ =	shalt  }
0x6a: {  	_ =	shalt  }
0x6b: {  	_ =	shalt  }
0x6c: {  	_ =	shalt  }
0x6d: {  	_ =	shalt  }
0x6e: {  	_ =	shalt  }
0x6f: {  	_ =	shalt  }
0x70: {  	_ =	shalt  }
0x71: {  	_ =	shalt  }
0x72: {  	_ =	shalt  }
0x73: {  	_ =	shalt  }
0x74: {  	_ =	shalt  }
0x75: {  	_ =	shalt  }
0x76: {  	_ =	shalt  }
0x77: {  	_ =	shalt  }
0x78: {  	_ =	shalt  }
0x79: {  	_ =	shalt  }
0x7a: {  	_ =	shalt  }
0x7b: {  	_ =	shalt  }
0x7c: {  	_ =	shalt  }
0x7d: {  	_ =	shalt  }
0x7e: {  	_ =	shalt  }
0x7f: {  	_ =	shalt  }
0x80: {  	_ =	shalt  }
0x81: {  	_ =	shalt  }
0x82: {  	_ =	shalt  }
0x83: {  	_ =	shalt  }
0x84: {  	_ =	shalt  }
0x85: {  	_ =	shalt  }
0x86: {  	_ =	shalt  }
0x87: {  	_ =	shalt  }
.Lfunc_end0:
.L_simem_size_0:
called_computation_lowered:
.L_overlay_start_0:
0x88: {  	s2 =	sld [smem:$0x3FD9]  }
0x89: {  	s3 =	sld [smem:$0x3FFE];
	_ =	sdelay $0x1  }
0x8a: {  	s1 =	srdreg.scid  }
0x8b: {  	s0 =	sand.u32 $0x1, s1  }
0x8c: {  	s17 =	sshll.u32 s0, $0xA;
	s2 =	sadd.s32 s3, s2  }
0x8d: {  	s2 =	sadd.s32 s2, s17  }
0x8e: {  	[smem:$0x3FC1] =	sst s2  }
0x8f: {  	_ = 	snop  }
0x90: {  	s2 =	sld [smem:$0x3FC7];
	(tm) =	ssettm $0x1  }
0x91: {  	s18 =	sld [smem:$0x3FFB];
	_ =	sdelay $0x3  }
0x92: {  	_ =	strace s18  }
0x93: {  	s3 =	sld [smem:$0x3FFC];
	_ =	sdelay $0x3  }
0x94: {  	_ =	strace s3  }
0x95: {  	s3 =	sld [smem:$0x3FFD];
	_ =	sdelay $0x3  }
0x96: {  	_ =	strace s3  }
0x97: {  	_ =	strace $0x8FFFFFFF  }
0x98: {  	s19 =	sld [smem:$0x3FDB];
	_ =	sdelay $0x1  }
0x99: {  	s4 =	simm.s32 $_scs_section_size  }
0x9a: {  	s5 =	simm.s32 $_size__tile_overlayer_lowered;
	s6 =	simm.s32 $_tile_overlayer_lowered  }
0x9b: {  	s22 =	simm.s32 $0x1BFF;
	s21 =	sshll.u32 s6, $0x1;
	s3 =	sadd.s32 s4, s19  }
0x9c: {  	s7 =	simm.s32 $0x0;
	s20 =	sshll.u32 s5, $0x1;
	s5 =	sadd.s32 s21, s3  }
0x9d: {  	[timem:s7], [sflag:s22] =	dma.local [hbm:s5], s20  }
0x9e: {  	_ =	swait.ge [sflag:s22], s20  }
0x9f: {  	s4 =	ssub.s32 $0x0, s20;
	[sflag:s22] =	ssyncset.done $0x0  }
0xa0: {  	[sflag:s22] =	ssyncadd.s32 s4;
	_ =	sdelay $0x1  }
0xa1: {  	s23 =	simm.s32 $0x1B8B  }
0xa2: {  	_ =	swait.ge [sflag:s23], $0x1  }
0xa3: {  	[sflag:s23] =	ssyncset.done $0x0  }
0xa4: {  	s25 =	simm.s32 $0x1B8E;
	s24 =	sld [smem:$0x3FFE];
	[sflag:s23] =	ssyncadd.s32 $0xFFFFFFFF  }
0xa5: {  	s26 =	simm.s32 $execute0_lowered;
	[smem:$0x3FD2] =	sst s25  }
0xa6: {  	s5 =	sshll.u32 s26, $0x1;
	_ =	strace $0x80000046;
	[dreg:$0x1] =	wrdreg $0xFFFFFFFF  }
0xa7: {  	s28 =	simm.s32 $_size_execute0_lowered;
	s3 =	sadd.s32 s3, s5;
	[dreg:$0x0] =	wrdreg $0x0  }
0xa8: {  	s5 =	sshll.u32 s28, $0x1;
	[dreg:$0x2] =	wrdreg s3  }
0xa9: {  	[dreg:$0x3] =	wrdreg s5  }
0xaa: {  	[dreg:$0x4] =	wrdreg $0xC0  }
0xab: {  	_ =	task [dreg:s7], $0x5FFFF  }
0xac: {  	[dreg:$0x1] =	wrdreg $0xFFFFFFFF  }
0xad: {  	[dreg:$0x0] =	wrdreg $0x60  }
0xae: {  	[dreg:$0x2] =	wrdreg s24  }
0xaf: {  	[dreg:$0x3] =	wrdreg s2  }
0xb0: {  	[dreg:$0x4] =	wrdreg $0x9  }
0xb1: {  	_ =	task.clear_ibuf [dreg:s7], $0x5FFFF;
	_ =	strace $0x90000046  }
0xb2: {  	s29 =	simm.s32 $0x9;
	_ =	strace $0x80000048  }
0xb3: {  	_ =	swait.ge [sflag:s29], $0x1  }
0xb4: {  	[sflag:s29] =	ssyncadd.s32 $0xFFFFFFFF  }
0xb5: {  	_ =	strace $0x90000048  }
0xb6: {  	_ =	sfence  }
0xb7: {  	s30 =	sld [smem:$0x0];
	_ =	sdelay $0x2  }
0xb8: {  	s31 =	sshll.u32 s1, $0xD;
	s1 =	sshrl.u32 s1, $0x2  }
0xb9: {  	s3 =	sand.u32 $0x4000, s31;
	s1 =	sadd.s32 s1, s30  }
0xba: {  	s0 =	sor.u32 s3, s0;
	s1 =	sshll.u32 s1, $0x11  }
0xbb: {  	s0 =	sor.u32 s1, s0  }
0xbc: {  	s0 =	sadd.s32 $0x8F2B, s0  }
0xbd: {  	[sflag:s0] =	ssyncadd.remote.s32 $0x1  }
0xbe: {  	_ =	sfence.sel $0xFFFF  }
0xbf: {  	[dreg:$0x0] =	wrdreg $0xFFFFFFFF;
	(pc) =	sbr.abs _section_cstart, $3  }
0xc0: {  	[dreg:$0x1] =	wrdreg $0xFFFFFFFF  }
0xc1: {  	_ =	task.clear_ibuf [dreg:s7], $0x2FFFF;
	_ =	strace $0x9FFFFFFF  }
0xc2: {  	(tm) =	ssettm $0x7FFFFFFF  }
0xc3: {  	_ =	shalt  }
tec
execute0_lowered:
.L_overlay_start_1:
0x0: {  	(tag) =	ssettag $0x1  }
0x1: {  	s5 =	rddreg [dreg:$0x0]  }
0x2: {  	s2 =	rddreg [dreg:$0x1]  }
0x3: {  	s0 =	rddreg [dreg:$0x2];
	s1 =	stileid.u32  }
0x4: {  	s4 =	srdreg.scid;
	s3 =	simm.s32 $0x0;
	s29 =	smul.u32 $0x1900, s1  }
0x5: {  	s11 =	simm.s32 $0x0;
	s6 =	sand.u32 $0x1, s4;
	s8 =	smul.u32 $0x19000, s1  }
0x6: {  	[smem:$0x7FF] =	sst s3;
	s7 =	smul.u32 $0xC80, s6;
	s9 =	ssub.s32 $0x2, s6  }
0x7: {  	_ =	strace $0x80000047;
	s6 =	smul.u32 $0xC800, s6;
	s30 =	sshrl.u32 s9, $0x1  }
0x8: {  	s8 =	sadd.s32 s8, s5;
	s4 =	sadd.s32 s7, s29;
	s7 =	ssub.s32 s9, s30  }
0x9: {  	s6 =	sadd.s32 s6, s8;
	s8 =	simm.s32 $0x2;
	s10 =	sshrl.u32 s4, $0x3  }
0xa: {  	s9 =	simm.s32 $0x80;
	s6 =	sadd.s32 $0xEC00, s6;
	s31 =	sadd.s32 s10, s5  }
0xb: {  	v0 =	vlaneseq.u32;
	s5 =	smax.u32 s7, $0x1;
	s10 =	simm.s32 $0x1;
	s7 =	sadd.s32 $0x2400, s31  }
.LBB2_1:
0xc: {  	s12 =	sadd.s32 $0x0, s4  }
0xd: {  	s13 =	sadd.s32 $0x10, s12  }
0xe: {  	s29 =	sadd.s32 $0x40, s12;
	v1 =	vor.u32 s13, v0  }
0xf: {  	s14 =	sadd.s32 $0x50, s12;
	v4 =	vor.u32 s12, v0;
	s31 =	sadd.s32 $0x30, s12;
	v3 =	vor.u32 s29, v0;
	v2 =	vmulhi.u32 $0x51EB851F, v1  }
0x10: {  	s15 =	sadd.s32 $0x20, s12;
	s30 =	sadd.s32 $0x70, s12;
	v5 =	vor.u32 s14, v0;
	v6 =	vor.u32 s31, v0;
	v8 =	vmulhi.u32 $0x51EB851F, v3  }
0x11: {  	s12 =	sadd.s32 $0x60, s12;
	v7 =	vor.u32 s15, v0;
	v10 =	vor.u32 s30, v0;
	v11 =	vmulhi.u32 $0x51EB851F, v6  }
0x12: {  	v9 =	vor.u32 s12, v0;
	v13 =	vmulhi.u32 $0x51EB851F, v7;
	v2 =	vshrl.u32 v2, $0x5  }
0x13: {  	v12 =	vmulhi.u32 $0x51EB851F, v9;
	v8 =	vshrl.u32 v8, $0x5;
	v2 =	vmul.u32 $0x64, v2  }
0x14: {  	v11 =	vshrl.u32 v11, $0x5;
	v13 =	vshrl.u32 v13, $0x5;
	v8 =	vmul.u32 $0x64, v8  }
0x15: {  	v1 =	vsub.s32 v1, v2;
	v2 =	vmul.u32 $0x64, v11;
	v11 =	vmulhi.u32 $0x51EB851F, v4  }
0x16: {  	v13 =	vmul.u32 $0x64, v13;
	v3 =	vsub.s32 v3, v8;
	v8 =	vmulhi.u32 $0x51EB851F, v5  }
0x17: {  	v12 =	vshrl.u32 v12, $0x5;
	v2 =	vsub.s32 v6, v2;
	v6 =	vmulhi.u32 $0x51EB851F, v10  }
0x18: {  	[tilespmem:s3], [sflag:$0x2] =	stream.linear.gather [hbm4b:s7+s3], $0x80, $0x38;
	v12 =	vmul.u32 $0x64, v12;
	v7 =	vsub.s32 v7, v13;
	[tilespmem:$0x4080] =	vst v63  }
0x19: {  	_ =	swait.ge [sflag:s8], $0x80;
	v11 =	vshrl.u32 v11, $0x5;
	v8 =	vshrl.u32 v8, $0x5;
	v6 =	vshrl.u32 v6, $0x5  }
0x1a: {  	[sflag:s8] =	ssyncset.done $0x0;
	v11 =	vmul.u32 $0x64, v11;
	v14 =	vmul.u32 $0x64, v8;
	v15 =	vmul.u32 $0x64, v6  }
0x1b: {  	s13 =	simm.s32 $0x80;
	[sflag:s8] =	ssyncadd.s32 $0xFFFFFF80;
	v1 =	vmul.u32 $0x3E8, v1;
	v2 =	vmul.u32 $0x3E8, v2;
	v6 =	vsub.s32 v9, v12  }
0x1c: {  	s14 =	smov.u32 s6;
	s15 =	smov.u32 s7;
	s12 =	smov.u32 s6;
	v8 =	vsub.s32 v4, v11;
	v4 =	vsub.s32 v5, v14;
	v9 =	vld [tilespmem:$0x40];
	v5 =	vsub.s32 v10, v15  }
.LBB2_2:
0x1d: {  	p0 =	sne.s32 s13, $0xC00;
	v10 =	vld [tilespmem:$0x60];
	s14 =	sadd.s32 $0x800, s14;
	s15 =	sadd.s32 $0x10, s15  }
0x1e: {  	s16 =	smov.u32 s13;
	s13 =	sadd.s32 $0x80, s13;
	v11 =	vld [tilespmem:$0x0]  }
0x1f: {  	v3 =	vmul.u32 $0x3E8, v3;
	v12 =	vld [tilespmem:$0x20]  }
0x20: {  	v6 =	vmul.u32 $0x3E8, v6;
	v13 =	vld [tilespmem:$0x10]  }
0x21: {  	v8 =	vmul.u32 $0x3E8, v8;
	v3 =	vadd.s32 v3, v9;
	v9 =	vld [tilespmem:$0x50]  }
0x22: {  	v7 =	vmul.u32 $0x3E8, v7;
	s16 =	sadd.s32 s16, s4;
	[tilespmem:$0x40] =	vst v3;
	v3 =	vadd.s32 v6, v10;
	v6 =	vld [tilespmem:$0x70]  }
0x23: {  	v4 =	vmul.u32 $0x3E8, v4;
	s17 =	sadd.s32 $0x10, s16;
	s18 =	sadd.s32 $0x20, s16;
	s19 =	sadd.s32 $0x50, s16;
	v8 =	vadd.s32 v8, v11;
	v10 =	vld [tilespmem:$0x30];
	[tilespmem:$0x60] =	vst v3;
	v3 =	vmul.u32 $0x3E8, v5  }
0x24: {  	v5 =	vor.u32 s16, v0;
	v11 =	vor.u32 s19, v0;
	s19 =	sadd.s32 $0x70, s16;
	[tilespmem:$0x0] =	vst v8;
	v7 =	vadd.s32 v7, v12  }
0x25: {  	v8 =	vor.u32 s17, v0;
	v12 =	vor.u32 s18, v0;
	s17 =	sadd.s32 $0x40, s16;
	s18 =	sadd.s32 $0x60, s16;
	v1 =	vadd.s32 v1, v13;
	[tilespmem:$0x20] =	vst v7  }
0x26: {  	s16 =	sadd.s32 $0x30, s16;
	v7 =	vmulhi.u32 $0x51EB851F, v8;
	v13 =	vor.u32 s19, v0;
	[tilespmem:$0x10] =	vst v1;
	v1 =	vadd.s32 v4, v9  }
0x27: {  	v4 =	vor.u32 s17, v0;
	v9 =	vor.u32 s18, v0;
	[tilespmem:$0x50] =	vst v1;
	v1 =	vadd.s32 v3, v6  }
0x28: {  	v3 =	vshrl.u32 v7, $0x5;
	v6 =	vor.u32 s16, v0;
	v2 =	vadd.s32 v2, v10;
	[tilespmem:$0x70] =	vst v1  }
0x29: {  	v1 =	vmul.u32 $0x64, v3;
	v3 =	vmulhi.u32 $0x51EB851F, v4;
	[tilespmem:$0x30] =	vst v2  }
0x2a: {  	v2 =	vmulhi.u32 $0x51EB851F, v6;
	[tilespmem:s9], [sflag:$0x1] =	stream.indirect.gather [hbm4b:s2+s9], $0x80, s3, s9, $0xb8;
	[tilespmem:$0x4080] =	vst v63  }
0x2b: {  	v7 =	vmulhi.u32 $0x51EB851F, v9;
	v1 =	vsub.s32 v8, v1;
	v3 =	vshrl.u32 v3, $0x5;
	_ =	swait.ge [sflag:s10], $0x4000  }
0x2c: {  	v1 =	vmul.u32 $0x3E8, v1;
	v2 =	vshrl.u32 v2, $0x5;
	v3 =	vmul.u32 $0x64, v3;
	[sflag:s10] =	ssyncset.done $0x0  }
0x2d: {  	v7 =	vshrl.u32 v7, $0x5;
	v8 =	vmulhi.u32 $0x51EB851F, v12;
	v2 =	vmul.u32 $0x64, v2;
	[sflag:s10] =	ssyncadd.s32 $0xFFFFC000  }
0x2e: {  	v10 =	vmulhi.u32 $0x51EB851F, v5;
	v3 =	vsub.s32 v4, v3;
	v4 =	vmul.u32 $0x64, v7;
	[hbm4b:s12+s3] =	stream.linear.scatter [tilespmem:s9], [sflag:$0x2], $0x4000, $0x38;
	[tilespmem:$0x4080] =	vst v63  }
0x2f: {  	v7 =	vshrl.u32 v8, $0x5;
	v8 =	vmulhi.u32 $0x51EB851F, v11;
	v2 =	vsub.s32 v6, v2;
	s12 =	smov.u32 s14;
	_ =	swait.ge [sflag:s8], $0x4000  }
0x30: {  	v7 =	vmul.u32 $0x64, v7;
	v2 =	vmul.u32 $0x3E8, v2;
	v6 =	vsub.s32 v9, v4;
	[sflag:s8] =	ssyncset.done $0x0  }
0x31: {  	v4 =	vshrl.u32 v10, $0x5;
	v8 =	vshrl.u32 v8, $0x5;
	v9 =	vmulhi.u32 $0x51EB851F, v13;
	[sflag:s8] =	ssyncadd.s32 $0xFFFFC000  }
0x32: {  	[tilespmem:s3], [sflag:$0x2] =	stream.linear.gather [hbm4b:s15+s3], $0x80, $0x38;
	[tilespmem:$0x4080] =	vst v63  }
.Ltmp0:
0x33: {  	v4 =	vmul.u32 $0x64, v4;
	v7 =	vsub.s32 v12, v7;
	v10 =	vmul.u32 $0x64, v8;
	(pc) =	sbr.rel @p0 .LBB2_2-.Ltmp0, $4  }
0x34: {  	v9 =	vshrl.u32 v9, $0x5;
	_ =	swait.ge [sflag:s8], $0x80  }
0x35: {  	v8 =	vsub.s32 v5, v4;
	v4 =	vsub.s32 v11, v10;
	v5 =	vmul.u32 $0x64, v9;
	[sflag:s8] =	ssyncset.done $0x0  }
0x36: {  	[sflag:s8] =	ssyncadd.s32 $0xFFFFFF80  }
0x37: {  	v5 =	vsub.s32 v13, v5;
	v9 =	vld [tilespmem:$0x40]  }
0x38: {  	v10 =	vld [tilespmem:$0x60]  }
0x39: {  	v11 =	vld [tilespmem:$0x0]  }
0x3a: {  	v12 =	vld [tilespmem:$0x20];
	v3 =	vmul.u32 $0x3E8, v3  }
0x3b: {  	v13 =	vld [tilespmem:$0x10];
	v6 =	vmul.u32 $0x3E8, v6  }
0x3c: {  	v8 =	vmul.u32 $0x3E8, v8;
	v62 =	vld [tilespmem:$0x30];
	v3 =	vadd.s32 v3, v9  }
0x3d: {  	v60 =	vld [tilespmem:$0x50];
	v7 =	vmul.u32 $0x3E8, v7;
	[tilespmem:$0x40] =	vst v3;
	v3 =	vadd.s32 v6, v10  }
0x3e: {  	v61 =	vld [tilespmem:$0x70];
	v8 =	vadd.s32 v8, v11;
	[tilespmem:$0x60] =	vst v3  }
0x3f: {  	v63 =	vadd.s32 v7, v12;
	[tilespmem:$0x0] =	vst v8  }
0x40: {  	v1 =	vadd.s32 v1, v13;
	v3 =	vmul.u32 $0x3E8, v4;
	[tilespmem:$0x20] =	vst v63  }
0x41: {  	v5 =	vmul.u32 $0x3E8, v5;
	v2 =	vadd.s32 v2, v62;
	[tilespmem:$0x10] =	vst v1  }
0x42: {  	[tilespmem:$0x30] =	vst v2;
	v1 =	vadd.s32 v3, v60  }
0x43: {  	[tilespmem:$0x50] =	vst v1;
	v1 =	vadd.s32 v5, v61  }
0x44: {  	[tilespmem:$0x70] =	vst v1  }
0x45: {  	[tilespmem:s9], [sflag:$0x1] =	stream.indirect.gather [hbm4b:s2+s9], $0x80, s3, s9, $0xb8;
	[tilespmem:$0x4080] =	vst v63  }
0x46: {  	s11 =	sadd.s32 $0x1, s11;
	_ =	swait.ge [sflag:s10], $0x4000  }
0x47: {  	p0 =	sne.s32 s11, s5;
	[sflag:s10] =	ssyncset.done $0x0  }
.Ltmp1:
0x48: {  	[sflag:s10] =	ssyncadd.s32 $0xFFFFC000;
	(pc) =	sbr.rel @p0 .LBB2_1-.Ltmp1, $4  }
0x49: {  	[hbm4b:s12+s3] =	stream.linear.scatter [tilespmem:s9], [sflag:$0x2], $0x4000, $0x38;
	[tilespmem:$0x4080] =	vst v63  }
0x4a: {  	_ =	swait.ge [sflag:s8], $0x4000  }
0x4b: {  	[sflag:s8] =	ssyncset.done $0x0  }
0x4c: {  	[sflag:s8] =	ssyncadd.s32 $0xFFFFC000  }
0x4d: {  	_ =	sfence.sel $0x180000  }
0x4e: {  	[bflag:$0x0] =	sbarrier.arrive $0xFFFF  }
0x4f: {  	p0 =	sne.s32 s1, $0x0;
	_ =	strace $0x90000047  }
0x50: {  	s0 =	sadd.s32 @!p0 $0x100000, s0;
	[bflag:$0x2] =	sbarrier.arrive $0xFFFF  }
0x51: {  	[sflag:s0] =	ssyncadd.tile.s32 @!p0 $0x1;
	_ =	shalt  }
.Lfunc_end2:
_tile_overlayer_lowered:
.L_overlay_start_2:
0x52: {  	(tag) =	ssettag $0x2  }
0x53: {  	s0 =	rddreg [dreg:$0x0];
	s2 =	stileid.u32  }
0x54: {  	s1 =	rddreg [dreg:$0x1];
	p0 =	sne.s32 s2, $0x0  }
0x55: {  	s3 =	rddreg [dreg:$0x2];
	[bflag:$0x3] =	sbarrier.arrive $0xFFFF;
	s2 =	simm.s32 @!p0 $0x1C02  }
0x56: {  	[timem:s3], [sflag:s2] =	dma.local @!p0 [hbm:s0], s1  }
0x57: {  	s0 =	simm.s32 @!p0 $0x2  }
0x58: {  	_ =	swait.ge @!p0 [sflag:s0], s1  }
0x59: {  	s1 =	ssub.s32 @!p0 $0x0, s1;
	[sflag:s0] =	ssyncset.done @!p0 $0x0  }
0x5a: {  	[sflag:s0] =	ssyncadd.s32 @!p0 s1  }
0x5b: {  	[bflag:$0x3] =	sbarrier.arrive $0xFFFF  }
0x5c: {  	_ =	shalt  }

// kernel: kernel.13.cloned.1.call-start
scs
__scs_entry_jumppad:
0x0: {  	(pc) =	sbr.rel $0x88, $3  }
0x1: {  	(tag) =	ssettag $0x0;
	lr =	simm.s32 $0x1  }
0x2: {  	[smem:$0x3F9A] =	sst lr;
	_ =	strace $0xD0000000  }
0x3: {  	_ = 	snop  }
0x4: {  	_ = 	snop  }
0x5: {  	_ = 	snop  }
0x6: {  	_ = 	snop  }
0x7: {  	_ = 	snop  }
__scs_overlays_trampoline_lowered:
0x8: {  	[smem:$0x3FA9] =	sst s0  }
0x9: {  	[smem:$0x3FAA] =	sst s1  }
0xa: {  	[smem:$0x3FAB] =	sst s2  }
0xb: {  	[smem:$0x3FAC] =	sst s3  }
0xc: {  	[smem:$0x3FAD] =	sst s4  }
0xd: {  	[smem:$0x3FAE] =	sst s5  }
0xe: {  	[smem:$0x3FAF] =	sst s6  }
0xf: {  	[smem:$0x3FB0] =	sst s7  }
0x10: {  	[smem:$0x3FB1] =	sst s8  }
0x11: {  	[smem:$0x3FB2] =	sst s9;
	s0 =	simm.s32 @!p0 $0x0  }
0x12: {  	s1 =	sld [smem:$0x3F98];
	s0 =	simm.s32 @p0 $0x1  }
0x13: {  	[smem:$0x3FB3] =	sst s0;
	s0 =	simm.s32 @!p1 $0x0  }
0x14: {  	s2 =	sld [smem:$0x3F97];
	s0 =	simm.s32 @p1 $0x1  }
0x15: {  	[smem:$0x3FB4] =	sst s0;
	s0 =	simm.s32 @!p2 $0x0  }
0x16: {  	s3 =	sld [smem:$0x3FDB];
	s0 =	simm.s32 @p2 $0x1  }
0x17: {  	s4 =	simm.s32 $0x1BF5;
	[smem:$0x3FB6] =	sst s0  }
0x18: {  	s0 =	sld [smem:$0x3F99];
	_ =	swait.ge [sflag:s4], $0x0  }
0x19: {  	s7 =	sld [smem:$0x3F9A]  }
0x1a: {  	s8 =	sadd.s32 $0xFFFFE003, lr  }
0x1b: {  	s9 =	sadd.s32 $0xFFFFFEF7, lr;
	s5 =	simm.s32 $0xFFFFFFFF;
	p2 =	slt.u32 s8, $0xFFFFF086  }
0x1c: {  	p1 =	slt.u32 s9, $0xF7A;
	s5 =	simm.s32 @!p2 $0x0  }
0x1d: {  	s5 =	simm.s32 @p1 $0x1;
	p0 =	seq.s32 s7, s2  }
0x1e: {  	s7 =	smul.u32 @!p0 $0xF7A, s2;
	p2 =	seq.s32 @!p0 s5, $0x0  }
0x1f: {  	s9 =	smul.u32 $0xF7A, s1;
	s8 =	simm.s32 @!p0 $0x1BF5;
	p2 =	por !p2, p0  }
0x20: {  	[sflag:s8] =	ssyncset.s32 @!p0 $0xFFFFF086;
	s6 =	sadd.s32 @!p0 s3, s7;
	s7 =	simm.s32 @!p0 $0x108  }
0x21: {  	s3 =	sadd.s32 s3, s9;
	s6 =	sadd.s32 @!p0 $0x88, s6;
	s7 =	simm.s32 @p2 $0x1082  }
0x22: {  	[simem:s7], [sflag:s8] =	dma.local @!p0 [hbm:s6], $0xF7A  }
0x23: {  	s9 =	sor.u32 $0xD0000000, s2;
	s6 =	simm.s32 $0x108;
	_ =	swait.ge @!p0 [sflag:s8], $0x0  }
0x24: {  	s3 =	sadd.s32 $0x88, s3;
	s6 =	simm.s32 @!p1 $0x1082;
	[sflag:s4] =	ssyncset.s32 $0xFFFFF086  }
0x25: {  	[simem:s6], [sflag:s4] =	dma.local [hbm:s3], $0xF7A  }
0x26: {  	[smem:$0x3F9A] =	sst s1;
	(tag) =	ssettag s2;
	_ =	strace s9  }
0x27: {  	s1 =	sld [smem:$0x3FAA]  }
0x28: {  	s2 =	sld [smem:$0x3FAB]  }
0x29: {  	s4 =	sld [smem:$0x3FAD]  }
0x2a: {  	p0 =	seq.s32 s5, $0x0;
	s5 =	sld [smem:$0x3FAE]  }
0x2b: {  	s6 =	sld [smem:$0x3FAF]  }
0x2c: {  	s7 =	sld [smem:$0x3FB0]  }
0x2d: {  	s3 =	simm.s32 $0x108;
	s8 =	sld [smem:$0x3FB1]  }
0x2e: {  	s3 =	simm.s32 @!p0 $0x1082;
	s9 =	sld [smem:$0x3FB2]  }
0x2f: {  	lr =	sadd.s32 s0, s3;
	s0 =	sld [smem:$0x3FA9]  }
0x30: {  	s3 =	sld [smem:$0x3FAC]  }
0x31: {  	[smem:$0x3FB5] =	sst s10  }
0x32: {  	s10 =	sld [smem:$0x3FB3];
	_ =	sdelay $0x3  }
0x33: {  	p0 =	seq.s32 s10, $0x1;
	s10 =	sld [smem:$0x3FB5];
	_ =	sdelay $0x3  }
0x34: {  	[smem:$0x3FB5] =	sst s10  }
0x35: {  	s10 =	sld [smem:$0x3FB4];
	_ =	sdelay $0x3  }
0x36: {  	p1 =	seq.s32 s10, $0x1;
	s10 =	sld [smem:$0x3FB5];
	_ =	sdelay $0x3  }
0x37: {  	[smem:$0x3FB5] =	sst s10  }
0x38: {  	s10 =	sld [smem:$0x3FB6]  }
0x39: {  	_ = 	snop;
	(pc) =	sbr.ind lr, $3  }
0x3a: {  	_ = 	snop  }
0x3b: {  	_ = 	snop  }
0x3c: {  	p2 =	seq.s32 s10, $0x1;
	s10 =	sld [smem:$0x3FB5]  }
0x3d: {  	_ =	shalt  }
0x3e: {  	_ =	shalt  }
0x3f: {  	_ =	shalt  }
0x40: {  	_ =	shalt  }
0x41: {  	_ =	shalt  }
0x42: {  	_ =	shalt  }
0x43: {  	_ =	shalt  }
0x44: {  	_ =	shalt  }
0x45: {  	_ =	shalt  }
0x46: {  	_ =	shalt  }
0x47: {  	_ =	shalt  }
0x48: {  	_ =	shalt  }
0x49: {  	_ =	shalt  }
0x4a: {  	_ =	shalt  }
0x4b: {  	_ =	shalt  }
0x4c: {  	_ =	shalt  }
0x4d: {  	_ =	shalt  }
0x4e: {  	_ =	shalt  }
0x4f: {  	_ =	shalt  }
0x50: {  	_ =	shalt  }
0x51: {  	_ =	shalt  }
0x52: {  	_ =	shalt  }
0x53: {  	_ =	shalt  }
0x54: {  	_ =	shalt  }
0x55: {  	_ =	shalt  }
0x56: {  	_ =	shalt  }
0x57: {  	_ =	shalt  }
0x58: {  	_ =	shalt  }
0x59: {  	_ =	shalt  }
0x5a: {  	_ =	shalt  }
0x5b: {  	_ =	shalt  }
0x5c: {  	_ =	shalt  }
0x5d: {  	_ =	shalt  }
0x5e: {  	_ =	shalt  }
0x5f: {  	_ =	shalt  }
0x60: {  	_ =	shalt  }
0x61: {  	_ =	shalt  }
0x62: {  	_ =	shalt  }
0x63: {  	_ =	shalt  }
0x64: {  	_ =	shalt  }
0x65: {  	_ =	shalt  }
0x66: {  	_ =	shalt  }
0x67: {  	_ =	shalt  }
0x68: {  	_ =	shalt  }
0x69: {  	_ =	shalt  }
0x6a: {  	_ =	shalt  }
0x6b: {  	_ =	shalt  }
0x6c: {  	_ =	shalt  }
0x6d: {  	_ =	shalt  }
0x6e: {  	_ =	shalt  }
0x6f: {  	_ =	shalt  }
0x70: {  	_ =	shalt  }
0x71: {  	_ =	shalt  }
0x72: {  	_ =	shalt  }
0x73: {  	_ =	shalt  }
0x74: {  	_ =	shalt  }
0x75: {  	_ =	shalt  }
0x76: {  	_ =	shalt  }
0x77: {  	_ =	shalt  }
0x78: {  	_ =	shalt  }
0x79: {  	_ =	shalt  }
0x7a: {  	_ =	shalt  }
0x7b: {  	_ =	shalt  }
0x7c: {  	_ =	shalt  }
0x7d: {  	_ =	shalt  }
0x7e: {  	_ =	shalt  }
0x7f: {  	_ =	shalt  }
0x80: {  	_ =	shalt  }
0x81: {  	_ =	shalt  }
0x82: {  	_ =	shalt  }
0x83: {  	_ =	shalt  }
0x84: {  	_ =	shalt  }
0x85: {  	_ =	shalt  }
0x86: {  	_ =	shalt  }
0x87: {  	_ =	shalt  }
.Lfunc_end0:
.L_simem_size_0:
called_computation.1_lowered:
.L_overlay_start_0:
0x88: {  	s2 =	sld [smem:$0x3FD9]  }
0x89: {  	s3 =	sld [smem:$0x3FFE];
	_ =	sdelay $0x1  }
0x8a: {  	s1 =	srdreg.scid  }
0x8b: {  	s0 =	sand.u32 $0x1, s1  }
0x8c: {  	s17 =	sshll.u32 s0, $0xA;
	s2 =	sadd.s32 s3, s2  }
0x8d: {  	s2 =	sadd.s32 s2, s17  }
0x8e: {  	[smem:$0x3FC1] =	sst s2  }
0x8f: {  	_ = 	snop  }
0x90: {  	s18 =	sld [smem:$0x3FC7];
	(tm) =	ssettm $0x1  }
0x91: {  	s19 =	sld [smem:$0x3FFB];
	_ =	sdelay $0x3  }
0x92: {  	_ =	strace s19  }
0x93: {  	s2 =	sld [smem:$0x3FFC];
	_ =	sdelay $0x3  }
0x94: {  	_ =	strace s2  }
0x95: {  	s2 =	sld [smem:$0x3FFD];
	_ =	sdelay $0x3  }
0x96: {  	_ =	strace s2  }
0x97: {  	_ =	strace $0x8FFFFFFF  }
0x98: {  	s20 =	sld [smem:$0x3FDB];
	_ =	sdelay $0x1  }
0x99: {  	s4 =	simm.s32 $_scs_section_size  }
0x9a: {  	s5 =	simm.s32 $_size__tile_overlayer_lowered;
	s6 =	simm.s32 $_tile_overlayer_lowered  }
0x9b: {  	s7 =	simm.s32 $0x1BFF;
	s21 =	sshll.u32 s6, $0x1;
	s4 =	sadd.s32 s4, s20  }
0x9c: {  	s22 =	simm.s32 $0x0;
	s5 =	sshll.u32 s5, $0x1;
	s6 =	sadd.s32 s21, s4  }
0x9d: {  	[timem:s22], [sflag:s7] =	dma.local [hbm:s6], s5  }
0x9e: {  	_ =	swait.ge [sflag:s7], s5  }
0x9f: {  	s5 =	ssub.s32 $0x0, s5;
	[sflag:s7] =	ssyncset.done $0x0  }
0xa0: {  	[sflag:s7] =	ssyncadd.s32 s5;
	_ =	sdelay $0x1  }
0xa1: {  	s23 =	simm.s32 $0x1B8B  }
0xa2: {  	_ =	swait.ge [sflag:s23], $0x1  }
0xa3: {  	[sflag:s23] =	ssyncset.done $0x0  }
0xa4: {  	[sflag:s23] =	ssyncadd.s32 $0xFFFFFFFF  }
0xa5: {  	s5 =	sld [smem:$0x0]  }
0xa6: {  	s6 =	sand.u32 $0xFFFFFFFE, s1  }
0xa7: {  	p0 =	sne.s32 s1, s6  }
0xa8: {  	s6 =	sshll.u32 @p0 s6, $0xE  }
0xa9: {  	s6 =	sadd.s32 @p0 $0x11B8D, s6;
	s7 =	sshll.u32 @p0 s5, $0x11  }
0xaa: {  	s6 =	sor.u32 @p0 s7, s6  }
0xab: {  	[sflag:s6] =	ssyncadd.remote.s32 @p0 $0x1;
	_ =	sdelay $0x1  }
0xac: {  	s6 =	simm.s32 @p0 $0x1B8D  }
0xad: {  	_ =	swait.eq @p0 [sflag:s6], $0x1  }
0xae: {  	[sflag:s6] =	ssyncadd.s32 @p0 $0xFFFFFFFF  }
0xaf: {  	s7 =	sshll.u32 @!p0 s1, $0xE  }
0xb0: {  	s7 =	sor.u32 @!p0 $0x4000, s7;
	s6 =	simm.s32 @!p0 $0x1B8D  }
0xb1: {  	s5 =	sshll.u32 @!p0 s5, $0x11;
	s7 =	sadd.s32 @!p0 $0x11B8D, s7;
	_ =	swait.eq @!p0 [sflag:s6], $0x1  }
0xb2: {  	s5 =	sor.u32 @!p0 s5, s7;
	[sflag:s6] =	ssyncadd.s32 @!p0 $0xFFFFFFFF  }
0xb3: {  	s25 =	simm.s32 $0x1B8E;
	s24 =	sld [smem:$0x3FFE];
	[sflag:s5] =	ssyncadd.remote.s32 @!p0 $0x1  }
0xb4: {  	s26 =	simm.s32 $execute0_lowered;
	[smem:$0x3FD2] =	sst s25  }
0xb5: {  	s6 =	sshll.u32 s26, $0x1;
	_ =	strace $0x80000049;
	[dreg:$0x1] =	wrdreg $0xFFFFFFFF  }
0xb6: {  	s28 =	simm.s32 $_size_execute0_lowered;
	s4 =	sadd.s32 s4, s6;
	[dreg:$0x0] =	wrdreg $0x0  }
0xb7: {  	s6 =	sshll.u32 s28, $0x1;
	[dreg:$0x2] =	wrdreg s4  }
0xb8: {  	[dreg:$0x3] =	wrdreg s6  }
0xb9: {  	[dreg:$0x4] =	wrdreg $0xC0  }
0xba: {  	_ =	task [dreg:s22], $0x5FFFF  }
0xbb: {  	[dreg:$0x1] =	wrdreg $0xFFFFFFFF  }
0xbc: {  	[dreg:$0x0] =	wrdreg $0x60  }
0xbd: {  	[dreg:$0x2] =	wrdreg s24  }
0xbe: {  	[dreg:$0x3] =	wrdreg s18  }
0xbf: {  	[dreg:$0x4] =	wrdreg $0xA  }
0xc0: {  	_ =	task.clear_ibuf [dreg:s22], $0x5FFFF;
	_ =	strace $0x90000049  }
0xc1: {  	s29 =	simm.s32 $0xA;
	_ =	strace $0x8000004B  }
0xc2: {  	_ =	swait.ge [sflag:s29], $0x1  }
0xc3: {  	[sflag:s29] =	ssyncadd.s32 $0xFFFFFFFF  }
0xc4: {  	_ =	strace $0x9000004B  }
0xc5: {  	_ =	sfence  }
0xc6: {  	s30 =	sld [smem:$0x0];
	_ =	sdelay $0x2  }
0xc7: {  	s31 =	sshll.u32 s1, $0xD;
	s1 =	sshrl.u32 s1, $0x2  }
0xc8: {  	s4 =	sand.u32 $0x4000, s31;
	s1 =	sadd.s32 s1, s30  }
0xc9: {  	s0 =	sor.u32 s4, s0;
	s1 =	sshll.u32 s1, $0x11  }
0xca: {  	s0 =	sor.u32 s1, s0  }
0xcb: {  	s0 =	sadd.s32 $0x8F2B, s0  }
0xcc: {  	[sflag:s0] =	ssyncadd.remote.s32 $0x1  }
0xcd: {  	_ =	sfence.sel $0xFFFF  }
0xce: {  	[dreg:$0x0] =	wrdreg $0xFFFFFFFF;
	(pc) =	sbr.abs _section_cstart, $3  }
0xcf: {  	[dreg:$0x1] =	wrdreg $0xFFFFFFFF  }
0xd0: {  	_ =	task.clear_ibuf [dreg:s22], $0x2FFFF;
	_ =	strace $0x9FFFFFFF  }
0xd1: {  	(tm) =	ssettm $0x7FFFFFFF  }
tec
execute0_lowered:
.L_overlay_start_1:
0x0: {  	(tag) =	ssettag $0x1  }
0x1: {  	s5 =	rddreg [dreg:$0x0]  }
0x2: {  	s2 =	rddreg [dreg:$0x1]  }
0x3: {  	s0 =	rddreg [dreg:$0x2]  }
0x4: {  	s4 =	srdreg.scid;
	s1 =	stileid.u32  }
0x5: {  	s3 =	simm.s32 $0x0;
	s6 =	sand.u32 $0x1, s4;
	s30 =	smul.u32 $0x1900, s1  }
0x6: {  	s11 =	simm.s32 $0x0;
	[smem:$0x7FF] =	sst s3;
	s7 =	smul.u32 $0xC80, s6  }
0x7: {  	s31 =	smul.u32 $0x19000, s1;
	_ =	strace $0x8000004A;
	s8 =	ssub.s32 $0x2, s6  }
0x8: {  	s6 =	smul.u32 $0xC800, s6;
	s10 =	sshrl.u32 s8, $0x1;
	s4 =	sadd.s32 s7, s30  }
0x9: {  	s7 =	sadd.s32 s31, s5;
	s8 =	ssub.s32 s8, s10;
	s9 =	sadd.s32 $0x19000, s4  }
0xa: {  	s10 =	simm.s32 $0x1;
	s6 =	sadd.s32 s6, s7;
	s9 =	sshrl.u32 s9, $0x3  }
0xb: {  	s6 =	sadd.s32 $0x19EC00, s6;
	s9 =	sadd.s32 s9, s5;
	s5 =	smax.u32 s8, $0x1  }
0xc: {  	v0 =	vlaneseq.u32;
	s8 =	simm.s32 $0x2;
	s7 =	sadd.s32 $0x2400, s9;
	s9 =	simm.s32 $0x80  }
.LBB2_1:
0xd: {  	s12 =	sadd.s32 $0x0, s4  }
0xe: {  	s13 =	sadd.s32 $0x19060, s12  }
0xf: {  	s14 =	sadd.s32 $0x19000, s12;
	v1 =	vor.u32 s13, v0  }
0x10: {  	s19 =	sadd.s32 $0x19010, s12;
	v3 =	vor.u32 s14, v0;
	v2 =	vmulhi.u32 $0x51EB851F, v1  }
0x11: {  	s21 =	sadd.s32 $0x19040, s12;
	v5 =	vor.u32 s19, v0;
	v6 =	vmulhi.u32 $0x51EB851F, v3  }
0x12: {  	s22 =	sadd.s32 $0x19020, s12;
	v9 =	vor.u32 s21, v0;
	v8 =	vmulhi.u32 $0x51EB851F, v5  }
0x13: {  	s15 =	sadd.s32 $0x19070, s12;
	s20 =	sadd.s32 $0x19030, s12;
	s12 =	sadd.s32 $0x19050, s12;
	v10 =	vor.u32 s22, v0;
	v11 =	vmulhi.u32 $0x51EB851F, v9  }
0x14: {  	s23 =	sadd.s32 $0x80, s4;
	v12 =	vor.u32 s12, v0;
	v13 =	vmulhi.u32 $0x51EB851F, v10  }
0x15: {  	s25 =	sadd.s32 $0x19000, s23;
	v7 =	vor.u32 s20, v0;
	v14 =	vmulhi.u32 $0x51EB851F, v12  }
0x16: {  	s28 =	sadd.s32 $0x19010, s23;
	s29 =	sadd.s32 $0x19030, s23;
	v55 =	vor.u32 s25, v0;
	v15 =	vmulhi.u32 $0x51EB851F, v7  }
0x17: {  	s30 =	sadd.s32 $0x19040, s23;
	v57 =	vor.u32 s28, v0;
	v18 =	vor.u32 s29, v0;
	v16 =	vmulhi.u32 $0x51EB851F, v55  }
0x18: {  	s31 =	sadd.s32 $0x19050, s23;
	v21 =	vor.u32 s30, v0;
	v19 =	vmulhi.u32 $0x51EB851F, v57;
	v6 =	vshrl.u32 v6, $0x5  }
0x19: {  	s12 =	sadd.s32 $0x19020, s23;
	v22 =	vor.u32 s31, v0;
	v25 =	vmulhi.u32 $0x51EB851F, v21;
	v6 =	vmul.u32 $0x64, v6  }
0x1a: {  	v24 =	vor.u32 s12, v0;
	v26 =	vmulhi.u32 $0x51EB851F, v18;
	v13 =	vshrl.u32 v13, $0x5  }
0x1b: {  	v60 =	vmulhi.u32 $0x51EB851F, v22;
	v3 =	vsub.s32 v3, v6;
	v6 =	vmul.u32 $0x64, v13  }
0x1c: {  	[tilespmem:s3], [sflag:$0x2] =	stream.linear.gather [hbm4b:s7+s3], $0x80, $0x38;
	v4 =	vor.u32 s15, v0;
	v59 =	vmulhi.u32 $0x51EB851F, v24;
	v11 =	vshrl.u32 v11, $0x5;
	[tilespmem:$0x4080] =	vst v63  }
0x1d: {  	_ =	swait.ge [sflag:s8], $0x80;
	v6 =	vsub.s32 v10, v6;
	v10 =	vmul.u32 $0x64, v11;
	v11 =	vmulhi.u32 $0x51EB851F, v4  }
0x1e: {  	[sflag:s8] =	ssyncset.done $0x0;
	v2 =	vshrl.u32 v2, $0x5;
	v8 =	vshrl.u32 v8, $0x5;
	v53 =	vshrl.u32 v14, $0x5  }
0x1f: {  	[sflag:s8] =	ssyncadd.s32 $0xFFFFFF80;
	v54 =	vshrl.u32 v15, $0x5;
	v2 =	vmul.u32 $0x64, v2;
	v11 =	vshrl.u32 v11, $0x5  }
0x20: {  	v56 =	vld [tilespmem:$0x30];
	v9 =	vsub.s32 v9, v10;
	v10 =	vmul.u32 $0x64, v54;
	v11 =	vmul.u32 $0x64, v11  }
0x21: {  	v17 =	vld [tilespmem:$0x40];
	v16 =	vshrl.u32 v16, $0x5;
	v58 =	vshrl.u32 v19, $0x5;
	v8 =	vmul.u32 $0x64, v8  }
0x22: {  	v2 =	vsub.s32 v1, v2;
	v7 =	vsub.s32 v7, v10;
	v1 =	vsub.s32 v4, v11;
	v11 =	vld [tilespmem:$0x10]  }
0x23: {  	v20 =	vld [tilespmem:$0x0];
	v62 =	vshrl.u32 v60, $0x5;
	v16 =	vmul.u32 $0x64, v16;
	v4 =	vmul.u32 $0x3E8, v7  }
0x24: {  	v23 =	vld [tilespmem:$0x20];
	v14 =	vmul.u32 $0x64, v58;
	v5 =	vsub.s32 v5, v8;
	v8 =	vmul.u32 $0x3E8, v9  }
0x25: {  	v61 =	vshrl.u32 v59, $0x5;
	v5 =	vmul.u32 $0x3E8, v5;
	v4 =	vadd.s32 v4, v56  }
0x26: {  	v13 =	vmul.u32 $0x64, v53;
	v3 =	vmul.u32 $0x3E8, v3;
	[tilespmem:$0x30] =	vst v4;
	v4 =	vadd.s32 v8, v17;
	v8 =	vld [tilespmem:$0x70]  }
0x27: {  	s24 =	sadd.s32 $0x19060, s23;
	v63 =	vmul.u32 $0x64, v62;
	v6 =	vmul.u32 $0x3E8, v6;
	v5 =	vadd.s32 v5, v11;
	v11 =	vld [tilespmem:$0x50]  }
0x28: {  	v12 =	vsub.s32 v12, v13;
	v3 =	vadd.s32 v3, v20;
	v9 =	vor.u32 s24, v0;
	[tilespmem:$0x10] =	vst v5;
	v5 =	vld [tilespmem:$0x60]  }
0x29: {  	[tilespmem:$0x0] =	vst v3;
	v3 =	vadd.s32 v6, v23;
	v10 =	vmulhi.u32 $0x51EB851F, v9;
	v7 =	vmul.u32 $0x3E8, v1  }
0x2a: {  	s26 =	sadd.s32 $0x19070, s23;
	v2 =	vmul.u32 $0x3E8, v2;
	v12 =	vmul.u32 $0x3E8, v12;
	v6 =	vmul.u32 $0x64, v61;
	[tilespmem:$0x20] =	vst v3  }
0x2b: {  	v1 =	vor.u32 s26, v0;
	v10 =	vshrl.u32 v10, $0x5;
	[tilespmem:$0x40] =	vst v4;
	v7 =	vadd.s32 v7, v8  }
0x2c: {  	v4 =	vsub.s32 v55, v16;
	[tilespmem:$0x70] =	vst v7;
	v3 =	vadd.s32 v12, v11;
	v11 =	vshrl.u32 v25, $0x5  }
0x2d: {  	[tilespmem:$0x50] =	vst v3;
	v2 =	vadd.s32 v2, v5;
	v5 =	vsub.s32 v24, v6;
	v6 =	vmul.u32 $0x64, v11  }
0x2e: {  	v10 =	vmul.u32 $0x64, v10;
	v7 =	vmulhi.u32 $0x51EB851F, v1;
	v3 =	vmul.u32 $0x3E8, v4;
	[tilespmem:$0x60] =	vst v2  }
0x2f: {  	v2 =	vmul.u32 $0x3E8, v5;
	v5 =	vsub.s32 v21, v6;
	v6 =	vshrl.u32 v26, $0x5;
	[tilespmem:s9], [sflag:$0x1] =	stream.indirect.gather [hbm4b:s2+s9], $0x80, s3, s9, $0xb8;
	[tilespmem:$0x4080] =	vst v63  }
0x30: {  	s17 =	sadd.s32 $0x10, s7;
	s16 =	smov.u32 s6;
	v4 =	vsub.s32 v22, v63;
	v11 =	vshrl.u32 v7, $0x5;
	v8 =	vmul.u32 $0x64, v6;
	_ =	swait.ge [sflag:s10], $0x4000  }
0x31: {  	s13 =	simm.s32 $0x100;
	s12 =	sadd.s32 $0x800, s6;
	v7 =	vsub.s32 v9, v10;
	v4 =	vmul.u32 $0x3E8, v4;
	v9 =	vmul.u32 $0x64, v11;
	[sflag:s10] =	ssyncset.done $0x0  }
0x32: {  	s15 =	sadd.s32 $0x10, s17;
	s14 =	sadd.s32 $0x800, s12;
	v6 =	vsub.s32 v57, v14;
	v5 =	vmul.u32 $0x3E8, v5;
	v8 =	vsub.s32 v18, v8;
	[sflag:s10] =	ssyncadd.s32 $0xFFFFC000  }
.LBB2_2:
0x33: {  	[hbm4b:s16+s3] =	stream.linear.scatter [tilespmem:s9], [sflag:$0x2], $0x4000, $0x38;
	[tilespmem:$0x4080] =	vst v63  }
0x34: {  	s18 =	smov.u32 s13;
	s16 =	smov.u32 s12;
	s12 =	smov.u32 s14  }
0x35: {  	p0 =	sne.s32 s13, $0xC00;
	s13 =	sadd.s32 $0x80, s13;
	v1 =	vsub.s32 v1, v9;
	_ =	swait.ge [sflag:s8], $0x4000  }
0x36: {  	[sflag:s8] =	ssyncset.done $0x0  }
0x37: {  	s18 =	sadd.s32 s18, s4;
	[sflag:s8] =	ssyncadd.s32 $0xFFFFC000  }
0x38: {  	[tilespmem:s3], [sflag:$0x2] =	stream.linear.gather [hbm4b:s17+s3], $0x80, $0x38;
	[tilespmem:$0x4080] =	vst v63  }
0x39: {  	s19 =	sadd.s32 $0x19010, s18;
	s17 =	sadd.s32 $0x19060, s18;
	_ =	swait.ge [sflag:s8], $0x80  }
0x3a: {  	v8 =	vmul.u32 $0x3E8, v8;
	s20 =	sadd.s32 $0x19000, s18;
	v10 =	vmul.u32 $0x3E8, v1;
	v9 =	vor.u32 s17, v0;
	s17 =	sadd.s32 $0x19070, s18;
	[sflag:s8] =	ssyncset.done $0x0  }
0x3b: {  	v7 =	vmul.u32 $0x3E8, v7;
	s21 =	sadd.s32 $0x19030, s18;
	v11 =	vmulhi.u32 $0x51EB851F, v9;
	v1 =	vor.u32 s17, v0;
	s17 =	smov.u32 s15;
	[sflag:s8] =	ssyncadd.s32 $0xFFFFFF80  }
0x3c: {  	v6 =	vmul.u32 $0x3E8, v6;
	v12 =	vor.u32 s20, v0;
	v13 =	vor.u32 s19, v0;
	s19 =	sadd.s32 $0x19040, s18;
	s20 =	sadd.s32 $0x19050, s18;
	v14 =	vld [tilespmem:$0x10]  }
0x3d: {  	v16 =	vor.u32 s21, v0;
	v15 =	vmulhi.u32 $0x51EB851F, v12;
	v11 =	vshrl.u32 v11, $0x5;
	v17 =	vld [tilespmem:$0x30]  }
0x3e: {  	v18 =	vmulhi.u32 $0x51EB851F, v13;
	v19 =	vor.u32 s19, v0;
	v20 =	vor.u32 s20, v0;
	s18 =	sadd.s32 $0x19020, s18;
	v21 =	vld [tilespmem:$0x40]  }
0x3f: {  	v23 =	vmulhi.u32 $0x51EB851F, v19;
	v15 =	vshrl.u32 v15, $0x5;
	v22 =	vor.u32 s18, v0;
	v24 =	vld [tilespmem:$0x0]  }
0x40: {  	v25 =	vmulhi.u32 $0x51EB851F, v16;
	v18 =	vshrl.u32 v18, $0x5;
	v15 =	vmul.u32 $0x64, v15;
	v26 =	vld [tilespmem:$0x20]  }
0x41: {  	v18 =	vmul.u32 $0x64, v18;
	v27 =	vmulhi.u32 $0x51EB851F, v22;
	v6 =	vadd.s32 v6, v14;
	v14 =	vld [tilespmem:$0x50]  }
0x42: {  	v12 =	vsub.s32 v12, v15;
	v15 =	vmulhi.u32 $0x51EB851F, v20;
	[tilespmem:$0x10] =	vst v6;
	v6 =	vadd.s32 v8, v17;
	v8 =	vld [tilespmem:$0x60]  }
0x43: {  	v12 =	vmul.u32 $0x3E8, v12;
	v17 =	vshrl.u32 v27, $0x5;
	[tilespmem:$0x30] =	vst v6;
	v5 =	vadd.s32 v5, v21;
	v6 =	vld [tilespmem:$0x70]  }
0x44: {  	v15 =	vshrl.u32 v15, $0x5;
	v17 =	vmul.u32 $0x64, v17;
	v21 =	vadd.s32 v3, v24;
	[tilespmem:$0x40] =	vst v5  }
0x45: {  	v15 =	vmul.u32 $0x64, v15;
	v5 =	vshrl.u32 v23, $0x5;
	v3 =	vmovc v12;
	[tilespmem:$0x0] =	vst v21;
	v2 =	vadd.s32 v2, v26  }
0x46: {  	v12 =	vsub.s32 v22, v17;
	v5 =	vmul.u32 $0x64, v5;
	[tilespmem:$0x20] =	vst v2;
	v4 =	vadd.s32 v4, v14  }
0x47: {  	v2 =	vmul.u32 $0x3E8, v12;
	v12 =	vsub.s32 v20, v15;
	[tilespmem:$0x50] =	vst v4;
	v7 =	vadd.s32 v7, v8  }
0x48: {  	v5 =	vsub.s32 v19, v5;
	v4 =	vmul.u32 $0x3E8, v12;
	[tilespmem:$0x60] =	vst v7;
	v7 =	vadd.s32 v10, v6  }
.Ltmp0:
0x49: {  	v8 =	vshrl.u32 v25, $0x5;
	v6 =	vsub.s32 v13, v18;
	v5 =	vmul.u32 $0x3E8, v5;
	[tilespmem:$0x70] =	vst v7;
	(pc) =	sbr.rel @p0 .LBB2_2-.Ltmp0, $4  }
0x4a: {  	v10 =	vmul.u32 $0x64, v11;
	v11 =	vmulhi.u32 $0x51EB851F, v1;
	v7 =	vmul.u32 $0x64, v8;
	[tilespmem:s9], [sflag:$0x1] =	stream.indirect.gather [hbm4b:s2+s9], $0x80, s3, s9, $0xb8;
	[tilespmem:$0x4080] =	vst v63  }
0x4b: {  	_ =	swait.ge [sflag:s10], $0x4000  }
0x4c: {  	v8 =	vsub.s32 v16, v7;
	v7 =	vsub.s32 v9, v10;
	v9 =	vshrl.u32 v11, $0x5;
	[sflag:s10] =	ssyncset.done $0x0  }
0x4d: {  	s14 =	sadd.s32 $0x800, s14;
	s15 =	sadd.s32 $0x10, s15;
	v9 =	vmul.u32 $0x64, v9;
	[sflag:s10] =	ssyncadd.s32 $0xFFFFC000  }
0x4e: {  	[hbm4b:s16+s3] =	stream.linear.scatter [tilespmem:s9], [sflag:$0x2], $0x4000, $0x38;
	[tilespmem:$0x4080] =	vst v63  }
0x4f: {  	_ =	swait.ge [sflag:s8], $0x4000  }
0x50: {  	[sflag:s8] =	ssyncset.done $0x0  }
0x51: {  	[sflag:s8] =	ssyncadd.s32 $0xFFFFC000  }
0x52: {  	[tilespmem:s3], [sflag:$0x2] =	stream.linear.gather [hbm4b:s17+s3], $0x80, $0x38;
	[tilespmem:$0x4080] =	vst v63  }
0x53: {  	_ =	swait.ge [sflag:s8], $0x80  }
0x54: {  	[sflag:s8] =	ssyncset.done $0x0  }
0x55: {  	[sflag:s8] =	ssyncadd.s32 $0xFFFFFF80  }
0x56: {  	v10 =	vld [tilespmem:$0x10]  }
0x57: {  	v11 =	vld [tilespmem:$0x30]  }
0x58: {  	v12 =	vld [tilespmem:$0x40]  }
0x59: {  	v6 =	vmul.u32 $0x3E8, v6;
	v13 =	vld [tilespmem:$0x0]  }
0x5a: {  	v8 =	vmul.u32 $0x3E8, v8;
	v14 =	vld [tilespmem:$0x20]  }
0x5b: {  	v62 =	vld [tilespmem:$0x70];
	v6 =	vadd.s32 v6, v10  }
0x5c: {  	v59 =	vld [tilespmem:$0x50];
	v60 =	vadd.s32 v8, v11;
	[tilespmem:$0x10] =	vst v6  }
0x5d: {  	v1 =	vsub.s32 v1, v9;
	v61 =	vld [tilespmem:$0x60];
	v5 =	vadd.s32 v5, v12;
	[tilespmem:$0x30] =	vst v60  }
0x5e: {  	v1 =	vmul.u32 $0x3E8, v1;
	v3 =	vadd.s32 v3, v13;
	[tilespmem:$0x40] =	vst v5  }
0x5f: {  	v2 =	vadd.s32 v2, v14;
	[tilespmem:$0x0] =	vst v3  }
0x60: {  	v63 =	vmul.u32 $0x3E8, v7;
	v1 =	vadd.s32 v1, v62;
	[tilespmem:$0x20] =	vst v2  }
0x61: {  	v2 =	vadd.s32 v4, v59;
	[tilespmem:$0x70] =	vst v1  }
0x62: {  	[tilespmem:$0x50] =	vst v2;
	v2 =	vadd.s32 v63, v61  }
0x63: {  	[tilespmem:$0x60] =	vst v2  }
0x64: {  	[tilespmem:s9], [sflag:$0x1] =	stream.indirect.gather [hbm4b:s2+s9], $0x80, s3, s9, $0xb8;
	[tilespmem:$0x4080] =	vst v63  }
0x65: {  	s11 =	sadd.s32 $0x1, s11;
	_ =	swait.ge [sflag:s10], $0x4000  }
0x66: {  	p0 =	sne.s32 s11, s5;
	[sflag:s10] =	ssyncset.done $0x0  }
.Ltmp1:
0x67: {  	[sflag:s10] =	ssyncadd.s32 $0xFFFFC000;
	(pc) =	sbr.rel @p0 .LBB2_1-.Ltmp1, $4  }
0x68: {  	[hbm4b:s12+s3] =	stream.linear.scatter [tilespmem:s9], [sflag:$0x2], $0x4000, $0x38;
	[tilespmem:$0x4080] =	vst v63  }
0x69: {  	_ =	swait.ge [sflag:s8], $0x4000  }
0x6a: {  	[sflag:s8] =	ssyncset.done $0x0  }
0x6b: {  	[sflag:s8] =	ssyncadd.s32 $0xFFFFC000  }
0x6c: {  	_ =	sfence.sel $0x180000  }
0x6d: {  	[bflag:$0x0] =	sbarrier.arrive $0xFFFF  }
0x6e: {  	p0 =	sne.s32 s1, $0x0;
	_ =	strace $0x9000004A  }
0x6f: {  	s0 =	sadd.s32 @!p0 $0x100000, s0;
	[bflag:$0x2] =	sbarrier.arrive $0xFFFF  }
0x70: {  	[sflag:s0] =	ssyncadd.tile.s32 @!p0 $0x1;
	_ =	shalt  }
.Lfunc_end2:
_tile_overlayer_lowered:
.L_overlay_start_2:
0x71: {  	(tag) =	ssettag $0x2  }
0x72: {  	s0 =	rddreg [dreg:$0x0];
	s2 =	stileid.u32  }
0x73: {  	s1 =	rddreg [dreg:$0x1];
	p0 =	sne.s32 s2, $0x0  }
0x74: {  	s3 =	rddreg [dreg:$0x2];
	[bflag:$0x3] =	sbarrier.arrive $0xFFFF;
	s2 =	simm.s32 @!p0 $0x1C02  }
0x75: {  	[timem:s3], [sflag:s2] =	dma.local @!p0 [hbm:s0], s1  }
0x76: {  	s0 =	simm.s32 @!p0 $0x2  }
0x77: {  	_ =	swait.ge @!p0 [sflag:s0], s1  }
0x78: {  	s1 =	ssub.s32 @!p0 $0x0, s1;
	[sflag:s0] =	ssyncset.done @!p0 $0x0  }
0x79: {  	[sflag:s0] =	ssyncadd.s32 @!p0 s1  }
0x7a: {  	[bflag:$0x3] =	sbarrier.arrive $0xFFFF  }
0x7b: {  	_ =	shalt  }

// kernel: kernel.16.cloned.1.call-start
scs
__scs_entry_jumppad:
0x0: {  	(pc) =	sbr.rel $0x88, $3  }
0x1: {  	(tag) =	ssettag $0x0;
	lr =	simm.s32 $0x1  }
0x2: {  	[smem:$0x3F9A] =	sst lr;
	_ =	strace $0xD0000000  }
0x3: {  	_ = 	snop  }
0x4: {  	_ = 	snop  }
0x5: {  	_ = 	snop  }
0x6: {  	_ = 	snop  }
0x7: {  	_ = 	snop  }
__scs_overlays_trampoline_lowered:
0x8: {  	[smem:$0x3FA9] =	sst s0  }
0x9: {  	[smem:$0x3FAA] =	sst s1  }
0xa: {  	[smem:$0x3FAB] =	sst s2  }
0xb: {  	[smem:$0x3FAC] =	sst s3  }
0xc: {  	[smem:$0x3FAD] =	sst s4  }
0xd: {  	[smem:$0x3FAE] =	sst s5  }
0xe: {  	[smem:$0x3FAF] =	sst s6  }
0xf: {  	[smem:$0x3FB0] =	sst s7  }
0x10: {  	[smem:$0x3FB1] =	sst s8  }
0x11: {  	[smem:$0x3FB2] =	sst s9;
	s0 =	simm.s32 @!p0 $0x0  }
0x12: {  	s1 =	sld [smem:$0x3F98];
	s0 =	simm.s32 @p0 $0x1  }
0x13: {  	[smem:$0x3FB3] =	sst s0;
	s0 =	simm.s32 @!p1 $0x0  }
0x14: {  	s2 =	sld [smem:$0x3F97];
	s0 =	simm.s32 @p1 $0x1  }
0x15: {  	[smem:$0x3FB4] =	sst s0;
	s0 =	simm.s32 @!p2 $0x0  }
0x16: {  	s3 =	sld [smem:$0x3FDB];
	s0 =	simm.s32 @p2 $0x1  }
0x17: {  	s4 =	simm.s32 $0x1BF5;
	[smem:$0x3FB6] =	sst s0  }
0x18: {  	s0 =	sld [smem:$0x3F99];
	_ =	swait.ge [sflag:s4], $0x0  }
0x19: {  	s7 =	sld [smem:$0x3F9A]  }
0x1a: {  	s8 =	sadd.s32 $0xFFFFE003, lr  }
0x1b: {  	s9 =	sadd.s32 $0xFFFFFEF7, lr;
	s5 =	simm.s32 $0xFFFFFFFF;
	p2 =	slt.u32 s8, $0xFFFFF086  }
0x1c: {  	p1 =	slt.u32 s9, $0xF7A;
	s5 =	simm.s32 @!p2 $0x0  }
0x1d: {  	s5 =	simm.s32 @p1 $0x1;
	p0 =	seq.s32 s7, s2  }
0x1e: {  	s7 =	smul.u32 @!p0 $0xF7A, s2;
	p2 =	seq.s32 @!p0 s5, $0x0  }
0x1f: {  	s9 =	smul.u32 $0xF7A, s1;
	s8 =	simm.s32 @!p0 $0x1BF5;
	p2 =	por !p2, p0  }
0x20: {  	[sflag:s8] =	ssyncset.s32 @!p0 $0xFFFFF086;
	s6 =	sadd.s32 @!p0 s3, s7;
	s7 =	simm.s32 @!p0 $0x108  }
0x21: {  	s3 =	sadd.s32 s3, s9;
	s6 =	sadd.s32 @!p0 $0x88, s6;
	s7 =	simm.s32 @p2 $0x1082  }
0x22: {  	[simem:s7], [sflag:s8] =	dma.local @!p0 [hbm:s6], $0xF7A  }
0x23: {  	s9 =	sor.u32 $0xD0000000, s2;
	s6 =	simm.s32 $0x108;
	_ =	swait.ge @!p0 [sflag:s8], $0x0  }
0x24: {  	s3 =	sadd.s32 $0x88, s3;
	s6 =	simm.s32 @!p1 $0x1082;
	[sflag:s4] =	ssyncset.s32 $0xFFFFF086  }
0x25: {  	[simem:s6], [sflag:s4] =	dma.local [hbm:s3], $0xF7A  }
0x26: {  	[smem:$0x3F9A] =	sst s1;
	(tag) =	ssettag s2;
	_ =	strace s9  }
0x27: {  	s1 =	sld [smem:$0x3FAA]  }
0x28: {  	s2 =	sld [smem:$0x3FAB]  }
0x29: {  	s4 =	sld [smem:$0x3FAD]  }
0x2a: {  	p0 =	seq.s32 s5, $0x0;
	s5 =	sld [smem:$0x3FAE]  }
0x2b: {  	s6 =	sld [smem:$0x3FAF]  }
0x2c: {  	s7 =	sld [smem:$0x3FB0]  }
0x2d: {  	s3 =	simm.s32 $0x108;
	s8 =	sld [smem:$0x3FB1]  }
0x2e: {  	s3 =	simm.s32 @!p0 $0x1082;
	s9 =	sld [smem:$0x3FB2]  }
0x2f: {  	lr =	sadd.s32 s0, s3;
	s0 =	sld [smem:$0x3FA9]  }
0x30: {  	s3 =	sld [smem:$0x3FAC]  }
0x31: {  	[smem:$0x3FB5] =	sst s10  }
0x32: {  	s10 =	sld [smem:$0x3FB3];
	_ =	sdelay $0x3  }
0x33: {  	p0 =	seq.s32 s10, $0x1;
	s10 =	sld [smem:$0x3FB5];
	_ =	sdelay $0x3  }
0x34: {  	[smem:$0x3FB5] =	sst s10  }
0x35: {  	s10 =	sld [smem:$0x3FB4];
	_ =	sdelay $0x3  }
0x36: {  	p1 =	seq.s32 s10, $0x1;
	s10 =	sld [smem:$0x3FB5];
	_ =	sdelay $0x3  }
0x37: {  	[smem:$0x3FB5] =	sst s10  }
0x38: {  	s10 =	sld [smem:$0x3FB6]  }
0x39: {  	_ = 	snop;
	(pc) =	sbr.ind lr, $3  }
0x3a: {  	_ = 	snop  }
0x3b: {  	_ = 	snop  }
0x3c: {  	p2 =	seq.s32 s10, $0x1;
	s10 =	sld [smem:$0x3FB5]  }
0x3d: {  	_ =	shalt  }
0x3e: {  	_ =	shalt  }
0x3f: {  	_ =	shalt  }
0x40: {  	_ =	shalt  }
0x41: {  	_ =	shalt  }
0x42: {  	_ =	shalt  }
0x43: {  	_ =	shalt  }
0x44: {  	_ =	shalt  }
0x45: {  	_ =	shalt  }
0x46: {  	_ =	shalt  }
0x47: {  	_ =	shalt  }
0x48: {  	_ =	shalt  }
0x49: {  	_ =	shalt  }
0x4a: {  	_ =	shalt  }
0x4b: {  	_ =	shalt  }
0x4c: {  	_ =	shalt  }
0x4d: {  	_ =	shalt  }
0x4e: {  	_ =	shalt  }
0x4f: {  	_ =	shalt  }
0x50: {  	_ =	shalt  }
0x51: {  	_ =	shalt  }
0x52: {  	_ =	shalt  }
0x53: {  	_ =	shalt  }
0x54: {  	_ =	shalt  }
0x55: {  	_ =	shalt  }
0x56: {  	_ =	shalt  }
0x57: {  	_ =	shalt  }
0x58: {  	_ =	shalt  }
0x59: {  	_ =	shalt  }
0x5a: {  	_ =	shalt  }
0x5b: {  	_ =	shalt  }
0x5c: {  	_ =	shalt  }
0x5d: {  	_ =	shalt  }
0x5e: {  	_ =	shalt  }
0x5f: {  	_ =	shalt  }
0x60: {  	_ =	shalt  }
0x61: {  	_ =	shalt  }
0x62: {  	_ =	shalt  }
0x63: {  	_ =	shalt  }
0x64: {  	_ =	shalt  }
0x65: {  	_ =	shalt  }
0x66: {  	_ =	shalt  }
0x67: {  	_ =	shalt  }
0x68: {  	_ =	shalt  }
0x69: {  	_ =	shalt  }
0x6a: {  	_ =	shalt  }
0x6b: {  	_ =	shalt  }
0x6c: {  	_ =	shalt  }
0x6d: {  	_ =	shalt  }
0x6e: {  	_ =	shalt  }
0x6f: {  	_ =	shalt  }
0x70: {  	_ =	shalt  }
0x71: {  	_ =	shalt  }
0x72: {  	_ =	shalt  }
0x73: {  	_ =	shalt  }
0x74: {  	_ =	shalt  }
0x75: {  	_ =	shalt  }
0x76: {  	_ =	shalt  }
0x77: {  	_ =	shalt  }
0x78: {  	_ =	shalt  }
0x79: {  	_ =	shalt  }
0x7a: {  	_ =	shalt  }
0x7b: {  	_ =	shalt  }
0x7c: {  	_ =	shalt  }
0x7d: {  	_ =	shalt  }
0x7e: {  	_ =	shalt  }
0x7f: {  	_ =	shalt  }
0x80: {  	_ =	shalt  }
0x81: {  	_ =	shalt  }
0x82: {  	_ =	shalt  }
0x83: {  	_ =	shalt  }
0x84: {  	_ =	shalt  }
0x85: {  	_ =	shalt  }
0x86: {  	_ =	shalt  }
0x87: {  	_ =	shalt  }
.Lfunc_end0:
.L_simem_size_0:
called_computation.2_lowered:
.L_overlay_start_0:
0x88: {  	s2 =	sld [smem:$0x3FD9]  }
0x89: {  	s3 =	sld [smem:$0x3FFE];
	_ =	sdelay $0x1  }
0x8a: {  	s1 =	srdreg.scid  }
0x8b: {  	s0 =	sand.u32 $0x1, s1  }
0x8c: {  	s17 =	sshll.u32 s0, $0xA;
	s2 =	sadd.s32 s3, s2  }
0x8d: {  	s2 =	sadd.s32 s2, s17  }
0x8e: {  	[smem:$0x3FC1] =	sst s2  }
0x8f: {  	_ = 	snop  }
0x90: {  	s18 =	sld [smem:$0x3FC7];
	(tm) =	ssettm $0x1  }
0x91: {  	s19 =	sld [smem:$0x3FFB];
	_ =	sdelay $0x3  }
0x92: {  	_ =	strace s19  }
0x93: {  	s2 =	sld [smem:$0x3FFC];
	_ =	sdelay $0x3  }
0x94: {  	_ =	strace s2  }
0x95: {  	s2 =	sld [smem:$0x3FFD];
	_ =	sdelay $0x3  }
0x96: {  	_ =	strace s2  }
0x97: {  	_ =	strace $0x8FFFFFFF  }
0x98: {  	s20 =	sld [smem:$0x3FDB];
	_ =	sdelay $0x1  }
0x99: {  	s4 =	simm.s32 $_scs_section_size  }
0x9a: {  	s5 =	simm.s32 $_size__tile_overlayer_lowered;
	s6 =	simm.s32 $_tile_overlayer_lowered  }
0x9b: {  	s7 =	simm.s32 $0x1BFF;
	s21 =	sshll.u32 s6, $0x1;
	s4 =	sadd.s32 s4, s20  }
0x9c: {  	s22 =	simm.s32 $0x0;
	s5 =	sshll.u32 s5, $0x1;
	s6 =	sadd.s32 s21, s4  }
0x9d: {  	[timem:s22], [sflag:s7] =	dma.local [hbm:s6], s5  }
0x9e: {  	_ =	swait.ge [sflag:s7], s5  }
0x9f: {  	s5 =	ssub.s32 $0x0, s5;
	[sflag:s7] =	ssyncset.done $0x0  }
0xa0: {  	[sflag:s7] =	ssyncadd.s32 s5;
	_ =	sdelay $0x1  }
0xa1: {  	s23 =	simm.s32 $0x1B8B  }
0xa2: {  	_ =	swait.ge [sflag:s23], $0x1  }
0xa3: {  	[sflag:s23] =	ssyncset.done $0x0  }
0xa4: {  	[sflag:s23] =	ssyncadd.s32 $0xFFFFFFFF  }
0xa5: {  	s5 =	sld [smem:$0x0]  }
0xa6: {  	s6 =	sand.u32 $0xFFFFFFFE, s1  }
0xa7: {  	p0 =	sne.s32 s1, s6  }
0xa8: {  	s6 =	sshll.u32 @p0 s6, $0xE  }
0xa9: {  	s6 =	sadd.s32 @p0 $0x11B8D, s6;
	s7 =	sshll.u32 @p0 s5, $0x11  }
0xaa: {  	s6 =	sor.u32 @p0 s7, s6  }
0xab: {  	[sflag:s6] =	ssyncadd.remote.s32 @p0 $0x1;
	_ =	sdelay $0x1  }
0xac: {  	s6 =	simm.s32 @p0 $0x1B8D  }
0xad: {  	_ =	swait.eq @p0 [sflag:s6], $0x1  }
0xae: {  	[sflag:s6] =	ssyncadd.s32 @p0 $0xFFFFFFFF  }
0xaf: {  	s7 =	sshll.u32 @!p0 s1, $0xE  }
0xb0: {  	s7 =	sor.u32 @!p0 $0x4000, s7;
	s6 =	simm.s32 @!p0 $0x1B8D  }
0xb1: {  	s5 =	sshll.u32 @!p0 s5, $0x11;
	s7 =	sadd.s32 @!p0 $0x11B8D, s7;
	_ =	swait.eq @!p0 [sflag:s6], $0x1  }
0xb2: {  	s5 =	sor.u32 @!p0 s5, s7;
	[sflag:s6] =	ssyncadd.s32 @!p0 $0xFFFFFFFF  }
0xb3: {  	s25 =	simm.s32 $0x1B8E;
	s24 =	sld [smem:$0x3FFE];
	[sflag:s5] =	ssyncadd.remote.s32 @!p0 $0x1  }
0xb4: {  	s26 =	simm.s32 $execute0_lowered;
	[smem:$0x3FD2] =	sst s25  }
0xb5: {  	s6 =	sshll.u32 s26, $0x1;
	_ =	strace $0x8000004C;
	[dreg:$0x1] =	wrdreg $0xFFFFFFFF  }
0xb6: {  	s28 =	simm.s32 $_size_execute0_lowered;
	s4 =	sadd.s32 s4, s6;
	[dreg:$0x0] =	wrdreg $0x0  }
0xb7: {  	s6 =	sshll.u32 s28, $0x1;
	[dreg:$0x2] =	wrdreg s4  }
0xb8: {  	[dreg:$0x3] =	wrdreg s6  }
0xb9: {  	[dreg:$0x4] =	wrdreg $0xC0  }
0xba: {  	_ =	task [dreg:s22], $0x5FFFF  }
0xbb: {  	[dreg:$0x1] =	wrdreg $0xFFFFFFFF  }
0xbc: {  	[dreg:$0x0] =	wrdreg $0x60  }
0xbd: {  	[dreg:$0x2] =	wrdreg s24  }
0xbe: {  	[dreg:$0x3] =	wrdreg s18  }
0xbf: {  	[dreg:$0x4] =	wrdreg $0xB  }
0xc0: {  	_ =	task.clear_ibuf [dreg:s22], $0x5FFFF;
	_ =	strace $0x9000004C  }
0xc1: {  	s29 =	simm.s32 $0xB;
	_ =	strace $0x8000004E  }
0xc2: {  	_ =	swait.ge [sflag:s29], $0x1  }
0xc3: {  	[sflag:s29] =	ssyncadd.s32 $0xFFFFFFFF  }
0xc4: {  	_ =	strace $0x9000004E  }
0xc5: {  	_ =	sfence  }
0xc6: {  	s30 =	sld [smem:$0x0];
	_ =	sdelay $0x2  }
0xc7: {  	s31 =	sshll.u32 s1, $0xD;
	s1 =	sshrl.u32 s1, $0x2  }
0xc8: {  	s4 =	sand.u32 $0x4000, s31;
	s1 =	sadd.s32 s1, s30  }
0xc9: {  	s0 =	sor.u32 s4, s0;
	s1 =	sshll.u32 s1, $0x11  }
0xca: {  	s0 =	sor.u32 s1, s0  }
0xcb: {  	s0 =	sadd.s32 $0x8F2B, s0  }
0xcc: {  	[sflag:s0] =	ssyncadd.remote.s32 $0x1  }
0xcd: {  	_ =	sfence.sel $0xFFFF  }
0xce: {  	[dreg:$0x0] =	wrdreg $0xFFFFFFFF;
	(pc) =	sbr.abs _section_cstart, $3  }
0xcf: {  	[dreg:$0x1] =	wrdreg $0xFFFFFFFF  }
0xd0: {  	_ =	task.clear_ibuf [dreg:s22], $0x2FFFF;
	_ =	strace $0x9FFFFFFF  }
0xd1: {  	(tm) =	ssettm $0x7FFFFFFF  }
tec
execute0_lowered:
.L_overlay_start_1:
0x0: {  	(tag) =	ssettag $0x1  }
0x1: {  	s5 =	rddreg [dreg:$0x0]  }
0x2: {  	s2 =	rddreg [dreg:$0x1]  }
0x3: {  	s0 =	rddreg [dreg:$0x2]  }
0x4: {  	s4 =	srdreg.scid;
	s1 =	stileid.u32  }
0x5: {  	s3 =	simm.s32 $0x0;
	s6 =	sand.u32 $0x1, s4;
	s30 =	smul.u32 $0x1900, s1  }
0x6: {  	s11 =	simm.s32 $0x0;
	[smem:$0x7FF] =	sst s3;
	s7 =	smul.u32 $0xC80, s6  }
0x7: {  	s31 =	smul.u32 $0x19000, s1;
	_ =	strace $0x8000004D;
	s8 =	ssub.s32 $0x2, s6  }
0x8: {  	s6 =	smul.u32 $0xC800, s6;
	s10 =	sshrl.u32 s8, $0x1;
	s4 =	sadd.s32 s7, s30  }
0x9: {  	s7 =	sadd.s32 s31, s5;
	s8 =	ssub.s32 s8, s10;
	s9 =	sadd.s32 $0x32000, s4  }
0xa: {  	s10 =	simm.s32 $0x1;
	s6 =	sadd.s32 s6, s7;
	s9 =	sshrl.u32 s9, $0x3  }
0xb: {  	s6 =	sadd.s32 $0x32EC00, s6;
	s9 =	sadd.s32 s9, s5;
	s5 =	smax.u32 s8, $0x1  }
0xc: {  	v0 =	vlaneseq.u32;
	s8 =	simm.s32 $0x2;
	s7 =	sadd.s32 $0x2400, s9;
	s9 =	simm.s32 $0x80  }
.LBB2_1:
0xd: {  	s12 =	sadd.s32 $0x0, s4  }
0xe: {  	s13 =	sadd.s32 $0x32060, s12  }
0xf: {  	s14 =	sadd.s32 $0x32000, s12;
	v1 =	vor.u32 s13, v0  }
0x10: {  	s19 =	sadd.s32 $0x32010, s12;
	v3 =	vor.u32 s14, v0;
	v2 =	vmulhi.u32 $0x51EB851F, v1  }
0x11: {  	s21 =	sadd.s32 $0x32040, s12;
	v5 =	vor.u32 s19, v0;
	v6 =	vmulhi.u32 $0x51EB851F, v3  }
0x12: {  	s22 =	sadd.s32 $0x32020, s12;
	v9 =	vor.u32 s21, v0;
	v8 =	vmulhi.u32 $0x51EB851F, v5  }
0x13: {  	s15 =	sadd.s32 $0x32070, s12;
	s20 =	sadd.s32 $0x32030, s12;
	s12 =	sadd.s32 $0x32050, s12;
	v10 =	vor.u32 s22, v0;
	v11 =	vmulhi.u32 $0x51EB851F, v9  }
0x14: {  	s23 =	sadd.s32 $0x80, s4;
	v12 =	vor.u32 s12, v0;
	v13 =	vmulhi.u32 $0x51EB851F, v10  }
0x15: {  	s25 =	sadd.s32 $0x32000, s23;
	v7 =	vor.u32 s20, v0;
	v14 =	vmulhi.u32 $0x51EB851F, v12  }
0x16: {  	s28 =	sadd.s32 $0x32010, s23;
	s29 =	sadd.s32 $0x32030, s23;
	v55 =	vor.u32 s25, v0;
	v15 =	vmulhi.u32 $0x51EB851F, v7  }
0x17: {  	s30 =	sadd.s32 $0x32040, s23;
	v57 =	vor.u32 s28, v0;
	v18 =	vor.u32 s29, v0;
	v16 =	vmulhi.u32 $0x51EB851F, v55  }
0x18: {  	s31 =	sadd.s32 $0x32050, s23;
	v21 =	vor.u32 s30, v0;
	v19 =	vmulhi.u32 $0x51EB851F, v57;
	v6 =	vshrl.u32 v6, $0x5  }
0x19: {  	s12 =	sadd.s32 $0x32020, s23;
	v22 =	vor.u32 s31, v0;
	v25 =	vmulhi.u32 $0x51EB851F, v21;
	v6 =	vmul.u32 $0x64, v6  }
0x1a: {  	v24 =	vor.u32 s12, v0;
	v26 =	vmulhi.u32 $0x51EB851F, v18;
	v13 =	vshrl.u32 v13, $0x5  }
0x1b: {  	v60 =	vmulhi.u32 $0x51EB851F, v22;
	v3 =	vsub.s32 v3, v6;
	v6 =	vmul.u32 $0x64, v13  }
0x1c: {  	[tilespmem:s3], [sflag:$0x2] =	stream.linear.gather [hbm4b:s7+s3], $0x80, $0x38;
	v4 =	vor.u32 s15, v0;
	v59 =	vmulhi.u32 $0x51EB851F, v24;
	v11 =	vshrl.u32 v11, $0x5;
	[tilespmem:$0x4080] =	vst v63  }
0x1d: {  	_ =	swait.ge [sflag:s8], $0x80;
	v6 =	vsub.s32 v10, v6;
	v10 =	vmul.u32 $0x64, v11;
	v11 =	vmulhi.u32 $0x51EB851F, v4  }
0x1e: {  	[sflag:s8] =	ssyncset.done $0x0;
	v2 =	vshrl.u32 v2, $0x5;
	v8 =	vshrl.u32 v8, $0x5;
	v53 =	vshrl.u32 v14, $0x5  }
0x1f: {  	[sflag:s8] =	ssyncadd.s32 $0xFFFFFF80;
	v54 =	vshrl.u32 v15, $0x5;
	v2 =	vmul.u32 $0x64, v2;
	v11 =	vshrl.u32 v11, $0x5  }
0x20: {  	v56 =	vld [tilespmem:$0x30];
	v9 =	vsub.s32 v9, v10;
	v10 =	vmul.u32 $0x64, v54;
	v11 =	vmul.u32 $0x64, v11  }
0x21: {  	v17 =	vld [tilespmem:$0x40];
	v16 =	vshrl.u32 v16, $0x5;
	v58 =	vshrl.u32 v19, $0x5;
	v8 =	vmul.u32 $0x64, v8  }
0x22: {  	v2 =	vsub.s32 v1, v2;
	v7 =	vsub.s32 v7, v10;
	v1 =	vsub.s32 v4, v11;
	v11 =	vld [tilespmem:$0x10]  }
0x23: {  	v20 =	vld [tilespmem:$0x0];
	v62 =	vshrl.u32 v60, $0x5;
	v16 =	vmul.u32 $0x64, v16;
	v4 =	vmul.u32 $0x3E8, v7  }
0x24: {  	v23 =	vld [tilespmem:$0x20];
	v14 =	vmul.u32 $0x64, v58;
	v5 =	vsub.s32 v5, v8;
	v8 =	vmul.u32 $0x3E8, v9  }
0x25: {  	v61 =	vshrl.u32 v59, $0x5;
	v5 =	vmul.u32 $0x3E8, v5;
	v4 =	vadd.s32 v4, v56  }
0x26: {  	v13 =	vmul.u32 $0x64, v53;
	v3 =	vmul.u32 $0x3E8, v3;
	[tilespmem:$0x30] =	vst v4;
	v4 =	vadd.s32 v8, v17;
	v8 =	vld [tilespmem:$0x70]  }
0x27: {  	s24 =	sadd.s32 $0x32060, s23;
	v63 =	vmul.u32 $0x64, v62;
	v6 =	vmul.u32 $0x3E8, v6;
	v5 =	vadd.s32 v5, v11;
	v11 =	vld [tilespmem:$0x50]  }
0x28: {  	v12 =	vsub.s32 v12, v13;
	v3 =	vadd.s32 v3, v20;
	v9 =	vor.u32 s24, v0;
	[tilespmem:$0x10] =	vst v5;
	v5 =	vld [tilespmem:$0x60]  }
0x29: {  	[tilespmem:$0x0] =	vst v3;
	v3 =	vadd.s32 v6, v23;
	v10 =	vmulhi.u32 $0x51EB851F, v9;
	v7 =	vmul.u32 $0x3E8, v1  }
0x2a: {  	s26 =	sadd.s32 $0x32070, s23;
	v2 =	vmul.u32 $0x3E8, v2;
	v12 =	vmul.u32 $0x3E8, v12;
	v6 =	vmul.u32 $0x64, v61;
	[tilespmem:$0x20] =	vst v3  }
0x2b: {  	v1 =	vor.u32 s26, v0;
	v10 =	vshrl.u32 v10, $0x5;
	[tilespmem:$0x40] =	vst v4;
	v7 =	vadd.s32 v7, v8  }
0x2c: {  	v4 =	vsub.s32 v55, v16;
	[tilespmem:$0x70] =	vst v7;
	v3 =	vadd.s32 v12, v11;
	v11 =	vshrl.u32 v25, $0x5  }
0x2d: {  	[tilespmem:$0x50] =	vst v3;
	v2 =	vadd.s32 v2, v5;
	v5 =	vsub.s32 v24, v6;
	v6 =	vmul.u32 $0x64, v11  }
0x2e: {  	v10 =	vmul.u32 $0x64, v10;
	v7 =	vmulhi.u32 $0x51EB851F, v1;
	v3 =	vmul.u32 $0x3E8, v4;
	[tilespmem:$0x60] =	vst v2  }
0x2f: {  	v2 =	vmul.u32 $0x3E8, v5;
	v5 =	vsub.s32 v21, v6;
	v6 =	vshrl.u32 v26, $0x5;
	[tilespmem:s9], [sflag:$0x1] =	stream.indirect.gather [hbm4b:s2+s9], $0x80, s3, s9, $0xb8;
	[tilespmem:$0x4080] =	vst v63  }
0x30: {  	s17 =	sadd.s32 $0x10, s7;
	s16 =	smov.u32 s6;
	v4 =	vsub.s32 v22, v63;
	v11 =	vshrl.u32 v7, $0x5;
	v8 =	vmul.u32 $0x64, v6;
	_ =	swait.ge [sflag:s10], $0x4000  }
0x31: {  	s13 =	simm.s32 $0x100;
	s12 =	sadd.s32 $0x800, s6;
	v7 =	vsub.s32 v9, v10;
	v4 =	vmul.u32 $0x3E8, v4;
	v9 =	vmul.u32 $0x64, v11;
	[sflag:s10] =	ssyncset.done $0x0  }
0x32: {  	s15 =	sadd.s32 $0x10, s17;
	s14 =	sadd.s32 $0x800, s12;
	v6 =	vsub.s32 v57, v14;
	v5 =	vmul.u32 $0x3E8, v5;
	v8 =	vsub.s32 v18, v8;
	[sflag:s10] =	ssyncadd.s32 $0xFFFFC000  }
.LBB2_2:
0x33: {  	[hbm4b:s16+s3] =	stream.linear.scatter [tilespmem:s9], [sflag:$0x2], $0x4000, $0x38;
	[tilespmem:$0x4080] =	vst v63  }
0x34: {  	s18 =	smov.u32 s13;
	s16 =	smov.u32 s12;
	s12 =	smov.u32 s14  }
0x35: {  	p0 =	sne.s32 s13, $0xC00;
	s13 =	sadd.s32 $0x80, s13;
	v1 =	vsub.s32 v1, v9;
	_ =	swait.ge [sflag:s8], $0x4000  }
0x36: {  	[sflag:s8] =	ssyncset.done $0x0  }
0x37: {  	s18 =	sadd.s32 s18, s4;
	[sflag:s8] =	ssyncadd.s32 $0xFFFFC000  }
0x38: {  	[tilespmem:s3], [sflag:$0x2] =	stream.linear.gather [hbm4b:s17+s3], $0x80, $0x38;
	[tilespmem:$0x4080] =	vst v63  }
0x39: {  	s19 =	sadd.s32 $0x32010, s18;
	s17 =	sadd.s32 $0x32060, s18;
	_ =	swait.ge [sflag:s8], $0x80  }
0x3a: {  	v8 =	vmul.u32 $0x3E8, v8;
	s20 =	sadd.s32 $0x32000, s18;
	v10 =	vmul.u32 $0x3E8, v1;
	v9 =	vor.u32 s17, v0;
	s17 =	sadd.s32 $0x32070, s18;
	[sflag:s8] =	ssyncset.done $0x0  }
0x3b: {  	v7 =	vmul.u32 $0x3E8, v7;
	s21 =	sadd.s32 $0x32030, s18;
	v11 =	vmulhi.u32 $0x51EB851F, v9;
	v1 =	vor.u32 s17, v0;
	s17 =	smov.u32 s15;
	[sflag:s8] =	ssyncadd.s32 $0xFFFFFF80  }
0x3c: {  	v6 =	vmul.u32 $0x3E8, v6;
	v12 =	vor.u32 s20, v0;
	v13 =	vor.u32 s19, v0;
	s19 =	sadd.s32 $0x32040, s18;
	s20 =	sadd.s32 $0x32050, s18;
	v14 =	vld [tilespmem:$0x10]  }
0x3d: {  	v16 =	vor.u32 s21, v0;
	v15 =	vmulhi.u32 $0x51EB851F, v12;
	v11 =	vshrl.u32 v11, $0x5;
	v17 =	vld [tilespmem:$0x30]  }
0x3e: {  	v18 =	vmulhi.u32 $0x51EB851F, v13;
	v19 =	vor.u32 s19, v0;
	v20 =	vor.u32 s20, v0;
	s18 =	sadd.s32 $0x32020, s18;
	v21 =	vld [tilespmem:$0x40]  }
0x3f: {  	v23 =	vmulhi.u32 $0x51EB851F, v19;
	v15 =	vshrl.u32 v15, $0x5;
	v22 =	vor.u32 s18, v0;
	v24 =	vld [tilespmem:$0x0]  }
0x40: {  	v25 =	vmulhi.u32 $0x51EB851F, v16;
	v18 =	vshrl.u32 v18, $0x5;
	v15 =	vmul.u32 $0x64, v15;
	v26 =	vld [tilespmem:$0x20]  }
0x41: {  	v18 =	vmul.u32 $0x64, v18;
	v27 =	vmulhi.u32 $0x51EB851F, v22;
	v6 =	vadd.s32 v6, v14;
	v14 =	vld [tilespmem:$0x50]  }
0x42: {  	v12 =	vsub.s32 v12, v15;
	v15 =	vmulhi.u32 $0x51EB851F, v20;
	[tilespmem:$0x10] =	vst v6;
	v6 =	vadd.s32 v8, v17;
	v8 =	vld [tilespmem:$0x60]  }
0x43: {  	v12 =	vmul.u32 $0x3E8, v12;
	v17 =	vshrl.u32 v27, $0x5;
	[tilespmem:$0x30] =	vst v6;
	v5 =	vadd.s32 v5, v21;
	v6 =	vld [tilespmem:$0x70]  }
0x44: {  	v15 =	vshrl.u32 v15, $0x5;
	v17 =	vmul.u32 $0x64, v17;
	v21 =	vadd.s32 v3, v24;
	[tilespmem:$0x40] =	vst v5  }
0x45: {  	v15 =	vmul.u32 $0x64, v15;
	v5 =	vshrl.u32 v23, $0x5;
	v3 =	vmovc v12;
	[tilespmem:$0x0] =	vst v21;
	v2 =	vadd.s32 v2, v26  }
0x46: {  	v12 =	vsub.s32 v22, v17;
	v5 =	vmul.u32 $0x64, v5;
	[tilespmem:$0x20] =	vst v2;
	v4 =	vadd.s32 v4, v14  }
0x47: {  	v2 =	vmul.u32 $0x3E8, v12;
	v12 =	vsub.s32 v20, v15;
	[tilespmem:$0x50] =	vst v4;
	v7 =	vadd.s32 v7, v8  }
0x48: {  	v5 =	vsub.s32 v19, v5;
	v4 =	vmul.u32 $0x3E8, v12;
	[tilespmem:$0x60] =	vst v7;
	v7 =	vadd.s32 v10, v6  }
.Ltmp0:
0x49: {  	v8 =	vshrl.u32 v25, $0x5;
	v6 =	vsub.s32 v13, v18;
	v5 =	vmul.u32 $0x3E8, v5;
	[tilespmem:$0x70] =	vst v7;
	(pc) =	sbr.rel @p0 .LBB2_2-.Ltmp0, $4  }
0x4a: {  	v10 =	vmul.u32 $0x64, v11;
	v11 =	vmulhi.u32 $0x51EB851F, v1;
	v7 =	vmul.u32 $0x64, v8;
	[tilespmem:s9], [sflag:$0x1] =	stream.indirect.gather [hbm4b:s2+s9], $0x80, s3, s9, $0xb8;
	[tilespmem:$0x4080] =	vst v63  }
0x4b: {  	_ =	swait.ge [sflag:s10], $0x4000  }
0x4c: {  	v8 =	vsub.s32 v16, v7;
	v7 =	vsub.s32 v9, v10;
	v9 =	vshrl.u32 v11, $0x5;
	[sflag:s10] =	ssyncset.done $0x0  }
0x4d: {  	s14 =	sadd.s32 $0x800, s14;
	s15 =	sadd.s32 $0x10, s15;
	v9 =	vmul.u32 $0x64, v9;
	[sflag:s10] =	ssyncadd.s32 $0xFFFFC000  }
0x4e: {  	[hbm4b:s16+s3] =	stream.linear.scatter [tilespmem:s9], [sflag:$0x2], $0x4000, $0x38;
	[tilespmem:$0x4080] =	vst v63  }
0x4f: {  	_ =	swait.ge [sflag:s8], $0x4000  }
0x50: {  	[sflag:s8] =	ssyncset.done $0x0  }
0x51: {  	[sflag:s8] =	ssyncadd.s32 $0xFFFFC000  }
0x52: {  	[tilespmem:s3], [sflag:$0x2] =	stream.linear.gather [hbm4b:s17+s3], $0x80, $0x38;
	[tilespmem:$0x4080] =	vst v63  }
0x53: {  	_ =	swait.ge [sflag:s8], $0x80  }
0x54: {  	[sflag:s8] =	ssyncset.done $0x0  }
0x55: {  	[sflag:s8] =	ssyncadd.s32 $0xFFFFFF80  }
0x56: {  	v10 =	vld [tilespmem:$0x10]  }
0x57: {  	v11 =	vld [tilespmem:$0x30]  }
0x58: {  	v12 =	vld [tilespmem:$0x40]  }
0x59: {  	v6 =	vmul.u32 $0x3E8, v6;
	v13 =	vld [tilespmem:$0x0]  }
0x5a: {  	v8 =	vmul.u32 $0x3E8, v8;
	v14 =	vld [tilespmem:$0x20]  }
0x5b: {  	v62 =	vld [tilespmem:$0x70];
	v6 =	vadd.s32 v6, v10  }
0x5c: {  	v59 =	vld [tilespmem:$0x50];
	v60 =	vadd.s32 v8, v11;
	[tilespmem:$0x10] =	vst v6  }
0x5d: {  	v1 =	vsub.s32 v1, v9;
	v61 =	vld [tilespmem:$0x60];
	v5 =	vadd.s32 v5, v12;
	[tilespmem:$0x30] =	vst v60  }
0x5e: {  	v1 =	vmul.u32 $0x3E8, v1;
	v3 =	vadd.s32 v3, v13;
	[tilespmem:$0x40] =	vst v5  }
0x5f: {  	v2 =	vadd.s32 v2, v14;
	[tilespmem:$0x0] =	vst v3  }
0x60: {  	v63 =	vmul.u32 $0x3E8, v7;
	v1 =	vadd.s32 v1, v62;
	[tilespmem:$0x20] =	vst v2  }
0x61: {  	v2 =	vadd.s32 v4, v59;
	[tilespmem:$0x70] =	vst v1  }
0x62: {  	[tilespmem:$0x50] =	vst v2;
	v2 =	vadd.s32 v63, v61  }
0x63: {  	[tilespmem:$0x60] =	vst v2  }
0x64: {  	[tilespmem:s9], [sflag:$0x1] =	stream.indirect.gather [hbm4b:s2+s9], $0x80, s3, s9, $0xb8;
	[tilespmem:$0x4080] =	vst v63  }
0x65: {  	s11 =	sadd.s32 $0x1, s11;
	_ =	swait.ge [sflag:s10], $0x4000  }
0x66: {  	p0 =	sne.s32 s11, s5;
	[sflag:s10] =	ssyncset.done $0x0  }
.Ltmp1:
0x67: {  	[sflag:s10] =	ssyncadd.s32 $0xFFFFC000;
	(pc) =	sbr.rel @p0 .LBB2_1-.Ltmp1, $4  }
0x68: {  	[hbm4b:s12+s3] =	stream.linear.scatter [tilespmem:s9], [sflag:$0x2], $0x4000, $0x38;
	[tilespmem:$0x4080] =	vst v63  }
0x69: {  	_ =	swait.ge [sflag:s8], $0x4000  }
0x6a: {  	[sflag:s8] =	ssyncset.done $0x0  }
0x6b: {  	[sflag:s8] =	ssyncadd.s32 $0xFFFFC000  }
0x6c: {  	_ =	sfence.sel $0x180000  }
0x6d: {  	[bflag:$0x0] =	sbarrier.arrive $0xFFFF  }
0x6e: {  	p0 =	sne.s32 s1, $0x0;
	_ =	strace $0x9000004D  }
0x6f: {  	s0 =	sadd.s32 @!p0 $0x100000, s0;
	[bflag:$0x2] =	sbarrier.arrive $0xFFFF  }
0x70: {  	[sflag:s0] =	ssyncadd.tile.s32 @!p0 $0x1;
	_ =	shalt  }
.Lfunc_end2:
_tile_overlayer_lowered:
.L_overlay_start_2:
0x71: {  	(tag) =	ssettag $0x2  }
0x72: {  	s0 =	rddreg [dreg:$0x0];
	s2 =	stileid.u32  }
0x73: {  	s1 =	rddreg [dreg:$0x1];
	p0 =	sne.s32 s2, $0x0  }
0x74: {  	s3 =	rddreg [dreg:$0x2];
	[bflag:$0x3] =	sbarrier.arrive $0xFFFF;
	s2 =	simm.s32 @!p0 $0x1C02  }
0x75: {  	[timem:s3], [sflag:s2] =	dma.local @!p0 [hbm:s0], s1  }
0x76: {  	s0 =	simm.s32 @!p0 $0x2  }
0x77: {  	_ =	swait.ge @!p0 [sflag:s0], s1  }
0x78: {  	s1 =	ssub.s32 @!p0 $0x0, s1;
	[sflag:s0] =	ssyncset.done @!p0 $0x0  }
0x79: {  	[sflag:s0] =	ssyncadd.s32 @!p0 s1  }
0x7a: {  	[bflag:$0x3] =	sbarrier.arrive $0xFFFF  }
0x7b: {  	_ =	shalt  }

// kernel: kernel.19.cloned.1.call-start
scs
__scs_entry_jumppad:
0x0: {  	(pc) =	sbr.rel $0x88, $3  }
0x1: {  	(tag) =	ssettag $0x0;
	lr =	simm.s32 $0x1  }
0x2: {  	[smem:$0x3F9A] =	sst lr;
	_ =	strace $0xD0000000  }
0x3: {  	_ = 	snop  }
0x4: {  	_ = 	snop  }
0x5: {  	_ = 	snop  }
0x6: {  	_ = 	snop  }
0x7: {  	_ = 	snop  }
__scs_overlays_trampoline_lowered:
0x8: {  	[smem:$0x3FA9] =	sst s0  }
0x9: {  	[smem:$0x3FAA] =	sst s1  }
0xa: {  	[smem:$0x3FAB] =	sst s2  }
0xb: {  	[smem:$0x3FAC] =	sst s3  }
0xc: {  	[smem:$0x3FAD] =	sst s4  }
0xd: {  	[smem:$0x3FAE] =	sst s5  }
0xe: {  	[smem:$0x3FAF] =	sst s6  }
0xf: {  	[smem:$0x3FB0] =	sst s7  }
0x10: {  	[smem:$0x3FB1] =	sst s8  }
0x11: {  	[smem:$0x3FB2] =	sst s9;
	s0 =	simm.s32 @!p0 $0x0  }
0x12: {  	s1 =	sld [smem:$0x3F98];
	s0 =	simm.s32 @p0 $0x1  }
0x13: {  	[smem:$0x3FB3] =	sst s0;
	s0 =	simm.s32 @!p1 $0x0  }
0x14: {  	s2 =	sld [smem:$0x3F97];
	s0 =	simm.s32 @p1 $0x1  }
0x15: {  	[smem:$0x3FB4] =	sst s0;
	s0 =	simm.s32 @!p2 $0x0  }
0x16: {  	s3 =	sld [smem:$0x3FDB];
	s0 =	simm.s32 @p2 $0x1  }
0x17: {  	s4 =	simm.s32 $0x1BF5;
	[smem:$0x3FB6] =	sst s0  }
0x18: {  	s0 =	sld [smem:$0x3F99];
	_ =	swait.ge [sflag:s4], $0x0  }
0x19: {  	s7 =	sld [smem:$0x3F9A]  }
0x1a: {  	s8 =	sadd.s32 $0xFFFFE003, lr  }
0x1b: {  	s9 =	sadd.s32 $0xFFFFFEF7, lr;
	s5 =	simm.s32 $0xFFFFFFFF;
	p2 =	slt.u32 s8, $0xFFFFF086  }
0x1c: {  	p1 =	slt.u32 s9, $0xF7A;
	s5 =	simm.s32 @!p2 $0x0  }
0x1d: {  	s5 =	simm.s32 @p1 $0x1;
	p0 =	seq.s32 s7, s2  }
0x1e: {  	s7 =	smul.u32 @!p0 $0xF7A, s2;
	p2 =	seq.s32 @!p0 s5, $0x0  }
0x1f: {  	s9 =	smul.u32 $0xF7A, s1;
	s8 =	simm.s32 @!p0 $0x1BF5;
	p2 =	por !p2, p0  }
0x20: {  	[sflag:s8] =	ssyncset.s32 @!p0 $0xFFFFF086;
	s6 =	sadd.s32 @!p0 s3, s7;
	s7 =	simm.s32 @!p0 $0x108  }
0x21: {  	s3 =	sadd.s32 s3, s9;
	s6 =	sadd.s32 @!p0 $0x88, s6;
	s7 =	simm.s32 @p2 $0x1082  }
0x22: {  	[simem:s7], [sflag:s8] =	dma.local @!p0 [hbm:s6], $0xF7A  }
0x23: {  	s9 =	sor.u32 $0xD0000000, s2;
	s6 =	simm.s32 $0x108;
	_ =	swait.ge @!p0 [sflag:s8], $0x0  }
0x24: {  	s3 =	sadd.s32 $0x88, s3;
	s6 =	simm.s32 @!p1 $0x1082;
	[sflag:s4] =	ssyncset.s32 $0xFFFFF086  }
0x25: {  	[simem:s6], [sflag:s4] =	dma.local [hbm:s3], $0xF7A  }
0x26: {  	[smem:$0x3F9A] =	sst s1;
	(tag) =	ssettag s2;
	_ =	strace s9  }
0x27: {  	s1 =	sld [smem:$0x3FAA]  }
0x28: {  	s2 =	sld [smem:$0x3FAB]  }
0x29: {  	s4 =	sld [smem:$0x3FAD]  }
0x2a: {  	p0 =	seq.s32 s5, $0x0;
	s5 =	sld [smem:$0x3FAE]  }
0x2b: {  	s6 =	sld [smem:$0x3FAF]  }
0x2c: {  	s7 =	sld [smem:$0x3FB0]  }
0x2d: {  	s3 =	simm.s32 $0x108;
	s8 =	sld [smem:$0x3FB1]  }
0x2e: {  	s3 =	simm.s32 @!p0 $0x1082;
	s9 =	sld [smem:$0x3FB2]  }
0x2f: {  	lr =	sadd.s32 s0, s3;
	s0 =	sld [smem:$0x3FA9]  }
0x30: {  	s3 =	sld [smem:$0x3FAC]  }
0x31: {  	[smem:$0x3FB5] =	sst s10  }
0x32: {  	s10 =	sld [smem:$0x3FB3];
	_ =	sdelay $0x3  }
0x33: {  	p0 =	seq.s32 s10, $0x1;
	s10 =	sld [smem:$0x3FB5];
	_ =	sdelay $0x3  }
0x34: {  	[smem:$0x3FB5] =	sst s10  }
0x35: {  	s10 =	sld [smem:$0x3FB4];
	_ =	sdelay $0x3  }
0x36: {  	p1 =	seq.s32 s10, $0x1;
	s10 =	sld [smem:$0x3FB5];
	_ =	sdelay $0x3  }
0x37: {  	[smem:$0x3FB5] =	sst s10  }
0x38: {  	s10 =	sld [smem:$0x3FB6]  }
0x39: {  	_ = 	snop;
	(pc) =	sbr.ind lr, $3  }
0x3a: {  	_ = 	snop  }
0x3b: {  	_ = 	snop  }
0x3c: {  	p2 =	seq.s32 s10, $0x1;
	s10 =	sld [smem:$0x3FB5]  }
0x3d: {  	_ =	shalt  }
0x3e: {  	_ =	shalt  }
0x3f: {  	_ =	shalt  }
0x40: {  	_ =	shalt  }
0x41: {  	_ =	shalt  }
0x42: {  	_ =	shalt  }
0x43: {  	_ =	shalt  }
0x44: {  	_ =	shalt  }
0x45: {  	_ =	shalt  }
0x46: {  	_ =	shalt  }
0x47: {  	_ =	shalt  }
0x48: {  	_ =	shalt  }
0x49: {  	_ =	shalt  }
0x4a: {  	_ =	shalt  }
0x4b: {  	_ =	shalt  }
0x4c: {  	_ =	shalt  }
0x4d: {  	_ =	shalt  }
0x4e: {  	_ =	shalt  }
0x4f: {  	_ =	shalt  }
0x50: {  	_ =	shalt  }
0x51: {  	_ =	shalt  }
0x52: {  	_ =	shalt  }
0x53: {  	_ =	shalt  }
0x54: {  	_ =	shalt  }
0x55: {  	_ =	shalt  }
0x56: {  	_ =	shalt  }
0x57: {  	_ =	shalt  }
0x58: {  	_ =	shalt  }
0x59: {  	_ =	shalt  }
0x5a: {  	_ =	shalt  }
0x5b: {  	_ =	shalt  }
0x5c: {  	_ =	shalt  }
0x5d: {  	_ =	shalt  }
0x5e: {  	_ =	shalt  }
0x5f: {  	_ =	shalt  }
0x60: {  	_ =	shalt  }
0x61: {  	_ =	shalt  }
0x62: {  	_ =	shalt  }
0x63: {  	_ =	shalt  }
0x64: {  	_ =	shalt  }
0x65: {  	_ =	shalt  }
0x66: {  	_ =	shalt  }
0x67: {  	_ =	shalt  }
0x68: {  	_ =	shalt  }
0x69: {  	_ =	shalt  }
0x6a: {  	_ =	shalt  }
0x6b: {  	_ =	shalt  }
0x6c: {  	_ =	shalt  }
0x6d: {  	_ =	shalt  }
0x6e: {  	_ =	shalt  }
0x6f: {  	_ =	shalt  }
0x70: {  	_ =	shalt  }
0x71: {  	_ =	shalt  }
0x72: {  	_ =	shalt  }
0x73: {  	_ =	shalt  }
0x74: {  	_ =	shalt  }
0x75: {  	_ =	shalt  }
0x76: {  	_ =	shalt  }
0x77: {  	_ =	shalt  }
0x78: {  	_ =	shalt  }
0x79: {  	_ =	shalt  }
0x7a: {  	_ =	shalt  }
0x7b: {  	_ =	shalt  }
0x7c: {  	_ =	shalt  }
0x7d: {  	_ =	shalt  }
0x7e: {  	_ =	shalt  }
0x7f: {  	_ =	shalt  }
0x80: {  	_ =	shalt  }
0x81: {  	_ =	shalt  }
0x82: {  	_ =	shalt  }
0x83: {  	_ =	shalt  }
0x84: {  	_ =	shalt  }
0x85: {  	_ =	shalt  }
0x86: {  	_ =	shalt  }
0x87: {  	_ =	shalt  }
.Lfunc_end0:
.L_simem_size_0:
called_computation.3_lowered:
.L_overlay_start_0:
0x88: {  	s2 =	sld [smem:$0x3FD9]  }
0x89: {  	s3 =	sld [smem:$0x3FFE];
	_ =	sdelay $0x1  }
0x8a: {  	s1 =	srdreg.scid  }
0x8b: {  	s0 =	sand.u32 $0x1, s1  }
0x8c: {  	s17 =	sshll.u32 s0, $0xA;
	s2 =	sadd.s32 s3, s2  }
0x8d: {  	s2 =	sadd.s32 s2, s17  }
0x8e: {  	[smem:$0x3FC1] =	sst s2  }
0x8f: {  	_ = 	snop  }
0x90: {  	s18 =	sld [smem:$0x3FC7]  }
0x91: {  	s4 =	sld [smem:$0x3FD0];
	(tm) =	ssettm $0x1  }
0x92: {  	s19 =	sld [smem:$0x3FFB];
	_ =	sdelay $0x3  }
0x93: {  	_ =	strace s19  }
0x94: {  	s2 =	sld [smem:$0x3FFC];
	_ =	sdelay $0x3  }
0x95: {  	_ =	strace s2  }
0x96: {  	s2 =	sld [smem:$0x3FFD];
	_ =	sdelay $0x3  }
0x97: {  	_ =	strace s2  }
0x98: {  	_ =	strace $0x8FFFFFFF  }
0x99: {  	s20 =	sld [smem:$0x3FDB];
	_ =	sdelay $0x1  }
0x9a: {  	s5 =	simm.s32 $_scs_section_size  }
0x9b: {  	s6 =	simm.s32 $_size__tile_overlayer_lowered;
	s7 =	simm.s32 $_tile_overlayer_lowered  }
0x9c: {  	s8 =	simm.s32 $0x1BFF;
	s21 =	sshll.u32 s7, $0x1;
	s5 =	sadd.s32 s5, s20  }
0x9d: {  	s22 =	simm.s32 $0x0;
	s6 =	sshll.u32 s6, $0x1;
	s7 =	sadd.s32 s21, s5  }
0x9e: {  	[timem:s22], [sflag:s8] =	dma.local [hbm:s7], s6  }
0x9f: {  	_ =	swait.ge [sflag:s8], s6  }
0xa0: {  	s6 =	ssub.s32 $0x0, s6;
	[sflag:s8] =	ssyncset.done $0x0  }
0xa1: {  	[sflag:s8] =	ssyncadd.s32 s6;
	_ =	sdelay $0x1  }
0xa2: {  	s23 =	simm.s32 $0x1B8B  }
0xa3: {  	_ =	swait.ge [sflag:s23], $0x1  }
0xa4: {  	[sflag:s23] =	ssyncset.done $0x0  }
0xa5: {  	[sflag:s23] =	ssyncadd.s32 $0xFFFFFFFF  }
0xa6: {  	s6 =	sld [smem:$0x0]  }
0xa7: {  	s7 =	sand.u32 $0xFFFFFFFE, s1  }
0xa8: {  	p0 =	sne.s32 s1, s7  }
0xa9: {  	s7 =	sshll.u32 @p0 s7, $0xE  }
0xaa: {  	s7 =	sadd.s32 @p0 $0x11B8D, s7;
	s8 =	sshll.u32 @p0 s6, $0x11  }
0xab: {  	s7 =	sor.u32 @p0 s8, s7  }
0xac: {  	[sflag:s7] =	ssyncadd.remote.s32 @p0 $0x1;
	_ =	sdelay $0x1  }
0xad: {  	s7 =	simm.s32 @p0 $0x1B8D  }
0xae: {  	_ =	swait.eq @p0 [sflag:s7], $0x1  }
0xaf: {  	[sflag:s7] =	ssyncadd.s32 @p0 $0xFFFFFFFF  }
0xb0: {  	s8 =	sshll.u32 @!p0 s1, $0xE  }
0xb1: {  	s8 =	sor.u32 @!p0 $0x4000, s8;
	s7 =	simm.s32 @!p0 $0x1B8D  }
0xb2: {  	s6 =	sshll.u32 @!p0 s6, $0x11;
	s8 =	sadd.s32 @!p0 $0x11B8D, s8;
	_ =	swait.eq @!p0 [sflag:s7], $0x1  }
0xb3: {  	s6 =	sor.u32 @!p0 s6, s8;
	[sflag:s7] =	ssyncadd.s32 @!p0 $0xFFFFFFFF  }
0xb4: {  	s25 =	simm.s32 $0x1B8E;
	s24 =	sld [smem:$0x3FFE];
	[sflag:s6] =	ssyncadd.remote.s32 @!p0 $0x1  }
0xb5: {  	s26 =	simm.s32 $execute0_lowered;
	[smem:$0x3FD2] =	sst s25  }
0xb6: {  	s7 =	sshll.u32 s26, $0x1;
	_ =	strace $0x8000004F;
	[dreg:$0x1] =	wrdreg $0xFFFFFFFF  }
0xb7: {  	s28 =	simm.s32 $_size_execute0_lowered;
	s5 =	sadd.s32 s5, s7;
	[dreg:$0x0] =	wrdreg $0x0  }
0xb8: {  	s7 =	sshll.u32 s28, $0x1;
	[dreg:$0x2] =	wrdreg s5  }
0xb9: {  	[dreg:$0x3] =	wrdreg s7  }
0xba: {  	[dreg:$0x4] =	wrdreg $0xC0  }
0xbb: {  	_ =	task [dreg:s22], $0x5FFFF  }
0xbc: {  	[dreg:$0x1] =	wrdreg $0xFFFFFFFF  }
0xbd: {  	[dreg:$0x0] =	wrdreg $0x60  }
0xbe: {  	[dreg:$0x2] =	wrdreg s24  }
0xbf: {  	[dreg:$0x3] =	wrdreg s18  }
0xc0: {  	[dreg:$0x4] =	wrdreg s4  }
0xc1: {  	[dreg:$0x5] =	wrdreg $0xC  }
0xc2: {  	_ =	task.clear_ibuf [dreg:s22], $0x6FFFF;
	_ =	strace $0x9000004F  }
0xc3: {  	s29 =	simm.s32 $0xC;
	_ =	strace $0x80000051  }
0xc4: {  	_ =	swait.ge [sflag:s29], $0x1  }
0xc5: {  	[sflag:s29] =	ssyncadd.s32 $0xFFFFFFFF  }
0xc6: {  	_ =	strace $0x90000051  }
0xc7: {  	_ =	sfence  }
0xc8: {  	s30 =	sld [smem:$0x0];
	_ =	sdelay $0x2  }
0xc9: {  	s31 =	sshll.u32 s1, $0xD;
	s1 =	sshrl.u32 s1, $0x2  }
0xca: {  	s4 =	sand.u32 $0x4000, s31;
	s1 =	sadd.s32 s1, s30  }
0xcb: {  	s0 =	sor.u32 s4, s0;
	s1 =	sshll.u32 s1, $0x11  }
0xcc: {  	s0 =	sor.u32 s1, s0  }
0xcd: {  	s0 =	sadd.s32 $0x8F2B, s0  }
0xce: {  	[sflag:s0] =	ssyncadd.remote.s32 $0x1  }
0xcf: {  	_ =	sfence.sel $0xFFFF  }
0xd0: {  	[dreg:$0x0] =	wrdreg $0xFFFFFFFF;
	(pc) =	sbr.abs _section_cstart, $3  }
0xd1: {  	[dreg:$0x1] =	wrdreg $0xFFFFFFFF  }
0xd2: {  	_ =	task.clear_ibuf [dreg:s22], $0x2FFFF;
	_ =	strace $0x9FFFFFFF  }
0xd3: {  	(tm) =	ssettm $0x7FFFFFFF  }
tec
execute0_lowered:
.L_overlay_start_1:
0x0: {  	(tag) =	ssettag $0x1  }
0x1: {  	s5 =	rddreg [dreg:$0x0]  }
0x2: {  	s2 =	rddreg [dreg:$0x1];
	s1 =	srdreg.scid  }
0x3: {  	s0 =	stileid.u32;
	s6 =	rddreg [dreg:$0x2];
	s3 =	simm.s32 $0x0  }
0x4: {  	s7 =	sand.u32 $0x1, s1;
	s4 =	smul.u32 $0x1900, s0;
	s1 =	rddreg [dreg:$0x3]  }
0x5: {  	[smem:$0x7FF] =	sst s3;
	s8 =	smul.u32 $0xC80, s7  }
0x6: {  	s11 =	smul.u32 $0x19000, s0;
	_ =	strace $0x80000050;
	s31 =	ssub.s32 $0x2, s7  }
0x7: {  	s7 =	smul.u32 $0xC800, s7;
	s10 =	sshrl.u32 s31, $0x1;
	s4 =	sadd.s32 s8, s4  }
0x8: {  	s6 =	sadd.s32 s11, s6;
	s11 =	simm.s32 $0x0;
	s9 =	sadd.s32 $0x4B000, s4  }
0x9: {  	s8 =	ssub.s32 s31, s10;
	s6 =	sadd.s32 s7, s6;
	s9 =	sshrl.u32 s9, $0x3  }
0xa: {  	s10 =	simm.s32 $0x1;
	s9 =	sadd.s32 s9, s5;
	s5 =	smax.u32 s8, $0x1  }
0xb: {  	v0 =	vlaneseq.u32;
	s8 =	simm.s32 $0x2;
	s7 =	sadd.s32 $0x2400, s9;
	s9 =	simm.s32 $0x80  }
.LBB2_1:
0xc: {  	s12 =	sadd.s32 $0x0, s4  }
0xd: {  	s13 =	sadd.s32 $0x4B060, s12  }
0xe: {  	s14 =	sadd.s32 $0x4B000, s12;
	v1 =	vor.u32 s13, v0  }
0xf: {  	s19 =	sadd.s32 $0x4B010, s12;
	v3 =	vor.u32 s14, v0;
	v2 =	vmulhi.u32 $0x51EB851F, v1  }
0x10: {  	s21 =	sadd.s32 $0x4B040, s12;
	v5 =	vor.u32 s19, v0;
	v6 =	vmulhi.u32 $0x51EB851F, v3  }
0x11: {  	s22 =	sadd.s32 $0x4B020, s12;
	v9 =	vor.u32 s21, v0;
	v8 =	vmulhi.u32 $0x51EB851F, v5  }
0x12: {  	s15 =	sadd.s32 $0x4B070, s12;
	s20 =	sadd.s32 $0x4B030, s12;
	s12 =	sadd.s32 $0x4B050, s12;
	v10 =	vor.u32 s22, v0;
	v11 =	vmulhi.u32 $0x51EB851F, v9  }
0x13: {  	s23 =	sadd.s32 $0x80, s4;
	v12 =	vor.u32 s12, v0;
	v13 =	vmulhi.u32 $0x51EB851F, v10  }
0x14: {  	s25 =	sadd.s32 $0x4B000, s23;
	v7 =	vor.u32 s20, v0;
	v14 =	vmulhi.u32 $0x51EB851F, v12  }
0x15: {  	s28 =	sadd.s32 $0x4B010, s23;
	s29 =	sadd.s32 $0x4B030, s23;
	v55 =	vor.u32 s25, v0;
	v15 =	vmulhi.u32 $0x51EB851F, v7  }
0x16: {  	s30 =	sadd.s32 $0x4B040, s23;
	v57 =	vor.u32 s28, v0;
	v18 =	vor.u32 s29, v0;
	v16 =	vmulhi.u32 $0x51EB851F, v55  }
0x17: {  	s31 =	sadd.s32 $0x4B050, s23;
	v21 =	vor.u32 s30, v0;
	v19 =	vmulhi.u32 $0x51EB851F, v57;
	v6 =	vshrl.u32 v6, $0x5  }
0x18: {  	s12 =	sadd.s32 $0x4B020, s23;
	v22 =	vor.u32 s31, v0;
	v25 =	vmulhi.u32 $0x51EB851F, v21;
	v6 =	vmul.u32 $0x64, v6  }
0x19: {  	v24 =	vor.u32 s12, v0;
	v26 =	vmulhi.u32 $0x51EB851F, v18;
	v13 =	vshrl.u32 v13, $0x5  }
0x1a: {  	v60 =	vmulhi.u32 $0x51EB851F, v22;
	v3 =	vsub.s32 v3, v6;
	v6 =	vmul.u32 $0x64, v13  }
0x1b: {  	[tilespmem:s3], [sflag:$0x2] =	stream.linear.gather [hbm4b:s7+s3], $0x80, $0x38;
	v4 =	vor.u32 s15, v0;
	v59 =	vmulhi.u32 $0x51EB851F, v24;
	v11 =	vshrl.u32 v11, $0x5;
	[tilespmem:$0x4080] =	vst v63  }
0x1c: {  	_ =	swait.ge [sflag:s8], $0x80;
	v6 =	vsub.s32 v10, v6;
	v10 =	vmul.u32 $0x64, v11;
	v11 =	vmulhi.u32 $0x51EB851F, v4  }
0x1d: {  	[sflag:s8] =	ssyncset.done $0x0;
	v2 =	vshrl.u32 v2, $0x5;
	v8 =	vshrl.u32 v8, $0x5;
	v53 =	vshrl.u32 v14, $0x5  }
0x1e: {  	[sflag:s8] =	ssyncadd.s32 $0xFFFFFF80;
	v54 =	vshrl.u32 v15, $0x5;
	v2 =	vmul.u32 $0x64, v2;
	v11 =	vshrl.u32 v11, $0x5  }
0x1f: {  	v56 =	vld [tilespmem:$0x30];
	v9 =	vsub.s32 v9, v10;
	v10 =	vmul.u32 $0x64, v54;
	v11 =	vmul.u32 $0x64, v11  }
0x20: {  	v17 =	vld [tilespmem:$0x40];
	v16 =	vshrl.u32 v16, $0x5;
	v58 =	vshrl.u32 v19, $0x5;
	v8 =	vmul.u32 $0x64, v8  }
0x21: {  	v2 =	vsub.s32 v1, v2;
	v7 =	vsub.s32 v7, v10;
	v1 =	vsub.s32 v4, v11;
	v11 =	vld [tilespmem:$0x10]  }
0x22: {  	v20 =	vld [tilespmem:$0x0];
	v62 =	vshrl.u32 v60, $0x5;
	v16 =	vmul.u32 $0x64, v16;
	v4 =	vmul.u32 $0x3E8, v7  }
0x23: {  	v23 =	vld [tilespmem:$0x20];
	v14 =	vmul.u32 $0x64, v58;
	v5 =	vsub.s32 v5, v8;
	v8 =	vmul.u32 $0x3E8, v9  }
0x24: {  	v61 =	vshrl.u32 v59, $0x5;
	v5 =	vmul.u32 $0x3E8, v5;
	v4 =	vadd.s32 v4, v56  }
0x25: {  	v13 =	vmul.u32 $0x64, v53;
	v3 =	vmul.u32 $0x3E8, v3;
	[tilespmem:$0x30] =	vst v4;
	v4 =	vadd.s32 v8, v17;
	v8 =	vld [tilespmem:$0x70]  }
0x26: {  	s24 =	sadd.s32 $0x4B060, s23;
	v63 =	vmul.u32 $0x64, v62;
	v6 =	vmul.u32 $0x3E8, v6;
	v5 =	vadd.s32 v5, v11;
	v11 =	vld [tilespmem:$0x50]  }
0x27: {  	v12 =	vsub.s32 v12, v13;
	v3 =	vadd.s32 v3, v20;
	v9 =	vor.u32 s24, v0;
	[tilespmem:$0x10] =	vst v5;
	v5 =	vld [tilespmem:$0x60]  }
0x28: {  	[tilespmem:$0x0] =	vst v3;
	v3 =	vadd.s32 v6, v23;
	v10 =	vmulhi.u32 $0x51EB851F, v9;
	v7 =	vmul.u32 $0x3E8, v1  }
0x29: {  	s26 =	sadd.s32 $0x4B070, s23;
	v2 =	vmul.u32 $0x3E8, v2;
	v12 =	vmul.u32 $0x3E8, v12;
	v6 =	vmul.u32 $0x64, v61;
	[tilespmem:$0x20] =	vst v3  }
0x2a: {  	v1 =	vor.u32 s26, v0;
	v10 =	vshrl.u32 v10, $0x5;
	[tilespmem:$0x40] =	vst v4;
	v7 =	vadd.s32 v7, v8  }
0x2b: {  	v4 =	vsub.s32 v55, v16;
	[tilespmem:$0x70] =	vst v7;
	v3 =	vadd.s32 v12, v11;
	v11 =	vshrl.u32 v25, $0x5  }
0x2c: {  	[tilespmem:$0x50] =	vst v3;
	v2 =	vadd.s32 v2, v5;
	v5 =	vsub.s32 v24, v6;
	v6 =	vmul.u32 $0x64, v11  }
0x2d: {  	v10 =	vmul.u32 $0x64, v10;
	v7 =	vmulhi.u32 $0x51EB851F, v1;
	v3 =	vmul.u32 $0x3E8, v4;
	[tilespmem:$0x60] =	vst v2  }
0x2e: {  	v2 =	vmul.u32 $0x3E8, v5;
	v5 =	vsub.s32 v21, v6;
	v6 =	vshrl.u32 v26, $0x5;
	[tilespmem:s9], [sflag:$0x1] =	stream.indirect.gather [hbm4b:s2+s9], $0x80, s3, s9, $0xb8;
	[tilespmem:$0x4080] =	vst v63  }
0x2f: {  	s17 =	sadd.s32 $0x10, s7;
	s16 =	smov.u32 s6;
	v4 =	vsub.s32 v22, v63;
	v11 =	vshrl.u32 v7, $0x5;
	v8 =	vmul.u32 $0x64, v6;
	_ =	swait.ge [sflag:s10], $0x4000  }
0x30: {  	s13 =	simm.s32 $0x100;
	s12 =	sadd.s32 $0x800, s6;
	v7 =	vsub.s32 v9, v10;
	v4 =	vmul.u32 $0x3E8, v4;
	v9 =	vmul.u32 $0x64, v11;
	[sflag:s10] =	ssyncset.done $0x0  }
0x31: {  	s15 =	sadd.s32 $0x10, s17;
	s14 =	sadd.s32 $0x800, s12;
	v6 =	vsub.s32 v57, v14;
	v5 =	vmul.u32 $0x3E8, v5;
	v8 =	vsub.s32 v18, v8;
	[sflag:s10] =	ssyncadd.s32 $0xFFFFC000  }
.LBB2_2:
0x32: {  	[hbm4b:s16+s3] =	stream.linear.scatter [tilespmem:s9], [sflag:$0x2], $0x4000, $0x38;
	[tilespmem:$0x4080] =	vst v63  }
0x33: {  	s18 =	smov.u32 s13;
	s16 =	smov.u32 s12;
	s12 =	smov.u32 s14  }
0x34: {  	p0 =	sne.s32 s13, $0xC00;
	s13 =	sadd.s32 $0x80, s13;
	v1 =	vsub.s32 v1, v9;
	_ =	swait.ge [sflag:s8], $0x4000  }
0x35: {  	[sflag:s8] =	ssyncset.done $0x0  }
0x36: {  	s18 =	sadd.s32 s18, s4;
	[sflag:s8] =	ssyncadd.s32 $0xFFFFC000  }
0x37: {  	[tilespmem:s3], [sflag:$0x2] =	stream.linear.gather [hbm4b:s17+s3], $0x80, $0x38;
	[tilespmem:$0x4080] =	vst v63  }
0x38: {  	s19 =	sadd.s32 $0x4B010, s18;
	s17 =	sadd.s32 $0x4B060, s18;
	_ =	swait.ge [sflag:s8], $0x80  }
0x39: {  	v8 =	vmul.u32 $0x3E8, v8;
	s20 =	sadd.s32 $0x4B000, s18;
	v10 =	vmul.u32 $0x3E8, v1;
	v9 =	vor.u32 s17, v0;
	s17 =	sadd.s32 $0x4B070, s18;
	[sflag:s8] =	ssyncset.done $0x0  }
0x3a: {  	v7 =	vmul.u32 $0x3E8, v7;
	s21 =	sadd.s32 $0x4B030, s18;
	v11 =	vmulhi.u32 $0x51EB851F, v9;
	v1 =	vor.u32 s17, v0;
	s17 =	smov.u32 s15;
	[sflag:s8] =	ssyncadd.s32 $0xFFFFFF80  }
0x3b: {  	v6 =	vmul.u32 $0x3E8, v6;
	v12 =	vor.u32 s20, v0;
	v13 =	vor.u32 s19, v0;
	s19 =	sadd.s32 $0x4B040, s18;
	s20 =	sadd.s32 $0x4B050, s18;
	v14 =	vld [tilespmem:$0x10]  }
0x3c: {  	v16 =	vor.u32 s21, v0;
	v15 =	vmulhi.u32 $0x51EB851F, v12;
	v11 =	vshrl.u32 v11, $0x5;
	v17 =	vld [tilespmem:$0x30]  }
0x3d: {  	v18 =	vmulhi.u32 $0x51EB851F, v13;
	v19 =	vor.u32 s19, v0;
	v20 =	vor.u32 s20, v0;
	s18 =	sadd.s32 $0x4B020, s18;
	v21 =	vld [tilespmem:$0x40]  }
0x3e: {  	v23 =	vmulhi.u32 $0x51EB851F, v19;
	v15 =	vshrl.u32 v15, $0x5;
	v22 =	vor.u32 s18, v0;
	v24 =	vld [tilespmem:$0x0]  }
0x3f: {  	v25 =	vmulhi.u32 $0x51EB851F, v16;
	v18 =	vshrl.u32 v18, $0x5;
	v15 =	vmul.u32 $0x64, v15;
	v26 =	vld [tilespmem:$0x20]  }
0x40: {  	v18 =	vmul.u32 $0x64, v18;
	v27 =	vmulhi.u32 $0x51EB851F, v22;
	v6 =	vadd.s32 v6, v14;
	v14 =	vld [tilespmem:$0x50]  }
0x41: {  	v12 =	vsub.s32 v12, v15;
	v15 =	vmulhi.u32 $0x51EB851F, v20;
	[tilespmem:$0x10] =	vst v6;
	v6 =	vadd.s32 v8, v17;
	v8 =	vld [tilespmem:$0x60]  }
0x42: {  	v12 =	vmul.u32 $0x3E8, v12;
	v17 =	vshrl.u32 v27, $0x5;
	[tilespmem:$0x30] =	vst v6;
	v5 =	vadd.s32 v5, v21;
	v6 =	vld [tilespmem:$0x70]  }
0x43: {  	v15 =	vshrl.u32 v15, $0x5;
	v17 =	vmul.u32 $0x64, v17;
	v21 =	vadd.s32 v3, v24;
	[tilespmem:$0x40] =	vst v5  }
0x44: {  	v15 =	vmul.u32 $0x64, v15;
	v5 =	vshrl.u32 v23, $0x5;
	v3 =	vmovc v12;
	[tilespmem:$0x0] =	vst v21;
	v2 =	vadd.s32 v2, v26  }
0x45: {  	v12 =	vsub.s32 v22, v17;
	v5 =	vmul.u32 $0x64, v5;
	[tilespmem:$0x20] =	vst v2;
	v4 =	vadd.s32 v4, v14  }
0x46: {  	v2 =	vmul.u32 $0x3E8, v12;
	v12 =	vsub.s32 v20, v15;
	[tilespmem:$0x50] =	vst v4;
	v7 =	vadd.s32 v7, v8  }
0x47: {  	v5 =	vsub.s32 v19, v5;
	v4 =	vmul.u32 $0x3E8, v12;
	[tilespmem:$0x60] =	vst v7;
	v7 =	vadd.s32 v10, v6  }
.Ltmp0:
0x48: {  	v8 =	vshrl.u32 v25, $0x5;
	v6 =	vsub.s32 v13, v18;
	v5 =	vmul.u32 $0x3E8, v5;
	[tilespmem:$0x70] =	vst v7;
	(pc) =	sbr.rel @p0 .LBB2_2-.Ltmp0, $4  }
0x49: {  	v10 =	vmul.u32 $0x64, v11;
	v11 =	vmulhi.u32 $0x51EB851F, v1;
	v7 =	vmul.u32 $0x64, v8;
	[tilespmem:s9], [sflag:$0x1] =	stream.indirect.gather [hbm4b:s2+s9], $0x80, s3, s9, $0xb8;
	[tilespmem:$0x4080] =	vst v63  }
0x4a: {  	_ =	swait.ge [sflag:s10], $0x4000  }
0x4b: {  	v8 =	vsub.s32 v16, v7;
	v7 =	vsub.s32 v9, v10;
	v9 =	vshrl.u32 v11, $0x5;
	[sflag:s10] =	ssyncset.done $0x0  }
0x4c: {  	s14 =	sadd.s32 $0x800, s14;
	s15 =	sadd.s32 $0x10, s15;
	v9 =	vmul.u32 $0x64, v9;
	[sflag:s10] =	ssyncadd.s32 $0xFFFFC000  }
0x4d: {  	[hbm4b:s16+s3] =	stream.linear.scatter [tilespmem:s9], [sflag:$0x2], $0x4000, $0x38;
	[tilespmem:$0x4080] =	vst v63  }
0x4e: {  	_ =	swait.ge [sflag:s8], $0x4000  }
0x4f: {  	[sflag:s8] =	ssyncset.done $0x0  }
0x50: {  	[sflag:s8] =	ssyncadd.s32 $0xFFFFC000  }
0x51: {  	[tilespmem:s3], [sflag:$0x2] =	stream.linear.gather [hbm4b:s17+s3], $0x80, $0x38;
	[tilespmem:$0x4080] =	vst v63  }
0x52: {  	_ =	swait.ge [sflag:s8], $0x80  }
0x53: {  	[sflag:s8] =	ssyncset.done $0x0  }
0x54: {  	[sflag:s8] =	ssyncadd.s32 $0xFFFFFF80  }
0x55: {  	v10 =	vld [tilespmem:$0x10]  }
0x56: {  	v11 =	vld [tilespmem:$0x30]  }
0x57: {  	v12 =	vld [tilespmem:$0x40]  }
0x58: {  	v6 =	vmul.u32 $0x3E8, v6;
	v13 =	vld [tilespmem:$0x0]  }
0x59: {  	v8 =	vmul.u32 $0x3E8, v8;
	v14 =	vld [tilespmem:$0x20]  }
0x5a: {  	v62 =	vld [tilespmem:$0x70];
	v6 =	vadd.s32 v6, v10  }
0x5b: {  	v59 =	vld [tilespmem:$0x50];
	v60 =	vadd.s32 v8, v11;
	[tilespmem:$0x10] =	vst v6  }
0x5c: {  	v1 =	vsub.s32 v1, v9;
	v61 =	vld [tilespmem:$0x60];
	v5 =	vadd.s32 v5, v12;
	[tilespmem:$0x30] =	vst v60  }
0x5d: {  	v1 =	vmul.u32 $0x3E8, v1;
	v3 =	vadd.s32 v3, v13;
	[tilespmem:$0x40] =	vst v5  }
0x5e: {  	v2 =	vadd.s32 v2, v14;
	[tilespmem:$0x0] =	vst v3  }
0x5f: {  	v63 =	vmul.u32 $0x3E8, v7;
	v1 =	vadd.s32 v1, v62;
	[tilespmem:$0x20] =	vst v2  }
0x60: {  	v2 =	vadd.s32 v4, v59;
	[tilespmem:$0x70] =	vst v1  }
0x61: {  	[tilespmem:$0x50] =	vst v2;
	v2 =	vadd.s32 v63, v61  }
0x62: {  	[tilespmem:$0x60] =	vst v2  }
0x63: {  	[tilespmem:s9], [sflag:$0x1] =	stream.indirect.gather [hbm4b:s2+s9], $0x80, s3, s9, $0xb8;
	[tilespmem:$0x4080] =	vst v63  }
0x64: {  	s11 =	sadd.s32 $0x1, s11;
	_ =	swait.ge [sflag:s10], $0x4000  }
0x65: {  	p0 =	sne.s32 s11, s5;
	[sflag:s10] =	ssyncset.done $0x0  }
.Ltmp1:
0x66: {  	[sflag:s10] =	ssyncadd.s32 $0xFFFFC000;
	(pc) =	sbr.rel @p0 .LBB2_1-.Ltmp1, $4  }
0x67: {  	[hbm4b:s12+s3] =	stream.linear.scatter [tilespmem:s9], [sflag:$0x2], $0x4000, $0x38;
	[tilespmem:$0x4080] =	vst v63  }
0x68: {  	_ =	swait.ge [sflag:s8], $0x4000  }
0x69: {  	[sflag:s8] =	ssyncset.done $0x0  }
0x6a: {  	[sflag:s8] =	ssyncadd.s32 $0xFFFFC000  }
0x6b: {  	_ =	sfence.sel $0x180000  }
0x6c: {  	[bflag:$0x0] =	sbarrier.arrive $0xFFFF  }
0x6d: {  	p0 =	sne.s32 s0, $0x0;
	_ =	strace $0x90000050  }
0x6e: {  	s0 =	sadd.s32 @!p0 $0x100000, s1;
	[bflag:$0x2] =	sbarrier.arrive $0xFFFF  }
0x6f: {  	[sflag:s0] =	ssyncadd.tile.s32 @!p0 $0x1;
	_ =	shalt  }
.Lfunc_end2:
_tile_overlayer_lowered:
.L_overlay_start_2:
0x70: {  	(tag) =	ssettag $0x2  }
0x71: {  	s0 =	rddreg [dreg:$0x0];
	s2 =	stileid.u32  }
0x72: {  	s1 =	rddreg [dreg:$0x1];
	p0 =	sne.s32 s2, $0x0  }
0x73: {  	s3 =	rddreg [dreg:$0x2];
	[bflag:$0x3] =	sbarrier.arrive $0xFFFF;
	s2 =	simm.s32 @!p0 $0x1C02  }
0x74: {  	[timem:s3], [sflag:s2] =	dma.local @!p0 [hbm:s0], s1  }
0x75: {  	s0 =	simm.s32 @!p0 $0x2  }
0x76: {  	_ =	swait.ge @!p0 [sflag:s0], s1  }
0x77: {  	s1 =	ssub.s32 @!p0 $0x0, s1;
	[sflag:s0] =	ssyncset.done @!p0 $0x0  }
0x78: {  	[sflag:s0] =	ssyncadd.s32 @!p0 s1  }
0x79: {  	[bflag:$0x3] =	sbarrier.arrive $0xFFFF  }
0x7a: {  	_ =	shalt  }

</sc_bundles>
